<compile_context>
chip_gen: v7x
topology: tpu7x:2x2x1
jax: 0.10.2.dev20260603
libtpu: 0.0.44.dev20260713+nightly
codegen_flags: <defaults>
</compile_context>

<pallas_src>
import functools

import jax
import jax.numpy as jnp
from jax import lax
from jax.experimental import pallas as pl
from jax.experimental.pallas import tpu as pltpu
from jax.experimental.pallas import tpu_sc as plsc

B, T, N, F = 4, 24, 1000, 8
D = 128
E = 3000
SNAP = B * T
NPAD = 1024
EPAD = 3072
WCOL = SNAP * F
EPT = EPAD // 32
RPT = NPAD // 16


def _prep_body(x_ref, g_ref, b_ref, o_ref):
    val = x_ref[...]
    parts = []
    for tl in range(4):
        for b in range(4):
            parts.append(val[b, tl])
    xc = jnp.concatenate(parts, axis=1)
    xc = jnp.concatenate([xc, jnp.zeros((NPAD - N, 16 * F), jnp.float32)],
                         axis=0)
    gi = lax.broadcasted_iota(jnp.int32, (16 * F, 16 * F), 0) // F
    gj = lax.broadcasted_iota(jnp.int32, (16 * F, 16 * F), 1) // F
    gm = jnp.where(gi == gj, 1.0 / F, 0.0)
    mu = jnp.dot(xc, gm, preferred_element_type=jnp.float32)
    s2 = jnp.dot(xc * xc, gm, preferred_element_type=jnp.float32)
    var = s2 - mu * mu
    o_ref[...] = ((xc - mu) * lax.rsqrt(var + 1e-5) * g_ref[...]
                  + b_ref[...])


def _prep(x4, gtile, btile):
    return pl.pallas_call(
        _prep_body,
        grid=(WCOL // (16 * F),),
        in_specs=[
            pl.BlockSpec((B, 4, N, F), lambda q: (0, q, 0, 0)),
            pl.BlockSpec((1, 16 * F), lambda q: (0, 0)),
            pl.BlockSpec((1, 16 * F), lambda q: (0, 0)),
        ],
        out_specs=pl.BlockSpec((NPAD, 16 * F), lambda q: (0, q)),
        out_shape=jax.ShapeDtypeStruct((NPAD, WCOL), jnp.float32),
    )(x4, gtile, btile)


def _stats_body(src_ref, dst_ref, s_ref, w_ref):
    iii = lax.broadcasted_iota(jnp.int32, (NPAD, 1), 0)
    iif = iii.astype(jnp.float32)
    ost = (iif == src_ref[...]).astype(jnp.bfloat16)
    odt = (iif == dst_ref[...]).astype(jnp.bfloat16)
    at = lax.dot_general(ost, odt, (((1,), (1,)), ((), ())),
                         preferred_element_type=jnp.float32)
    ones_col = jnp.ones((NPAD, 1), jnp.float32)
    deg = lax.dot_general(at, ones_col, (((0,), (0,)), ((), ())),
                          preferred_element_type=jnp.float32)
    s = 1.0 / (deg + 1.0)
    wext = jnp.dot(at, s, preferred_element_type=jnp.float32)
    w = jnp.where(iii < N, s + wext, 0.0)
    s_ref[...] = s
    w_ref[...] = w


def _graph_stats(srcf, dstf):
    return pl.pallas_call(
        _stats_body,
        in_specs=[
            pl.BlockSpec((1, EPAD), lambda: (0, 0)),
            pl.BlockSpec((1, EPAD), lambda: (0, 0)),
        ],
        out_specs=[
            pl.BlockSpec((NPAD, 1), lambda: (0, 0)),
            pl.BlockSpec((NPAD, 1), lambda: (0, 0)),
        ],
        out_shape=[
            jax.ShapeDtypeStruct((NPAD, 1), jnp.float32),
            jax.ShapeDtypeStruct((NPAD, 1), jnp.float32),
        ],
    )(srcf, dstf)


def _sc_edge_body(x_hbm, src_hbm, dst_hbm, out_hbm,
                  idx_s, idx_d, rows, sem, sem2):
    c = lax.axis_index("c")
    sc = lax.axis_index("s")
    base = (c * 16 + sc) * EPT
    zv = jnp.zeros((16,), jnp.float32)

    def _zrow(r, _):
        for j in range(WCOL // 16):
            rows[r, pl.ds(j * 16, 16)] = zv
        return 0

    lax.fori_loop(0, RPT, _zrow, 0)
    pltpu.sync_copy(rows.at[pl.ds(0, RPT)],
                    out_hbm.at[c, pl.ds(sc * RPT, RPT)])
    pltpu.sync_copy(src_hbm.at[pl.ds(base, EPT)], idx_s)
    pltpu.sync_copy(dst_hbm.at[pl.ds(base, EPT)], idx_d)
    pltpu.async_copy(x_hbm.at[idx_s], rows, sem).wait()
    plsc.subcore_barrier()
    pltpu.async_copy(rows, out_hbm.at[c].at[idx_d], sem2, add=True).wait()


def _sc_edge_agg(x_all, src_i, dst_i):
    mesh = plsc.VectorSubcoreMesh(core_axis_name="c", subcore_axis_name="s")
    fn = functools.partial(
        pl.kernel,
        out_type=jax.ShapeDtypeStruct((2, NPAD, WCOL), jnp.float32),
        mesh=mesh,
        scratch_types=[
            pltpu.VMEM((EPT,), jnp.int32),
            pltpu.VMEM((EPT,), jnp.int32),
            pltpu.VMEM((EPT, WCOL), jnp.float32),
            pltpu.SemaphoreType.DMA,
            pltpu.SemaphoreType.DMA,
        ],
    )(_sc_edge_body)
    return fn(x_all, src_i, dst_i)


def _nodemlp_body(x_ref, m_ref, s_ref, w_ref, w1_ref, b1_ref, o_ref):
    agg = (x_ref[...] + m_ref[0] + m_ref[1]) * s_ref[...]
    h = jnp.dot(agg, w1_ref[...], preferred_element_type=jnp.float32)
    h = jnp.maximum(h + b1_ref[...], 0.0)
    p = jnp.sum(w_ref[...] * h, axis=0, keepdims=True)
    o_ref[...] = p.reshape(1, 1, 16 * D)


def _node_mlp(x_all, m2, s, w, w1big, b1big):
    nq = WCOL // D
    return pl.pallas_call(
        _nodemlp_body,
        grid=(nq,),
        in_specs=[
            pl.BlockSpec((NPAD, D), lambda q: (0, q)),
            pl.BlockSpec((2, NPAD, D), lambda q: (0, 0, q)),
            pl.BlockSpec((NPAD, 1), lambda q: (0, 0)),
            pl.BlockSpec((NPAD, 1), lambda q: (0, 0)),
            pl.BlockSpec((D, 16 * D), lambda q: (0, 0)),
            pl.BlockSpec((1, 16 * D), lambda q: (0, 0)),
        ],
        out_specs=pl.BlockSpec((1, 1, 16 * D), lambda q: (q, 0, 0)),
        out_shape=jax.ShapeDtypeStruct((nq, 1, 16 * D), jnp.float32),
    )(x_all, m2, s, w, w1big, b1big)


def _rnn_body(p_ref, w2_ref, b2_ref,
              wih0_ref, whh0_ref, b0_ref,
              w11_ref, b1r_ref,
              btab_ref, bidx_ref,
              wh1_ref, bh1_ref, wh2_ref, bh2_ref, wh3_ref, bh3_ref,
              o_ref):
    whh0 = whh0_ref[...]
    b0 = b0_ref[...]
    w11 = w11_ref[...]
    b1r = b1r_ref[...]

    emb = (jnp.dot(p_ref[...] * (1.0 / N), w2_ref[...],
                   preferred_element_type=jnp.float32) + b2_ref[...])
    x1 = jnp.dot(emb, wih0_ref[...],
                 preferred_element_type=jnp.float32)

    def gates(g, c):
        i = jax.nn.sigmoid(g[:, 0:D])
        f = jax.nn.sigmoid(g[:, D:2 * D])
        gg = jnp.tanh(g[:, 2 * D:3 * D])
        o = jax.nn.sigmoid(g[:, 3 * D:4 * D])
        cn = f * c + i * gg
        return o * jnp.tanh(cn), cn

    z = jnp.zeros((B, D), jnp.float32)
    h1, c1, h2, c2 = z, z, z, z
    for t in range(T):
        g1 = (x1[4 * t:4 * t + 4]
              + jnp.dot(h1, whh0, preferred_element_type=jnp.float32) + b0)
        h1, c1 = gates(g1, c1)
        hcat = jnp.concatenate([h1, h2], axis=1)
        g2 = jnp.dot(hcat, w11, preferred_element_type=jnp.float32) + b1r
        h2, c2 = gates(g2, c2)

    idx = bidx_ref[0, 0]
    sel = (lax.broadcasted_iota(jnp.int32, (4, 1), 0) == idx)
    bemb = jnp.sum(btab_ref[...] * sel.astype(jnp.float32),
                   axis=0, keepdims=True)
    comb = h2 + bemb
    a1 = jnp.dot(comb, wh1_ref[...], preferred_element_type=jnp.float32)
    a1 = a1 + bh1_ref[...]
    a1 = a1 * jax.nn.sigmoid(a1)
    a2 = jnp.dot(a1, wh2_ref[...], preferred_element_type=jnp.float32)
    a2 = a2 + bh2_ref[...]
    a2 = a2 * jax.nn.sigmoid(a2)
    pred = jnp.dot(a2, wh3_ref[...], preferred_element_type=jnp.float32)
    pred = pred + bh3_ref[...]
    sp = jnp.log(1.0 + jnp.exp(-jnp.abs(pred))) + jnp.maximum(pred, 0.0)
    o_ref[...] = sp + 1e-6


def _rnn_head(pflat, w2, b2, wih0t, whh0t, b0, w11, b1r,
              btab, bidx, wh1, bh1, wh2, bh2, wh3p, bh3p):
    full = lambda shape: pl.BlockSpec(shape, lambda: tuple(0 for _ in shape))
    return pl.pallas_call(
        _rnn_body,
        in_specs=[
            full((SNAP, D)),
            full((D, D)), full((1, D)),
            full((D, 4 * D)), full((D, 4 * D)), full((1, 4 * D)),
            full((2 * D, 4 * D)), full((1, 4 * D)),
            full((4, D)),
            pl.BlockSpec(memory_space=pltpu.SMEM),
            full((D, D)), full((1, D)),
            full((D, 64)), full((1, 64)),
            full((64, D)), full((1, D)),
        ],
        out_specs=full((B, D)),
        out_shape=jax.ShapeDtypeStruct((B, D), jnp.float32),
    )(pflat, w2, b2, wih0t, whh0t, b0, w11, b1r,
      btab, bidx, wh1, bh1, wh2, bh2, wh3p, bh3p)


def kernel(snapshot_sequence, edge_index, branch_idx, gamma, beta,
           W1, b1, W2, b2, Wih0, Whh0, bih0, bhh0, Wih1, Whh1, bih1, bhh1,
           branch_table, Wh1, bh1, Wh2, bh2, Wh3, bh3):
    f32 = jnp.float32

    gtile = jnp.tile(gamma, 16).reshape(1, 16 * F)
    btile = jnp.tile(beta, 16).reshape(1, 16 * F)
    x_all = _prep(snapshot_sequence, gtile, btile)

    src_i = jnp.concatenate(
        [edge_index[0], jnp.full((EPAD - E,), NPAD - 1, jnp.int32)])
    dst_i = jnp.concatenate(
        [edge_index[1], jnp.full((EPAD - E,), NPAD - 1, jnp.int32)])

    s, w = _graph_stats(src_i.astype(f32).reshape(1, EPAD),
                        dst_i.astype(f32).reshape(1, EPAD))

    m2 = _sc_edge_agg(x_all, src_i, dst_i)

    w1big = jnp.kron(jnp.eye(16, dtype=f32), W1)
    b1big = jnp.tile(b1, 16).reshape(1, 16 * D)
    pst = _node_mlp(x_all, m2, s, w, w1big, b1big)
    pflat = pst.reshape(SNAP, D)

    bidx = jnp.asarray(branch_idx, jnp.int32).reshape(1, 1)
    wh3p = jnp.pad(Wh3, ((0, 0), (0, D - 2)))
    bh3p = jnp.pad(bh3, (0, D - 2)).reshape(1, D)
    w11 = jnp.concatenate([Wih1.T, Whh1.T], axis=0)
    out = _rnn_head(
        pflat, W2, b2.reshape(1, D),
        Wih0.T, Whh0.T, (bih0 + bhh0).reshape(1, 4 * D),
        w11, (bih1 + bhh1).reshape(1, 4 * D),
        branch_table, bidx,
        Wh1, bh1.reshape(1, D), Wh2, bh2.reshape(1, 64),
        wh3p, bh3p)
    return out[:, :2]

# --- scband reference (transcript-rebuilt; emitter-appended) ---
"""Pipeline reference for scband-multi-branch-graph-mamba-24584392802972 (READ-ONLY COPY).

The authoritative reference and input builder live on the scoring server;
editing this copy changes nothing except your own understanding.
"""

import jax, jax.numpy as jnp
import numpy as np

B, T, N, F = 4, 24, 1000, 8
D = 128
E = 3000
NB = 4

def setup_inputs(seed: int = 0):
    key = jax.random.key(seed)
    def k(i):
        return jax.random.fold_in(key, i)
    def p(i, shape, s):
        return jax.random.normal(k(i), shape, dtype=jnp.float32) * s
    inp = {}
    inp["snapshot_sequence"] = jax.random.normal(k(0), (B, T, N, F), dtype=jnp.float32)
    inp["edge_index"] = jax.random.randint(k(1), (2, E), 0, N, dtype=jnp.int32)
    inp["branch_idx"] = 0
    inp["gamma"] = jnp.ones((F,), dtype=jnp.float32)
    inp["beta"] = jnp.zeros((F,), dtype=jnp.float32)
    inp["W1"] = p(2, (F, D), 0.3)
    inp["b1"] = jnp.zeros((D,), dtype=jnp.float32)
    inp["W2"] = p(3, (D, D), 0.08)
    inp["b2"] = jnp.zeros((D,), dtype=jnp.float32)
    inp["Wih0"] = p(4, (4 * D, D), 0.08)
    inp["Whh0"] = p(5, (4 * D, D), 0.08)
    inp["bih0"] = jnp.zeros((4 * D,), dtype=jnp.float32)
    inp["bhh0"] = jnp.zeros((4 * D,), dtype=jnp.float32)
    inp["Wih1"] = p(6, (4 * D, D), 0.08)
    inp["Whh1"] = p(7, (4 * D, D), 0.08)
    inp["bih1"] = jnp.zeros((4 * D,), dtype=jnp.float32)
    inp["bhh1"] = jnp.zeros((4 * D,), dtype=jnp.float32)
    inp["branch_table"] = p(8, (NB, D), 0.1)
    inp["Wh1"] = p(9, (D, 128), 0.08)
    inp["bh1"] = jnp.zeros((128,), dtype=jnp.float32)
    inp["Wh2"] = p(10, (128, 64), 0.1)
    inp["bh2"] = jnp.zeros((64,), dtype=jnp.float32)
    inp["Wh3"] = p(11, (64, 2), 0.15)
    inp["bh3"] = jnp.zeros((2,), dtype=jnp.float32)
    return inp

def _lstm(x, Wih, Whh, bih, bhh):
    Bb = x.shape[0]
    H = Whh.shape[1]
    xt = jnp.transpose(x, (1, 0, 2))
    def step(carry, xts):
        h, c = carry
        gates = xts @ Wih.T + h @ Whh.T + bih + bhh
        i, f, g, o = jnp.split(gates, 4, axis=-1)
        i = jax.nn.sigmoid(i)
        f = jax.nn.sigmoid(f)
        g = jnp.tanh(g)
        o = jax.nn.sigmoid(o)
        c = f * c + i * g
        h = o * jnp.tanh(c)
        return (h, c), h
    init = (jnp.zeros((Bb, H), dtype=x.dtype), jnp.zeros((Bb, H), dtype=x.dtype))
    _, ys = jax.lax.scan(step, init, xt)
    return jnp.transpose(ys, (1, 0, 2))

def reference(snapshot_sequence, edge_index, branch_idx, gamma, beta, W1, b1, W2, b2, Wih0, Whh0, bih0, bhh0, Wih1, Whh1, bih1, bhh1, branch_table, Wh1, bh1, Wh2, bh2, Wh3, bh3):
    Bb, Tt, Nn, Ff = snapshot_sequence.shape
    mu = jnp.mean(snapshot_sequence, axis=-1, keepdims=True)
    var = jnp.var(snapshot_sequence, axis=-1, keepdims=True)
    x = (snapshot_sequence - mu) / jnp.sqrt(var + 1e-05) * gamma + beta
    BT = Bb * Tt
    flat = x.reshape(BT * Nn, Ff)
    Ee = edge_index.shape[1]
    offsets = jnp.repeat(jnp.arange(BT, dtype=edge_index.dtype) * Nn, Ee)
    ei = jnp.tile(edge_index, (1, BT)) + offsets[None, :]
    src = ei[0]
    dst = ei[1]
    Ntot = BT * Nn
    deg = jax.ops.segment_sum(jnp.ones((src.shape[0],), dtype=jnp.float32), dst, num_segments=Ntot)
    def gconv(h, W, b):
        m = jax.ops.segment_sum(h[src], dst, num_segments=Ntot)
        agg = (h + m) / (deg[:, None] + 1.0)
        return agg @ W + b
    h = jax.nn.relu(gconv(flat, W1, b1))
    h = gconv(h, W2, b2)
    emb = h.reshape(BT, Nn, -1).mean(axis=1).reshape(Bb, Tt, -1)
    out1 = _lstm(emb, Wih0, Whh0, bih0, bhh0)
    out2 = _lstm(out1, Wih1, Whh1, bih1, bhh1)
    final = out2[:, -1, :]
    bidx = jnp.full((Bb,), branch_idx, dtype=jnp.int32)
    bemb = branch_table[bidx]
    combined = final + bemb
    h1 = jax.nn.silu(combined @ Wh1 + bh1)
    h2 = jax.nn.silu(h1 @ Wh2 + bh2)
    pred = h2 @ Wh3 + bh3
    return jax.nn.softplus(pred) + 1e-06

if __name__ == "__main__":
    import jax
    _d = setup_inputs()
    print(jax.jit(kernel)(*tuple(_d.values())))

</pallas_src>

<mosaic_0001>
#map = affine_map<(d0, d1) -> (0, 0)>
#map1 = affine_map<(d0, d1) -> (0)>
#map2 = affine_map<(d0, d1) -> (0, 0, 0)>
module attributes {stable_mosaic.version = 14 : i64} {
  func.func @_sc_edge_body(%arg0: i32, %arg1: i32, %arg2: memref<1024x768xf32, #tpu.memory_space<hbm>>, %arg3: memref<3072xi32, #tpu.memory_space<hbm>>, %arg4: memref<3072xi32, #tpu.memory_space<hbm>>, %arg5: memref<2x1024x768xf32, #tpu.memory_space<hbm>>, %arg6: memref<96xi32, #tpu.memory_space<vmem>>, %arg7: memref<96xi32, #tpu.memory_space<vmem>>, %arg8: memref<96x768xf32, #tpu.memory_space<vmem>>, %arg9: memref<!tpu.dma_semaphore, #tpu.memory_space<semaphore_mem>>, %arg10: memref<!tpu.dma_semaphore, #tpu.memory_space<semaphore_mem>>) attributes {dimension_semantics = [#tpu.dimension_semantics<core_parallel>, #tpu.dimension_semantics<subcore_parallel>], iteration_bounds = array<i64: 2, 16>, scalar_prefetch = 0 : i64, scratch_operands = 5 : i64, tpu.core_type = #tpu.core_type<sc_vector_subcore>, window_params = [{transform_indices = #map}, {transform_indices = #map1}, {transform_indices = #map1}, {transform_indices = #map2}]} {
    %mul3A = arith.constant 16 : i32
    %mul3A_0 = arith.muli %arg0, %mul3A : i32
    %add3A = arith.addi %mul3A_0, %arg1 : i32
    %mul3A_1 = arith.constant 96 : i32
    %mul3A_2 = arith.muli %add3A, %mul3A_1 : i32
    %broadcast_in_dim3A = arith.constant 0.000000e+00 : f32
    %broadcast_in_dim3A_3 = vector.broadcast %broadcast_in_dim3A : f32 to vector<16xf32>
    %scan3A = arith.constant 0 : i32
    %scan3A_4 = arith.constant 0 : i32
    %scan3A_5 = arith.constant 64 : i32
    %scan3A_6 = arith.addi %scan3A_4, %scan3A_5 : i32
    %scan3A_7 = arith.constant 1 : i32
    %scan3A_8 = scf.for %scan3A_30 = %scan3A_4 to %scan3A_6 step %scan3A_7 iter_args(%scan3A_31 = %scan3A) -> (i32)  : i32 {
      %swap3A = arith.index_cast %scan3A_30 : i32 to index
      %swap3A_32 = arith.constant 0 : index
      %swap3A_33 = tpu.vector_load %arg8[%swap3A, %swap3A_32] {strides = array<i32>} : memref<96x768xf32, #tpu.memory_space<vmem>>, vector<1x16xf32>,
      %swap3A_34 = vector.shape_cast %swap3A_33 : vector<1x16xf32> to vector<16xf32>
      %swap3A_35 = vector.shape_cast %broadcast_in_dim3A_3 : vector<16xf32> to vector<1x16xf32>
      tpu.vector_store %arg8[%swap3A, %swap3A_32], %swap3A_35 {strides = array<i32>} : memref<96x768xf32, #tpu.memory_space<vmem>>, vector<1x16xf32>,
      %swap3A_36 = arith.index_cast %scan3A_30 : i32 to index
      %swap3A_37 = arith.constant 16 : index
      %swap3A_38 = tpu.vector_load %arg8[%swap3A_36, %swap3A_37] {strides = array<i32>} : memref<96x768xf32, #tpu.memory_space<vmem>>, vector<1x16xf32>,
      %swap3A_39 = vector.shape_cast %swap3A_38 : vector<1x16xf32> to vector<16xf32>
      %swap3A_40 = vector.shape_cast %broadcast_in_dim3A_3 : vector<16xf32> to vector<1x16xf32>
      tpu.vector_store %arg8[%swap3A_36, %swap3A_37], %swap3A_40 {strides = array<i32>} : memref<96x768xf32, #tpu.memory_space<vmem>>, vector<1x16xf32>,
      %swap3A_41 = arith.index_cast %scan3A_30 : i32 to index
      %swap3A_42 = arith.constant 32 : index
      %swap3A_43 = tpu.vector_load %arg8[%swap3A_41, %swap3A_42] {strides = array<i32>} : memref<96x768xf32, #tpu.memory_space<vmem>>, vector<1x16xf32>,
      %swap3A_44 = vector.shape_cast %swap3A_43 : vector<1x16xf32> to vector<16xf32>
      %swap3A_45 = vector.shape_cast %broadcast_in_dim3A_3 : vector<16xf32> to vector<1x16xf32>
      tpu.vector_store %arg8[%swap3A_41, %swap3A_42], %swap3A_45 {strides = array<i32>} : memref<96x768xf32, #tpu.memory_space<vmem>>, vector<1x16xf32>,
      %swap3A_46 = arith.index_cast %scan3A_30 : i32 to index
      %swap3A_47 = arith.constant 48 : index
      %swap3A_48 = tpu.vector_load %arg8[%swap3A_46, %swap3A_47] {strides = array<i32>} : memref<96x768xf32, #tpu.memory_space<vmem>>, vector<1x16xf32>,
      %swap3A_49 = vector.shape_cast %swap3A_48 : vector<1x16xf32> to vector<16xf32>
      %swap3A_50 = vector.shape_cast %broadcast_in_dim3A_3 : vector<16xf32> to vector<1x16xf32>
      tpu.vector_store %arg8[%swap3A_46, %swap3A_47], %swap3A_50 {strides = array<i32>} : memref<96x768xf32, #tpu.memory_space<vmem>>, vector<1x16xf32>,
      %swap3A_51 = arith.index_cast %scan3A_30 : i32 to index
      %swap3A_52 = arith.constant 64 : index
      %swap3A_53 = tpu.vector_load %arg8[%swap3A_51, %swap3A_52] {strides = array<i32>} : memref<96x768xf32, #tpu.memory_space<vmem>>, vector<1x16xf32>,
      %swap3A_54 = vector.shape_cast %swap3A_53 : vector<1x16xf32> to vector<16xf32>
      %swap3A_55 = vector.shape_cast %broadcast_in_dim3A_3 : vector<16xf32> to vector<1x16xf32>
      tpu.vector_store %arg8[%swap3A_51, %swap3A_52], %swap3A_55 {strides = array<i32>} : memref<96x768xf32, #tpu.memory_space<vmem>>, vector<1x16xf32>,
      %swap3A_56 = arith.index_cast %scan3A_30 : i32 to index
      %swap3A_57 = arith.constant 80 : index
      %swap3A_58 = tpu.vector_load %arg8[%swap3A_56, %swap3A_57] {strides = array<i32>} : memref<96x768xf32, #tpu.memory_space<vmem>>, vector<1x16xf32>,
      %swap3A_59 = vector.shape_cast %swap3A_58 : vector<1x16xf32> to vector<16xf32>
      %swap3A_60 = vector.shape_cast %broadcast_in_dim3A_3 : vector<16xf32> to vector<1x16xf32>
      tpu.vector_store %arg8[%swap3A_56, %swap3A_57], %swap3A_60 {strides = array<i32>} : memref<96x768xf32, #tpu.memory_space<vmem>>, vector<1x16xf32>,
      %swap3A_61 = arith.index_cast %scan3A_30 : i32 to index
      %swap3A_62 = arith.constant 96 : index
      %swap3A_63 = tpu.vector_load %arg8[%swap3A_61, %swap3A_62] {strides = array<i32>} : memref<96x768xf32, #tpu.memory_space<vmem>>, vector<1x16xf32>,
      %swap3A_64 = vector.shape_cast %swap3A_63 : vector<1x16xf32> to vector<16xf32>
      %swap3A_65 = vector.shape_cast %broadcast_in_dim3A_3 : vector<16xf32> to vector<1x16xf32>
      tpu.vector_store %arg8[%swap3A_61, %swap3A_62], %swap3A_65 {strides = array<i32>} : memref<96x768xf32, #tpu.memory_space<vmem>>, vector<1x16xf32>,
      %swap3A_66 = arith.index_cast %scan3A_30 : i32 to index
      %swap3A_67 = arith.constant 112 : index
      %swap3A_68 = tpu.vector_load %arg8[%swap3A_66, %swap3A_67] {strides = array<i32>} : memref<96x768xf32, #tpu.memory_space<vmem>>, vector<1x16xf32>,
      %swap3A_69 = vector.shape_cast %swap3A_68 : vector<1x16xf32> to vector<16xf32>
      %swap3A_70 = vector.shape_cast %broadcast_in_dim3A_3 : vector<16xf32> to vector<1x16xf32>
      tpu.vector_store %arg8[%swap3A_66, %swap3A_67], %swap3A_70 {strides = array<i32>} : memref<96x768xf32, #tpu.memory_space<vmem>>, vector<1x16xf32>,
      %swap3A_71 = arith.index_cast %scan3A_30 : i32 to index
      %swap3A_72 = arith.constant 128 : index
      %swap3A_73 = tpu.vector_load %arg8[%swap3A_71, %swap3A_72] {strides = array<i32>} : memref<96x768xf32, #tpu.memory_space<vmem>>, vector<1x16xf32>,
      %swap3A_74 = vector.shape_cast %swap3A_73 : vector<1x16xf32> to vector<16xf32>
      %swap3A_75 = vector.shape_cast %broadcast_in_dim3A_3 : vector<16xf32> to vector<1x16xf32>
      tpu.vector_store %arg8[%swap3A_71, %swap3A_72], %swap3A_75 {strides = array<i32>} : memref<96x768xf32, #tpu.memory_space<vmem>>, vector<1x16xf32>,
      %swap3A_76 = arith.index_cast %scan3A_30 : i32 to index
      %swap3A_77 = arith.constant 144 : index
      %swap3A_78 = tpu.vector_load %arg8[%swap3A_76, %swap3A_77] {strides = array<i32>} : memref<96x768xf32, #tpu.memory_space<vmem>>, vector<1x16xf32>,
      %swap3A_79 = vector.shape_cast %swap3A_78 : vector<1x16xf32> to vector<16xf32>
      %swap3A_80 = vector.shape_cast %broadcast_in_dim3A_3 : vector<16xf32> to vector<1x16xf32>
      tpu.vector_store %arg8[%swap3A_76, %swap3A_77], %swap3A_80 {strides = array<i32>} : memref<96x768xf32, #tpu.memory_space<vmem>>, vector<1x16xf32>,
      %swap3A_81 = arith.index_cast %scan3A_30 : i32 to index
      %swap3A_82 = arith.constant 160 : index
      %swap3A_83 = tpu.vector_load %arg8[%swap3A_81, %swap3A_82] {strides = array<i32>} : memref<96x768xf32, #tpu.memory_space<vmem>>, vector<1x16xf32>,
      %swap3A_84 = vector.shape_cast %swap3A_83 : vector<1x16xf32> to vector<16xf32>
      %swap3A_85 = vector.shape_cast %broadcast_in_dim3A_3 : vector<16xf32> to vector<1x16xf32>
      tpu.vector_store %arg8[%swap3A_81, %swap3A_82], %swap3A_85 {strides = array<i32>} : memref<96x768xf32, #tpu.memory_space<vmem>>, vector<1x16xf32>,
      %swap3A_86 = arith.index_cast %scan3A_30 : i32 to index
      %swap3A_87 = arith.constant 176 : index
      %swap3A_88 = tpu.vector_load %arg8[%swap3A_86, %swap3A_87] {strides = array<i32>} : memref<96x768xf32, #tpu.memory_space<vmem>>, vector<1x16xf32>,
      %swap3A_89 = vector.shape_cast %swap3A_88 : vector<1x16xf32> to vector<16xf32>
      %swap3A_90 = vector.shape_cast %broadcast_in_dim3A_3 : vector<16xf32> to vector<1x16xf32>
      tpu.vector_store %arg8[%swap3A_86, %swap3A_87], %swap3A_90 {strides = array<i32>} : memref<96x768xf32, #tpu.memory_space<vmem>>, vector<1x16xf32>,
      %swap3A_91 = arith.index_cast %scan3A_30 : i32 to index
      %swap3A_92 = arith.constant 192 : index
      %swap3A_93 = tpu.vector_load %arg8[%swap3A_91, %swap3A_92] {strides = array<i32>} : memref<96x768xf32, #tpu.memory_space<vmem>>, vector<1x16xf32>,
      %swap3A_94 = vector.shape_cast %swap3A_93 : vector<1x16xf32> to vector<16xf32>
      %swap3A_95 = vector.shape_cast %broadcast_in_dim3A_3 : vector<16xf32> to vector<1x16xf32>
      tpu.vector_store %arg8[%swap3A_91, %swap3A_92], %swap3A_95 {strides = array<i32>} : memref<96x768xf32, #tpu.memory_space<vmem>>, vector<1x16xf32>,
      %swap3A_96 = arith.index_cast %scan3A_30 : i32 to index
      %swap3A_97 = arith.constant 208 : index
      %swap3A_98 = tpu.vector_load %arg8[%swap3A_96, %swap3A_97] {strides = array<i32>} : memref<96x768xf32, #tpu.memory_space<vmem>>, vector<1x16xf32>,
      %swap3A_99 = vector.shape_cast %swap3A_98 : vector<1x16xf32> to vector<16xf32>
      %swap3A_100 = vector.shape_cast %broadcast_in_dim3A_3 : vector<16xf32> to vector<1x16xf32>
      tpu.vector_store %arg8[%swap3A_96, %swap3A_97], %swap3A_100 {strides = array<i32>} : memref<96x768xf32, #tpu.memory_space<vmem>>, vector<1x16xf32>,
      %swap3A_101 = arith.index_cast %scan3A_30 : i32 to index
      %swap3A_102 = arith.constant 224 : index
      %swap3A_103 = tpu.vector_load %arg8[%swap3A_101, %swap3A_102] {strides = array<i32>} : memref<96x768xf32, #tpu.memory_space<vmem>>, vector<1x16xf32>,
      %swap3A_104 = vector.shape_cast %swap3A_103 : vector<1x16xf32> to vector<16xf32>
      %swap3A_105 = vector.shape_cast %broadcast_in_dim3A_3 : vector<16xf32> to vector<1x16xf32>
      tpu.vector_store %arg8[%swap3A_101, %swap3A_102], %swap3A_105 {strides = array<i32>} : memref<96x768xf32, #tpu.memory_space<vmem>>, vector<1x16xf32>,
      %swap3A_106 = arith.index_cast %scan3A_30 : i32 to index
      %swap3A_107 = arith.constant 240 : index
      %swap3A_108 = tpu.vector_load %arg8[%swap3A_106, %swap3A_107] {strides = array<i32>} : memref<96x768xf32, #tpu.memory_space<vmem>>, vector<1x16xf32>,
      %swap3A_109 = vector.shape_cast %swap3A_108 : vector<1x16xf32> to vector<16xf32>
      %swap3A_110 = vector.shape_cast %broadcast_in_dim3A_3 : vector<16xf32> to vector<1x16xf32>
      tpu.vector_store %arg8[%swap3A_106, %swap3A_107], %swap3A_110 {strides = array<i32>} : memref<96x768xf32, #tpu.memory_space<vmem>>, vector<1x16xf32>,
      %swap3A_111 = arith.index_cast %scan3A_30 : i32 to index
      %swap3A_112 = arith.constant 256 : index
      %swap3A_113 = tpu.vector_load %arg8[%swap3A_111, %swap3A_112] {strides = array<i32>} : memref<96x768xf32, #tpu.memory_space<vmem>>, vector<1x16xf32>,
      %swap3A_114 = vector.shape_cast %swap3A_113 : vector<1x16xf32> to vector<16xf32>
      %swap3A_115 = vector.shape_cast %broadcast_in_dim3A_3 : vector<16xf32> to vector<1x16xf32>
      tpu.vector_store %arg8[%swap3A_111, %swap3A_112], %swap3A_115 {strides = array<i32>} : memref<96x768xf32, #tpu.memory_space<vmem>>, vector<1x16xf32>,
      %swap3A_116 = arith.index_cast %scan3A_30 : i32 to index
      %swap3A_117 = arith.constant 272 : index
      %swap3A_118 = tpu.vector_load %arg8[%swap3A_116, %swap3A_117] {strides = array<i32>} : memref<96x768xf32, #tpu.memory_space<vmem>>, vector<1x16xf32>,
      %swap3A_119 = vector.shape_cast %swap3A_118 : vector<1x16xf32> to vector<16xf32>
      %swap3A_120 = vector.shape_cast %broadcast_in_dim3A_3 : vector<16xf32> to vector<1x16xf32>
      tpu.vector_store %arg8[%swap3A_116, %swap3A_117], %swap3A_120 {strides = array<i32>} : memref<96x768xf32, #tpu.memory_space<vmem>>, vector<1x16xf32>,
      %swap3A_121 = arith.index_cast %scan3A_30 : i32 to index
      %swap3A_122 = arith.constant 288 : index
      %swap3A_123 = tpu.vector_load %arg8[%swap3A_121, %swap3A_122] {strides = array<i32>} : memref<96x768xf32, #tpu.memory_space<vmem>>, vector<1x16xf32>,
      %swap3A_124 = vector.shape_cast %swap3A_123 : vector<1x16xf32> to vector<16xf32>
      %swap3A_125 = vector.shape_cast %broadcast_in_dim3A_3 : vector<16xf32> to vector<1x16xf32>
      tpu.vector_store %arg8[%swap3A_121, %swap3A_122], %swap3A_125 {strides = array<i32>} : memref<96x768xf32, #tpu.memory_space<vmem>>, vector<1x16xf32>,
      %swap3A_126 = arith.index_cast %scan3A_30 : i32 to index
      %swap3A_127 = arith.constant 304 : index
      %swap3A_128 = tpu.vector_load %arg8[%swap3A_126, %swap3A_127] {strides = array<i32>} : memref<96x768xf32, #tpu.memory_space<vmem>>, vector<1x16xf32>,
      %swap3A_129 = vector.shape_cast %swap3A_128 : vector<1x16xf32> to vector<16xf32>
      %swap3A_130 = vector.shape_cast %broadcast_in_dim3A_3 : vector<16xf32> to vector<1x16xf32>
      tpu.vector_store %arg8[%swap3A_126, %swap3A_127], %swap3A_130 {strides = array<i32>} : memref<96x768xf32, #tpu.memory_space<vmem>>, vector<1x16xf32>,
      %swap3A_131 = arith.index_cast %scan3A_30 : i32 to index
      %swap3A_132 = arith.constant 320 : index
      %swap3A_133 = tpu.vector_load %arg8[%swap3A_131, %swap3A_132] {strides = array<i32>} : memref<96x768xf32, #tpu.memory_space<vmem>>, vector<1x16xf32>,
      %swap3A_134 = vector.shape_cast %swap3A_133 : vector<1x16xf32> to vector<16xf32>
      %swap3A_135 = vector.shape_cast %broadcast_in_dim3A_3 : vector<16xf32> to vector<1x16xf32>
      tpu.vector_store %arg8[%swap3A_131, %swap3A_132], %swap3A_135 {strides = array<i32>} : memref<96x768xf32, #tpu.memory_space<vmem>>, vector<1x16xf32>,
      %swap3A_136 = arith.index_cast %scan3A_30 : i32 to index
      %swap3A_137 = arith.constant 336 : index
      %swap3A_138 = tpu.vector_load %arg8[%swap3A_136, %swap3A_137] {strides = array<i32>} : memref<96x768xf32, #tpu.memory_space<vmem>>, vector<1x16xf32>,
      %swap3A_139 = vector.shape_cast %swap3A_138 : vector<1x16xf32> to vector<16xf32>
      %swap3A_140 = vector.shape_cast %broadcast_in_dim3A_3 : vector<16xf32> to vector<1x16xf32>
      tpu.vector_store %arg8[%swap3A_136, %swap3A_137], %swap3A_140 {strides = array<i32>} : memref<96x768xf32, #tpu.memory_space<vmem>>, vector<1x16xf32>,
      %swap3A_141 = arith.index_cast %scan3A_30 : i32 to index
      %swap3A_142 = arith.constant 352 : index
      %swap3A_143 = tpu.vector_load %arg8[%swap3A_141, %swap3A_142] {strides = array<i32>} : memref<96x768xf32, #tpu.memory_space<vmem>>, vector<1x16xf32>,
      %swap3A_144 = vector.shape_cast %swap3A_143 : vector<1x16xf32> to vector<16xf32>
      %swap3A_145 = vector.shape_cast %broadcast_in_dim3A_3 : vector<16xf32> to vector<1x16xf32>
      tpu.vector_store %arg8[%swap3A_141, %swap3A_142], %swap3A_145 {strides = array<i32>} : memref<96x768xf32, #tpu.memory_space<vmem>>, vector<1x16xf32>,
      %swap3A_146 = arith.index_cast %scan3A_30 : i32 to index
      %swap3A_147 = arith.constant 368 : index
      %swap3A_148 = tpu.vector_load %arg8[%swap3A_146, %swap3A_147] {strides = array<i32>} : memref<96x768xf32, #tpu.memory_space<vmem>>, vector<1x16xf32>,
      %swap3A_149 = vector.shape_cast %swap3A_148 : vector<1x16xf32> to vector<16xf32>
      %swap3A_150 = vector.shape_cast %broadcast_in_dim3A_3 : vector<16xf32> to vector<1x16xf32>
      tpu.vector_store %arg8[%swap3A_146, %swap3A_147], %swap3A_150 {strides = array<i32>} : memref<96x768xf32, #tpu.memory_space<vmem>>, vector<1x16xf32>,
      %swap3A_151 = arith.index_cast %scan3A_30 : i32 to index
      %swap3A_152 = arith.constant 384 : index
      %swap3A_153 = tpu.vector_load %arg8[%swap3A_151, %swap3A_152] {strides = array<i32>} : memref<96x768xf32, #tpu.memory_space<vmem>>, vector<1x16xf32>,
      %swap3A_154 = vector.shape_cast %swap3A_153 : vector<1x16xf32> to vector<16xf32>
      %swap3A_155 = vector.shape_cast %broadcast_in_dim3A_3 : vector<16xf32> to vector<1x16xf32>
      tpu.vector_store %arg8[%swap3A_151, %swap3A_152], %swap3A_155 {strides = array<i32>} : memref<96x768xf32, #tpu.memory_space<vmem>>, vector<1x16xf32>,
      %swap3A_156 = arith.index_cast %scan3A_30 : i32 to index
      %swap3A_157 = arith.constant 400 : index
      %swap3A_158 = tpu.vector_load %arg8[%swap3A_156, %swap3A_157] {strides = array<i32>} : memref<96x768xf32, #tpu.memory_space<vmem>>, vector<1x16xf32>,
      %swap3A_159 = vector.shape_cast %swap3A_158 : vector<1x16xf32> to vector<16xf32>
      %swap3A_160 = vector.shape_cast %broadcast_in_dim3A_3 : vector<16xf32> to vector<1x16xf32>
      tpu.vector_store %arg8[%swap3A_156, %swap3A_157], %swap3A_160 {strides = array<i32>} : memref<96x768xf32, #tpu.memory_space<vmem>>, vector<1x16xf32>,
      %swap3A_161 = arith.index_cast %scan3A_30 : i32 to index
      %swap3A_162 = arith.constant 416 : index
      %swap3A_163 = tpu.vector_load %arg8[%swap3A_161, %swap3A_162] {strides = array<i32>} : memref<96x768xf32, #tpu.memory_space<vmem>>, vector<1x16xf32>,
      %swap3A_164 = vector.shape_cast %swap3A_163 : vector<1x16xf32> to vector<16xf32>
      %swap3A_165 = vector.shape_cast %broadcast_in_dim3A_3 : vector<16xf32> to vector<1x16xf32>
      tpu.vector_store %arg8[%swap3A_161, %swap3A_162], %swap3A_165 {strides = array<i32>} : memref<96x768xf32, #tpu.memory_space<vmem>>, vector<1x16xf32>,
      %swap3A_166 = arith.index_cast %scan3A_30 : i32 to index
      %swap3A_167 = arith.constant 432 : index
      %swap3A_168 = tpu.vector_load %arg8[%swap3A_166, %swap3A_167] {strides = array<i32>} : memref<96x768xf32, #tpu.memory_space<vmem>>, vector<1x16xf32>,
      %swap3A_169 = vector.shape_cast %swap3A_168 : vector<1x16xf32> to vector<16xf32>
      %swap3A_170 = vector.shape_cast %broadcast_in_dim3A_3 : vector<16xf32> to vector<1x16xf32>
      tpu.vector_store %arg8[%swap3A_166, %swap3A_167], %swap3A_170 {strides = array<i32>} : memref<96x768xf32, #tpu.memory_space<vmem>>, vector<1x16xf32>,
      %swap3A_171 = arith.index_cast %scan3A_30 : i32 to index
      %swap3A_172 = arith.constant 448 : index
      %swap3A_173 = tpu.vector_load %arg8[%swap3A_171, %swap3A_172] {strides = array<i32>} : memref<96x768xf32, #tpu.memory_space<vmem>>, vector<1x16xf32>,
      %swap3A_174 = vector.shape_cast %swap3A_173 : vector<1x16xf32> to vector<16xf32>
      %swap3A_175 = vector.shape_cast %broadcast_in_dim3A_3 : vector<16xf32> to vector<1x16xf32>
      tpu.vector_store %arg8[%swap3A_171, %swap3A_172], %swap3A_175 {strides = array<i32>} : memref<96x768xf32, #tpu.memory_space<vmem>>, vector<1x16xf32>,
      %swap3A_176 = arith.index_cast %scan3A_30 : i32 to index
      %swap3A_177 = arith.constant 464 : index
      %swap3A_178 = tpu.vector_load %arg8[%swap3A_176, %swap3A_177] {strides = array<i32>} : memref<96x768xf32, #tpu.memory_space<vmem>>, vector<1x16xf32>,
      %swap3A_179 = vector.shape_cast %swap3A_178 : vector<1x16xf32> to vector<16xf32>
      %swap3A_180 = vector.shape_cast %broadcast_in_dim3A_3 : vector<16xf32> to vector<1x16xf32>
      tpu.vector_store %arg8[%swap3A_176, %swap3A_177], %swap3A_180 {strides = array<i32>} : memref<96x768xf32, #tpu.memory_space<vmem>>, vector<1x16xf32>,
      %swap3A_181 = arith.index_cast %scan3A_30 : i32 to index
      %swap3A_182 = arith.constant 480 : index
      %swap3A_183 = tpu.vector_load %arg8[%swap3A_181, %swap3A_182] {strides = array<i32>} : memref<96x768xf32, #tpu.memory_space<vmem>>, vector<1x16xf32>,
      %swap3A_184 = vector.shape_cast %swap3A_183 : vector<1x16xf32> to vector<16xf32>
      %swap3A_185 = vector.shape_cast %broadcast_in_dim3A_3 : vector<16xf32> to vector<1x16xf32>
      tpu.vector_store %arg8[%swap3A_181, %swap3A_182], %swap3A_185 {strides = array<i32>} : memref<96x768xf32, #tpu.memory_space<vmem>>, vector<1x16xf32>,
      %swap3A_186 = arith.index_cast %scan3A_30 : i32 to index
      %swap3A_187 = arith.constant 496 : index
      %swap3A_188 = tpu.vector_load %arg8[%swap3A_186, %swap3A_187] {strides = array<i32>} : memref<96x768xf32, #tpu.memory_space<vmem>>, vector<1x16xf32>,
      %swap3A_189 = vector.shape_cast %swap3A_188 : vector<1x16xf32> to vector<16xf32>
      %swap3A_190 = vector.shape_cast %broadcast_in_dim3A_3 : vector<16xf32> to vector<1x16xf32>
      tpu.vector_store %arg8[%swap3A_186, %swap3A_187], %swap3A_190 {strides = array<i32>} : memref<96x768xf32, #tpu.memory_space<vmem>>, vector<1x16xf32>,
      %swap3A_191 = arith.index_cast %scan3A_30 : i32 to index
      %swap3A_192 = arith.constant 512 : index
      %swap3A_193 = tpu.vector_load %arg8[%swap3A_191, %swap3A_192] {strides = array<i32>} : memref<96x768xf32, #tpu.memory_space<vmem>>, vector<1x16xf32>,
      %swap3A_194 = vector.shape_cast %swap3A_193 : vector<1x16xf32> to vector<16xf32>
      %swap3A_195 = vector.shape_cast %broadcast_in_dim3A_3 : vector<16xf32> to vector<1x16xf32>
      tpu.vector_store %arg8[%swap3A_191, %swap3A_192], %swap3A_195 {strides = array<i32>} : memref<96x768xf32, #tpu.memory_space<vmem>>, vector<1x16xf32>,
      %swap3A_196 = arith.index_cast %scan3A_30 : i32 to index
      %swap3A_197 = arith.constant 528 : index
      %swap3A_198 = tpu.vector_load %arg8[%swap3A_196, %swap3A_197] {strides = array<i32>} : memref<96x768xf32, #tpu.memory_space<vmem>>, vector<1x16xf32>,
      %swap3A_199 = vector.shape_cast %swap3A_198 : vector<1x16xf32> to vector<16xf32>
      %swap3A_200 = vector.shape_cast %broadcast_in_dim3A_3 : vector<16xf32> to vector<1x16xf32>
      tpu.vector_store %arg8[%swap3A_196, %swap3A_197], %swap3A_200 {strides = array<i32>} : memref<96x768xf32, #tpu.memory_space<vmem>>, vector<1x16xf32>,
      %swap3A_201 = arith.index_cast %scan3A_30 : i32 to index
      %swap3A_202 = arith.constant 544 : index
      %swap3A_203 = tpu.vector_load %arg8[%swap3A_201, %swap3A_202] {strides = array<i32>} : memref<96x768xf32, #tpu.memory_space<vmem>>, vector<1x16xf32>,
      %swap3A_204 = vector.shape_cast %swap3A_203 : vector<1x16xf32> to vector<16xf32>
      %swap3A_205 = vector.shape_cast %broadcast_in_dim3A_3 : vector<16xf32> to vector<1x16xf32>
      tpu.vector_store %arg8[%swap3A_201, %swap3A_202], %swap3A_205 {strides = array<i32>} : memref<96x768xf32, #tpu.memory_space<vmem>>, vector<1x16xf32>,
      %swap3A_206 = arith.index_cast %scan3A_30 : i32 to index
      %swap3A_207 = arith.constant 560 : index
      %swap3A_208 = tpu.vector_load %arg8[%swap3A_206, %swap3A_207] {strides = array<i32>} : memref<96x768xf32, #tpu.memory_space<vmem>>, vector<1x16xf32>,
      %swap3A_209 = vector.shape_cast %swap3A_208 : vector<1x16xf32> to vector<16xf32>
      %swap3A_210 = vector.shape_cast %broadcast_in_dim3A_3 : vector<16xf32> to vector<1x16xf32>
      tpu.vector_store %arg8[%swap3A_206, %swap3A_207], %swap3A_210 {strides = array<i32>} : memref<96x768xf32, #tpu.memory_space<vmem>>, vector<1x16xf32>,
      %swap3A_211 = arith.index_cast %scan3A_30 : i32 to index
      %swap3A_212 = arith.constant 576 : index
      %swap3A_213 = tpu.vector_load %arg8[%swap3A_211, %swap3A_212] {strides = array<i32>} : memref<96x768xf32, #tpu.memory_space<vmem>>, vector<1x16xf32>,
      %swap3A_214 = vector.shape_cast %swap3A_213 : vector<1x16xf32> to vector<16xf32>
      %swap3A_215 = vector.shape_cast %broadcast_in_dim3A_3 : vector<16xf32> to vector<1x16xf32>
      tpu.vector_store %arg8[%swap3A_211, %swap3A_212], %swap3A_215 {strides = array<i32>} : memref<96x768xf32, #tpu.memory_space<vmem>>, vector<1x16xf32>,
      %swap3A_216 = arith.index_cast %scan3A_30 : i32 to index
      %swap3A_217 = arith.constant 592 : index
      %swap3A_218 = tpu.vector_load %arg8[%swap3A_216, %swap3A_217] {strides = array<i32>} : memref<96x768xf32, #tpu.memory_space<vmem>>, vector<1x16xf32>,
      %swap3A_219 = vector.shape_cast %swap3A_218 : vector<1x16xf32> to vector<16xf32>
      %swap3A_220 = vector.shape_cast %broadcast_in_dim3A_3 : vector<16xf32> to vector<1x16xf32>
      tpu.vector_store %arg8[%swap3A_216, %swap3A_217], %swap3A_220 {strides = array<i32>} : memref<96x768xf32, #tpu.memory_space<vmem>>, vector<1x16xf32>,
      %swap3A_221 = arith.index_cast %scan3A_30 : i32 to index
      %swap3A_222 = arith.constant 608 : index
      %swap3A_223 = tpu.vector_load %arg8[%swap3A_221, %swap3A_222] {strides = array<i32>} : memref<96x768xf32, #tpu.memory_space<vmem>>, vector<1x16xf32>,
      %swap3A_224 = vector.shape_cast %swap3A_223 : vector<1x16xf32> to vector<16xf32>
      %swap3A_225 = vector.shape_cast %broadcast_in_dim3A_3 : vector<16xf32> to vector<1x16xf32>
      tpu.vector_store %arg8[%swap3A_221, %swap3A_222], %swap3A_225 {strides = array<i32>} : memref<96x768xf32, #tpu.memory_space<vmem>>, vector<1x16xf32>,
      %swap3A_226 = arith.index_cast %scan3A_30 : i32 to index
      %swap3A_227 = arith.constant 624 : index
      %swap3A_228 = tpu.vector_load %arg8[%swap3A_226, %swap3A_227] {strides = array<i32>} : memref<96x768xf32, #tpu.memory_space<vmem>>, vector<1x16xf32>,
      %swap3A_229 = vector.shape_cast %swap3A_228 : vector<1x16xf32> to vector<16xf32>
      %swap3A_230 = vector.shape_cast %broadcast_in_dim3A_3 : vector<16xf32> to vector<1x16xf32>
      tpu.vector_store %arg8[%swap3A_226, %swap3A_227], %swap3A_230 {strides = array<i32>} : memref<96x768xf32, #tpu.memory_space<vmem>>, vector<1x16xf32>,
      %swap3A_231 = arith.index_cast %scan3A_30 : i32 to index
      %swap3A_232 = arith.constant 640 : index
      %swap3A_233 = tpu.vector_load %arg8[%swap3A_231, %swap3A_232] {strides = array<i32>} : memref<96x768xf32, #tpu.memory_space<vmem>>, vector<1x16xf32>,
      %swap3A_234 = vector.shape_cast %swap3A_233 : vector<1x16xf32> to vector<16xf32>
      %swap3A_235 = vector.shape_cast %broadcast_in_dim3A_3 : vector<16xf32> to vector<1x16xf32>
      tpu.vector_store %arg8[%swap3A_231, %swap3A_232], %swap3A_235 {strides = array<i32>} : memref<96x768xf32, #tpu.memory_space<vmem>>, vector<1x16xf32>,
      %swap3A_236 = arith.index_cast %scan3A_30 : i32 to index
      %swap3A_237 = arith.constant 656 : index
      %swap3A_238 = tpu.vector_load %arg8[%swap3A_236, %swap3A_237] {strides = array<i32>} : memref<96x768xf32, #tpu.memory_space<vmem>>, vector<1x16xf32>,
      %swap3A_239 = vector.shape_cast %swap3A_238 : vector<1x16xf32> to vector<16xf32>
      %swap3A_240 = vector.shape_cast %broadcast_in_dim3A_3 : vector<16xf32> to vector<1x16xf32>
      tpu.vector_store %arg8[%swap3A_236, %swap3A_237], %swap3A_240 {strides = array<i32>} : memref<96x768xf32, #tpu.memory_space<vmem>>, vector<1x16xf32>,
      %swap3A_241 = arith.index_cast %scan3A_30 : i32 to index
      %swap3A_242 = arith.constant 672 : index
      %swap3A_243 = tpu.vector_load %arg8[%swap3A_241, %swap3A_242] {strides = array<i32>} : memref<96x768xf32, #tpu.memory_space<vmem>>, vector<1x16xf32>,
      %swap3A_244 = vector.shape_cast %swap3A_243 : vector<1x16xf32> to vector<16xf32>
      %swap3A_245 = vector.shape_cast %broadcast_in_dim3A_3 : vector<16xf32> to vector<1x16xf32>
      tpu.vector_store %arg8[%swap3A_241, %swap3A_242], %swap3A_245 {strides = array<i32>} : memref<96x768xf32, #tpu.memory_space<vmem>>, vector<1x16xf32>,
      %swap3A_246 = arith.index_cast %scan3A_30 : i32 to index
      %swap3A_247 = arith.constant 688 : index
      %swap3A_248 = tpu.vector_load %arg8[%swap3A_246, %swap3A_247] {strides = array<i32>} : memref<96x768xf32, #tpu.memory_space<vmem>>, vector<1x16xf32>,
      %swap3A_249 = vector.shape_cast %swap3A_248 : vector<1x16xf32> to vector<16xf32>
      %swap3A_250 = vector.shape_cast %broadcast_in_dim3A_3 : vector<16xf32> to vector<1x16xf32>
      tpu.vector_store %arg8[%swap3A_246, %swap3A_247], %swap3A_250 {strides = array<i32>} : memref<96x768xf32, #tpu.memory_space<vmem>>, vector<1x16xf32>,
      %swap3A_251 = arith.index_cast %scan3A_30 : i32 to index
      %swap3A_252 = arith.constant 704 : index
      %swap3A_253 = tpu.vector_load %arg8[%swap3A_251, %swap3A_252] {strides = array<i32>} : memref<96x768xf32, #tpu.memory_space<vmem>>, vector<1x16xf32>,
      %swap3A_254 = vector.shape_cast %swap3A_253 : vector<1x16xf32> to vector<16xf32>
      %swap3A_255 = vector.shape_cast %broadcast_in_dim3A_3 : vector<16xf32> to vector<1x16xf32>
      tpu.vector_store %arg8[%swap3A_251, %swap3A_252], %swap3A_255 {strides = array<i32>} : memref<96x768xf32, #tpu.memory_space<vmem>>, vector<1x16xf32>,
      %swap3A_256 = arith.index_cast %scan3A_30 : i32 to index
      %swap3A_257 = arith.constant 720 : index
      %swap3A_258 = tpu.vector_load %arg8[%swap3A_256, %swap3A_257] {strides = array<i32>} : memref<96x768xf32, #tpu.memory_space<vmem>>, vector<1x16xf32>,
      %swap3A_259 = vector.shape_cast %swap3A_258 : vector<1x16xf32> to vector<16xf32>
      %swap3A_260 = vector.shape_cast %broadcast_in_dim3A_3 : vector<16xf32> to vector<1x16xf32>
      tpu.vector_store %arg8[%swap3A_256, %swap3A_257], %swap3A_260 {strides = array<i32>} : memref<96x768xf32, #tpu.memory_space<vmem>>, vector<1x16xf32>,
      %swap3A_261 = arith.index_cast %scan3A_30 : i32 to index
      %swap3A_262 = arith.constant 736 : index
      %swap3A_263 = tpu.vector_load %arg8[%swap3A_261, %swap3A_262] {strides = array<i32>} : memref<96x768xf32, #tpu.memory_space<vmem>>, vector<1x16xf32>,
      %swap3A_264 = vector.shape_cast %swap3A_263 : vector<1x16xf32> to vector<16xf32>
      %swap3A_265 = vector.shape_cast %broadcast_in_dim3A_3 : vector<16xf32> to vector<1x16xf32>
      tpu.vector_store %arg8[%swap3A_261, %swap3A_262], %swap3A_265 {strides = array<i32>} : memref<96x768xf32, #tpu.memory_space<vmem>>, vector<1x16xf32>,
      %swap3A_266 = arith.index_cast %scan3A_30 : i32 to index
      %swap3A_267 = arith.constant 752 : index
      %swap3A_268 = tpu.vector_load %arg8[%swap3A_266, %swap3A_267] {strides = array<i32>} : memref<96x768xf32, #tpu.memory_space<vmem>>, vector<1x16xf32>,
      %swap3A_269 = vector.shape_cast %swap3A_268 : vector<1x16xf32> to vector<16xf32>
      %swap3A_270 = vector.shape_cast %broadcast_in_dim3A_3 : vector<16xf32> to vector<1x16xf32>
      tpu.vector_store %arg8[%swap3A_266, %swap3A_267], %swap3A_270 {strides = array<i32>} : memref<96x768xf32, #tpu.memory_space<vmem>>, vector<1x16xf32>,
      %scan3A_271 = arith.constant 0 : i32
      scf.yield %scan3A_271 : i32
    }
    %scan3A_9 = arith.constant 64 : i32
    %mul3A_10 = arith.constant 64 : i32
    %mul3A_11 = arith.muli %arg1, %mul3A_10 : i32
    "tpu.region"() ({
      %run_scoped3A = tpu.sem_alloc : memref<!tpu.dma_semaphore, #tpu.memory_space<semaphore_mem>>
      %dma_start3A_30 = arith.constant 0 : i32
      %dma_start3A_31 = arith.constant 0 : i32
      %dma_start3A_32 = tpu.memref_slice %arg8[%dma_start3A_30, %dma_start3A_31] : memref<96x768xf32, #tpu.memory_space<vmem>> -> memref<64x768xf32, #tpu.memory_space<vmem>>
      %dma_start3A_33 = arith.constant 0 : i32
      %dma_start3A_34 = tpu.memref_slice %arg5[%arg0, %mul3A_11, %dma_start3A_33] : memref<2x1024x768xf32, #tpu.memory_space<hbm>> -> memref<1x64x768xf32, #tpu.memory_space<hbm>>
      %dma_start3A_35 = tpu.memref_squeeze %dma_start3A_34 : memref<1x64x768xf32, #tpu.memory_space<hbm>> -> memref<64x768xf32, #tpu.memory_space<hbm>>
      %dma_start3A_36 = arith.constant 0 : i32
      %dma_start3A_37 = tpu.memref_slice %arg5[%arg0, %mul3A_11, %dma_start3A_36] : memref<2x1024x768xf32, #tpu.memory_space<hbm>> -> memref<1x64x768xf32, #tpu.memory_space<hbm>>
      %dma_start3A_38 = tpu.memref_squeeze %dma_start3A_37 : memref<1x64x768xf32, #tpu.memory_space<hbm>> -> memref<64x768xf32, #tpu.memory_space<hbm>>
      %dma_start3A_39 = arith.constant 0 : i32
      %dma_start3A_40 = arith.constant 0 : i32
      %dma_start3A_41 = tpu.memref_slice %arg8[%dma_start3A_39, %dma_start3A_40] : memref<96x768xf32, #tpu.memory_space<vmem>> -> memref<64x768xf32, #tpu.memory_space<vmem>>
      tpu.enqueue_dma source(%dma_start3A_41 : memref<64x768xf32, #tpu.memory_space<vmem>>) target(%dma_start3A_38 : memref<64x768xf32, #tpu.memory_space<hbm>>) target_semaphore(%run_scoped3A : memref<!tpu.dma_semaphore, #tpu.memory_space<semaphore_mem>>)
      %dma_wait3A_42 = arith.constant 0 : i32
      %dma_wait3A_43 = arith.constant 0 : i32
      %dma_wait3A_44 = tpu.memref_slice %arg8[%dma_wait3A_42, %dma_wait3A_43] : memref<96x768xf32, #tpu.memory_space<vmem>> -> memref<64x768xf32, #tpu.memory_space<vmem>>
      %dma_wait3A_45 = arith.constant 0 : i32
      %dma_wait3A_46 = tpu.memref_slice %arg5[%arg0, %mul3A_11, %dma_wait3A_45] : memref<2x1024x768xf32, #tpu.memory_space<hbm>> -> memref<1x64x768xf32, #tpu.memory_space<hbm>>
      %dma_wait3A_47 = tpu.memref_squeeze %dma_wait3A_46 : memref<1x64x768xf32, #tpu.memory_space<hbm>> -> memref<64x768xf32, #tpu.memory_space<hbm>>
      %dma_wait3A_48 = arith.constant 0 : i32
      %dma_wait3A_49 = tpu.memref_slice %arg5[%arg0, %mul3A_11, %dma_wait3A_48] : memref<2x1024x768xf32, #tpu.memory_space<hbm>> -> memref<1x64x768xf32, #tpu.memory_space<hbm>>
      %dma_wait3A_50 = tpu.memref_squeeze %dma_wait3A_49 : memref<1x64x768xf32, #tpu.memory_space<hbm>> -> memref<64x768xf32, #tpu.memory_space<hbm>>
      %dma_wait3A_51 = arith.constant 0 : i32
      %dma_wait3A_52 = arith.constant 0 : i32
      %dma_wait3A_53 = tpu.memref_slice %arg8[%dma_wait3A_51, %dma_wait3A_52] : memref<96x768xf32, #tpu.memory_space<vmem>> -> memref<64x768xf32, #tpu.memory_space<vmem>>
      tpu.wait_dma2 semaphore(%run_scoped3A : memref<!tpu.dma_semaphore, #tpu.memory_space<semaphore_mem>>) src(%dma_wait3A_53 : memref<64x768xf32, #tpu.memory_space<vmem>>) dst(%dma_wait3A_50 : memref<64x768xf32, #tpu.memory_space<hbm>>)
      tpu.yield
    }) : () -> ()
    "tpu.region"() ({
      %run_scoped3A = tpu.sem_alloc : memref<!tpu.dma_semaphore, #tpu.memory_space<semaphore_mem>>
      %dma_start3A_30 = tpu.memref_slice %arg3[%mul3A_2] : memref<3072xi32, #tpu.memory_space<hbm>> -> memref<96xi32, #tpu.memory_space<hbm>>
      %dma_start3A_31 = tpu.memref_slice %arg3[%mul3A_2] : memref<3072xi32, #tpu.memory_space<hbm>> -> memref<96xi32, #tpu.memory_space<hbm>>
      tpu.enqueue_dma source(%dma_start3A_31 : memref<96xi32, #tpu.memory_space<hbm>>) target(%arg6 : memref<96xi32, #tpu.memory_space<vmem>>) target_semaphore(%run_scoped3A : memref<!tpu.dma_semaphore, #tpu.memory_space<semaphore_mem>>)
      %dma_wait3A_32 = tpu.memref_slice %arg3[%mul3A_2] : memref<3072xi32, #tpu.memory_space<hbm>> -> memref<96xi32, #tpu.memory_space<hbm>>
      %dma_wait3A_33 = tpu.memref_slice %arg3[%mul3A_2] : memref<3072xi32, #tpu.memory_space<hbm>> -> memref<96xi32, #tpu.memory_space<hbm>>
      tpu.wait_dma2 semaphore(%run_scoped3A : memref<!tpu.dma_semaphore, #tpu.memory_space<semaphore_mem>>) src(%dma_wait3A_33 : memref<96xi32, #tpu.memory_space<hbm>>) dst(%arg6 : memref<96xi32, #tpu.memory_space<vmem>>)
      tpu.yield
    }) : () -> ()
    "tpu.region"() ({
      %run_scoped3A = tpu.sem_alloc : memref<!tpu.dma_semaphore, #tpu.memory_space<semaphore_mem>>
      %dma_start3A_30 = tpu.memref_slice %arg4[%mul3A_2] : memref<3072xi32, #tpu.memory_space<hbm>> -> memref<96xi32, #tpu.memory_space<hbm>>
      %dma_start3A_31 = tpu.memref_slice %arg4[%mul3A_2] : memref<3072xi32, #tpu.memory_space<hbm>> -> memref<96xi32, #tpu.memory_space<hbm>>
      tpu.enqueue_dma source(%dma_start3A_31 : memref<96xi32, #tpu.memory_space<hbm>>) target(%arg7 : memref<96xi32, #tpu.memory_space<vmem>>) target_semaphore(%run_scoped3A : memref<!tpu.dma_semaphore, #tpu.memory_space<semaphore_mem>>)
      %dma_wait3A_32 = tpu.memref_slice %arg4[%mul3A_2] : memref<3072xi32, #tpu.memory_space<hbm>> -> memref<96xi32, #tpu.memory_space<hbm>>
      %dma_wait3A_33 = tpu.memref_slice %arg4[%mul3A_2] : memref<3072xi32, #tpu.memory_space<hbm>> -> memref<96xi32, #tpu.memory_space<hbm>>
      tpu.wait_dma2 semaphore(%run_scoped3A : memref<!tpu.dma_semaphore, #tpu.memory_space<semaphore_mem>>) src(%dma_wait3A_33 : memref<96xi32, #tpu.memory_space<hbm>>) dst(%arg7 : memref<96xi32, #tpu.memory_space<vmem>>)
      tpu.yield
    }) : () -> ()
    %dma_start3A = arith.constant 0 : i32
    %dma_start3A_12 = arith.constant 0 : i32
    %dma_start3A_13 = tpu.memref_slice %arg2[%dma_start3A, %dma_start3A_12] : memref<1024x768xf32, #tpu.memory_space<hbm>> -> memref<1024x768xf32, #tpu.memory_space<hbm>>
    tpu.enqueue_indirect_dma source(%dma_start3A_13 : memref<1024x768xf32, #tpu.memory_space<hbm>>) target(%arg8 : memref<96x768xf32, #tpu.memory_space<vmem>>) offsets(%arg6 : memref<96xi32, #tpu.memory_space<vmem>>) semaphore(%arg9 : memref<!tpu.dma_semaphore, #tpu.memory_space<semaphore_mem>>)
    %dma_wait3A = arith.constant 0 : i32
    %dma_wait3A_14 = arith.constant 0 : i32
    %dma_wait3A_15 = tpu.memref_slice %arg2[%dma_wait3A, %dma_wait3A_14] : memref<1024x768xf32, #tpu.memory_space<hbm>> -> memref<1024x768xf32, #tpu.memory_space<hbm>>
    tpu.wait_indirect_dma semaphore(%arg9 : memref<!tpu.dma_semaphore, #tpu.memory_space<semaphore_mem>>) src(%dma_wait3A_15 : memref<1024x768xf32, #tpu.memory_space<hbm>>) dst(%arg8 : memref<96x768xf32, #tpu.memory_space<vmem>>)
    %barrier3A = arith.constant 0 : index
    tpu.barrier barrier_id(%barrier3A)
    %dma_start3A_16 = arith.constant 0 : i32
    %dma_start3A_17 = arith.constant 0 : i32
    %dma_start3A_18 = tpu.memref_slice %arg5[%arg0, %dma_start3A_16, %dma_start3A_17] : memref<2x1024x768xf32, #tpu.memory_space<hbm>> -> memref<1x1024x768xf32, #tpu.memory_space<hbm>>
    %dma_start3A_19 = tpu.memref_squeeze %dma_start3A_18 : memref<1x1024x768xf32, #tpu.memory_space<hbm>> -> memref<1024x768xf32, #tpu.memory_space<hbm>>
    %dma_start3A_20 = arith.constant 0 : i32
    %dma_start3A_21 = arith.constant 0 : i32
    %dma_start3A_22 = tpu.memref_slice %dma_start3A_19[%dma_start3A_20, %dma_start3A_21] : memref<1024x768xf32, #tpu.memory_space<hbm>> -> memref<1024x768xf32, #tpu.memory_space<hbm>>
    tpu.enqueue_indirect_dma source(%arg8 : memref<96x768xf32, #tpu.memory_space<vmem>>) target(%dma_start3A_22 : memref<1024x768xf32, #tpu.memory_space<hbm>>) offsets(%arg7 : memref<96xi32, #tpu.memory_space<vmem>>) semaphore(%arg10 : memref<!tpu.dma_semaphore, #tpu.memory_space<semaphore_mem>>) {add = true}
    %dma_wait3A_23 = arith.constant 0 : i32
    %dma_wait3A_24 = arith.constant 0 : i32
    %dma_wait3A_25 = tpu.memref_slice %arg5[%arg0, %dma_wait3A_23, %dma_wait3A_24] : memref<2x1024x768xf32, #tpu.memory_space<hbm>> -> memref<1x1024x768xf32, #tpu.memory_space<hbm>>
    %dma_wait3A_26 = tpu.memref_squeeze %dma_wait3A_25 : memref<1x1024x768xf32, #tpu.memory_space<hbm>> -> memref<1024x768xf32, #tpu.memory_space<hbm>>
    %dma_wait3A_27 = arith.constant 0 : i32
    %dma_wait3A_28 = arith.constant 0 : i32
    %dma_wait3A_29 = tpu.memref_slice %dma_wait3A_26[%dma_wait3A_27, %dma_wait3A_28] : memref<1024x768xf32, #tpu.memory_space<hbm>> -> memref<1024x768xf32, #tpu.memory_space<hbm>>
    tpu.wait_indirect_dma semaphore(%arg10 : memref<!tpu.dma_semaphore, #tpu.memory_space<semaphore_mem>>) src(%arg8 : memref<96x768xf32, #tpu.memory_space<vmem>>) dst(%dma_wait3A_29 : memref<1024x768xf32, #tpu.memory_space<hbm>>)
    return
  }
}

module attributes {stable_mosaic.version = 14 : i64} {
  func.func @_prep_body(%arg0: i32, %arg1: memref<4x4x1000x8xf32, #tpu.memory_space<vmem>>, %arg2: memref<1x128xf32, #tpu.memory_space<vmem>>, %arg3: memref<1x128xf32, #tpu.memory_space<vmem>>, %arg4: memref<1024x128xf32, #tpu.memory_space<vmem>>) attributes {dimension_semantics = [#tpu.dimension_semantics<arbitrary>], iteration_bounds = array<i64: 6>, scalar_prefetch = 0 : i64, scratch_operands = 0 : i64, tpu.core_type = #tpu.core_type<tc>, window_params = [{transform_indices = @transform_0, window_bounds = array<i64: 4, 4, 1000, 8>}, {pipeline_mode = #tpu.pipeline_mode<synchronous>, transform_indices = @transform_1, window_bounds = array<i64: 1, 128>}, {pipeline_mode = #tpu.pipeline_mode<synchronous>, transform_indices = @transform_2, window_bounds = array<i64: 1, 128>}, {transform_indices = @transform_3, window_bounds = array<i64: 1024, 128>}]} {
    %get3A = arith.constant 0 : index
    %get3A_0 = arith.constant 0 : index
    %get3A_1 = arith.constant 0 : index
    %get3A_2 = arith.constant 0 : index
    %get3A_3 = vector.load %arg1[%get3A, %get3A_0, %get3A_1, %get3A_2] : memref<4x4x1000x8xf32, #tpu.memory_space<vmem>>, vector<4x4x1000x8xf32>
    %slice3A = vector.extract_strided_slice %get3A_3 {offsets = [0, 0, 0, 0], sizes = [1, 1, 1000, 8], strides = [1, 1, 1, 1]} : vector<4x4x1000x8xf32> to vector<1x1x1000x8xf32>
    %squeeze3A = vector.shape_cast %slice3A : vector<1x1x1000x8xf32> to vector<1000x8xf32>
    %slice3A_4 = vector.extract_strided_slice %get3A_3 {offsets = [1, 0, 0, 0], sizes = [1, 1, 1000, 8], strides = [1, 1, 1, 1]} : vector<4x4x1000x8xf32> to vector<1x1x1000x8xf32>
    %squeeze3A_5 = vector.shape_cast %slice3A_4 : vector<1x1x1000x8xf32> to vector<1000x8xf32>
    %slice3A_6 = vector.extract_strided_slice %get3A_3 {offsets = [2, 0, 0, 0], sizes = [1, 1, 1000, 8], strides = [1, 1, 1, 1]} : vector<4x4x1000x8xf32> to vector<1x1x1000x8xf32>
    %squeeze3A_7 = vector.shape_cast %slice3A_6 : vector<1x1x1000x8xf32> to vector<1000x8xf32>
    %slice3A_8 = vector.extract_strided_slice %get3A_3 {offsets = [3, 0, 0, 0], sizes = [1, 1, 1000, 8], strides = [1, 1, 1, 1]} : vector<4x4x1000x8xf32> to vector<1x1x1000x8xf32>
    %squeeze3A_9 = vector.shape_cast %slice3A_8 : vector<1x1x1000x8xf32> to vector<1000x8xf32>
    %slice3A_10 = vector.extract_strided_slice %get3A_3 {offsets = [0, 1, 0, 0], sizes = [1, 1, 1000, 8], strides = [1, 1, 1, 1]} : vector<4x4x1000x8xf32> to vector<1x1x1000x8xf32>
    %squeeze3A_11 = vector.shape_cast %slice3A_10 : vector<1x1x1000x8xf32> to vector<1000x8xf32>
    %slice3A_12 = vector.extract_strided_slice %get3A_3 {offsets = [1, 1, 0, 0], sizes = [1, 1, 1000, 8], strides = [1, 1, 1, 1]} : vector<4x4x1000x8xf32> to vector<1x1x1000x8xf32>
    %squeeze3A_13 = vector.shape_cast %slice3A_12 : vector<1x1x1000x8xf32> to vector<1000x8xf32>
    %slice3A_14 = vector.extract_strided_slice %get3A_3 {offsets = [2, 1, 0, 0], sizes = [1, 1, 1000, 8], strides = [1, 1, 1, 1]} : vector<4x4x1000x8xf32> to vector<1x1x1000x8xf32>
    %squeeze3A_15 = vector.shape_cast %slice3A_14 : vector<1x1x1000x8xf32> to vector<1000x8xf32>
    %slice3A_16 = vector.extract_strided_slice %get3A_3 {offsets = [3, 1, 0, 0], sizes = [1, 1, 1000, 8], strides = [1, 1, 1, 1]} : vector<4x4x1000x8xf32> to vector<1x1x1000x8xf32>
    %squeeze3A_17 = vector.shape_cast %slice3A_16 : vector<1x1x1000x8xf32> to vector<1000x8xf32>
    %slice3A_18 = vector.extract_strided_slice %get3A_3 {offsets = [0, 2, 0, 0], sizes = [1, 1, 1000, 8], strides = [1, 1, 1, 1]} : vector<4x4x1000x8xf32> to vector<1x1x1000x8xf32>
    %squeeze3A_19 = vector.shape_cast %slice3A_18 : vector<1x1x1000x8xf32> to vector<1000x8xf32>
    %slice3A_20 = vector.extract_strided_slice %get3A_3 {offsets = [1, 2, 0, 0], sizes = [1, 1, 1000, 8], strides = [1, 1, 1, 1]} : vector<4x4x1000x8xf32> to vector<1x1x1000x8xf32>
    %squeeze3A_21 = vector.shape_cast %slice3A_20 : vector<1x1x1000x8xf32> to vector<1000x8xf32>
    %slice3A_22 = vector.extract_strided_slice %get3A_3 {offsets = [2, 2, 0, 0], sizes = [1, 1, 1000, 8], strides = [1, 1, 1, 1]} : vector<4x4x1000x8xf32> to vector<1x1x1000x8xf32>
    %squeeze3A_23 = vector.shape_cast %slice3A_22 : vector<1x1x1000x8xf32> to vector<1000x8xf32>
    %slice3A_24 = vector.extract_strided_slice %get3A_3 {offsets = [3, 2, 0, 0], sizes = [1, 1, 1000, 8], strides = [1, 1, 1, 1]} : vector<4x4x1000x8xf32> to vector<1x1x1000x8xf32>
    %squeeze3A_25 = vector.shape_cast %slice3A_24 : vector<1x1x1000x8xf32> to vector<1000x8xf32>
    %slice3A_26 = vector.extract_strided_slice %get3A_3 {offsets = [0, 3, 0, 0], sizes = [1, 1, 1000, 8], strides = [1, 1, 1, 1]} : vector<4x4x1000x8xf32> to vector<1x1x1000x8xf32>
    %squeeze3A_27 = vector.shape_cast %slice3A_26 : vector<1x1x1000x8xf32> to vector<1000x8xf32>
    %slice3A_28 = vector.extract_strided_slice %get3A_3 {offsets = [1, 3, 0, 0], sizes = [1, 1, 1000, 8], strides = [1, 1, 1, 1]} : vector<4x4x1000x8xf32> to vector<1x1x1000x8xf32>
    %squeeze3A_29 = vector.shape_cast %slice3A_28 : vector<1x1x1000x8xf32> to vector<1000x8xf32>
    %slice3A_30 = vector.extract_strided_slice %get3A_3 {offsets = [2, 3, 0, 0], sizes = [1, 1, 1000, 8], strides = [1, 1, 1, 1]} : vector<4x4x1000x8xf32> to vector<1x1x1000x8xf32>
    %squeeze3A_31 = vector.shape_cast %slice3A_30 : vector<1x1x1000x8xf32> to vector<1000x8xf32>
    %slice3A_32 = vector.extract_strided_slice %get3A_3 {offsets = [3, 3, 0, 0], sizes = [1, 1, 1000, 8], strides = [1, 1, 1, 1]} : vector<4x4x1000x8xf32> to vector<1x1x1000x8xf32>
    %squeeze3A_33 = vector.shape_cast %slice3A_32 : vector<1x1x1000x8xf32> to vector<1000x8xf32>
    %concatenate3A = tpu.concatenate %squeeze3A, %squeeze3A_5, %squeeze3A_7, %squeeze3A_9, %squeeze3A_11, %squeeze3A_13, %squeeze3A_15, %squeeze3A_17, %squeeze3A_19, %squeeze3A_21, %squeeze3A_23, %squeeze3A_25, %squeeze3A_27, %squeeze3A_29, %squeeze3A_31, %squeeze3A_33 in 1 : vector<1000x8xf32>, vector<1000x8xf32>, vector<1000x8xf32>, vector<1000x8xf32>, vector<1000x8xf32>, vector<1000x8xf32>, vector<1000x8xf32>, vector<1000x8xf32>, vector<1000x8xf32>, vector<1000x8xf32>, vector<1000x8xf32>, vector<1000x8xf32>, vector<1000x8xf32>, vector<1000x8xf32>, vector<1000x8xf32>, vector<1000x8xf32> -> vector<1000x128xf32>
    %broadcast_in_dim3A = arith.constant 0.000000e+00 : f32
    %broadcast_in_dim3A_34 = vector.broadcast %broadcast_in_dim3A : f32 to vector<24x128xf32>
    %concatenate3A_35 = tpu.concatenate %concatenate3A, %broadcast_in_dim3A_34 in 0 : vector<1000x128xf32>, vector<24x128xf32> -> vector<1024x128xf32>
    %iota3A = tpu.iota {dimensions = array<i32: 0>} : vector<128x128xi32>
    %jit3A = arith.constant 8 : i32
    %div3A = vector.broadcast %jit3A : i32 to vector<128x128xi32>
    %div3A_36 = arith.divsi %iota3A, %div3A : vector<128x128xi32>
    %sign3A = arith.constant 0 : i32
    %sign3A_37 = vector.broadcast %sign3A : i32 to vector<128x128xi32>
    %sign3A_38 = arith.cmpi sgt, %iota3A, %sign3A_37 : vector<128x128xi32>
    %sign3A_39 = arith.extui %sign3A_38 : vector<128x128xi1> to vector<128x128xi32>
    %sign3A_40 = arith.constant 0 : i32
    %sign3A_41 = vector.broadcast %sign3A_40 : i32 to vector<128x128xi32>
    %sign3A_42 = arith.cmpi slt, %iota3A, %sign3A_41 : vector<128x128xi32>
    %sign3A_43 = arith.extui %sign3A_42 : vector<128x128xi1> to vector<128x128xi32>
    %sign3A_44 = arith.subi %sign3A_39, %sign3A_43 : vector<128x128xi32>
    %sign3A_45 = arith.constant 0 : i32
    %sign3A_46 = arith.cmpi sgt, %jit3A, %sign3A_45 : i32
    %sign3A_47 = arith.extui %sign3A_46 : i1 to i32
    %sign3A_48 = arith.constant 0 : i32
    %sign3A_49 = arith.cmpi slt, %jit3A, %sign3A_48 : i32
    %sign3A_50 = arith.extui %sign3A_49 : i1 to i32
    %sign3A_51 = arith.subi %sign3A_47, %sign3A_50 : i32
    %ne3A = vector.broadcast %sign3A_51 : i32 to vector<128x128xi32>
    %ne3A_52 = arith.cmpi ne, %sign3A_44, %ne3A : vector<128x128xi32>
    %rem3A = vector.broadcast %jit3A : i32 to vector<128x128xi32>
    %rem3A_53 = arith.remsi %iota3A, %rem3A : vector<128x128xi32>
    %ne3A_54 = arith.constant 0 : i32
    %ne3A_55 = vector.broadcast %ne3A_54 : i32 to vector<128x128xi32>
    %ne3A_56 = arith.cmpi ne, %rem3A_53, %ne3A_55 : vector<128x128xi32>
    %and3A = arith.andi %ne3A_52, %ne3A_56 : vector<128x128xi1>
    %sub3A = arith.constant 1 : i32
    %sub3A_57 = vector.broadcast %sub3A : i32 to vector<128x128xi32>
    %sub3A_58 = arith.subi %div3A_36, %sub3A_57 : vector<128x128xi32>
    %select_n3A = arith.select %and3A, %sub3A_58, %div3A_36 : vector<128x128xi1>, vector<128x128xi32>
    %iota3A_59 = tpu.iota {dimensions = array<i32: 1>} : vector<128x128xi32>
    %jit3A_60 = arith.constant 8 : i32
    %div3A_61 = vector.broadcast %jit3A_60 : i32 to vector<128x128xi32>
    %div3A_62 = arith.divsi %iota3A_59, %div3A_61 : vector<128x128xi32>
    %sign3A_63 = arith.constant 0 : i32
    %sign3A_64 = vector.broadcast %sign3A_63 : i32 to vector<128x128xi32>
    %sign3A_65 = arith.cmpi sgt, %iota3A_59, %sign3A_64 : vector<128x128xi32>
    %sign3A_66 = arith.extui %sign3A_65 : vector<128x128xi1> to vector<128x128xi32>
    %sign3A_67 = arith.constant 0 : i32
    %sign3A_68 = vector.broadcast %sign3A_67 : i32 to vector<128x128xi32>
    %sign3A_69 = arith.cmpi slt, %iota3A_59, %sign3A_68 : vector<128x128xi32>
    %sign3A_70 = arith.extui %sign3A_69 : vector<128x128xi1> to vector<128x128xi32>
    %sign3A_71 = arith.subi %sign3A_66, %sign3A_70 : vector<128x128xi32>
    %sign3A_72 = arith.constant 0 : i32
    %sign3A_73 = arith.cmpi sgt, %jit3A_60, %sign3A_72 : i32
    %sign3A_74 = arith.extui %sign3A_73 : i1 to i32
    %sign3A_75 = arith.constant 0 : i32
    %sign3A_76 = arith.cmpi slt, %jit3A_60, %sign3A_75 : i32
    %sign3A_77 = arith.extui %sign3A_76 : i1 to i32
    %sign3A_78 = arith.subi %sign3A_74, %sign3A_77 : i32
    %ne3A_79 = vector.broadcast %sign3A_78 : i32 to vector<128x128xi32>
    %ne3A_80 = arith.cmpi ne, %sign3A_71, %ne3A_79 : vector<128x128xi32>
    %rem3A_81 = vector.broadcast %jit3A_60 : i32 to vector<128x128xi32>
    %rem3A_82 = arith.remsi %iota3A_59, %rem3A_81 : vector<128x128xi32>
    %ne3A_83 = arith.constant 0 : i32
    %ne3A_84 = vector.broadcast %ne3A_83 : i32 to vector<128x128xi32>
    %ne3A_85 = arith.cmpi ne, %rem3A_82, %ne3A_84 : vector<128x128xi32>
    %and3A_86 = arith.andi %ne3A_80, %ne3A_85 : vector<128x128xi1>
    %sub3A_87 = arith.constant 1 : i32
    %sub3A_88 = vector.broadcast %sub3A_87 : i32 to vector<128x128xi32>
    %sub3A_89 = arith.subi %div3A_62, %sub3A_88 : vector<128x128xi32>
    %select_n3A_90 = arith.select %and3A_86, %sub3A_89, %div3A_62 : vector<128x128xi1>, vector<128x128xi32>
    %eq3A = arith.cmpi eq, %select_n3A, %select_n3A_90 : vector<128x128xi32>
    %jit3A_91 = arith.constant 1.250000e-01 : f32
    %jit3A_92 = arith.constant 0.000000e+00 : f32
    %broadcast_in_dim3A_93 = vector.broadcast %jit3A_91 : f32 to vector<128x128xf32>
    %broadcast_in_dim3A_94 = vector.broadcast %jit3A_92 : f32 to vector<128x128xf32>
    %select_n3A_95 = arith.select %eq3A, %broadcast_in_dim3A_93, %broadcast_in_dim3A_94 : vector<128x128xi1>, vector<128x128xf32>
    %dot_general3A = arith.constant dense<0.000000e+00> : vector<1024x128xf32>
    %dot_general3A_96 = tpu.matmul %concatenate3A_35, %select_n3A_95, %dot_general3A {dimension_numbers = #tpu.dot_dimension_numbers<[1], [0], [0], [1], [0, 0, 1, 1], [], []>, transpose_lhs_hint = false} : vector<1024x128xf32>, vector<128x128xf32>, vector<1024x128xf32> -> vector<1024x128xf32>
    %mul3A = arith.mulf %concatenate3A_35, %concatenate3A_35 : vector<1024x128xf32>
    %dot_general3A_97 = arith.constant dense<0.000000e+00> : vector<1024x128xf32>
    %dot_general3A_98 = tpu.matmul %mul3A, %select_n3A_95, %dot_general3A_97 {dimension_numbers = #tpu.dot_dimension_numbers<[1], [0], [0], [1], [0, 0, 1, 1], [], []>, transpose_lhs_hint = false} : vector<1024x128xf32>, vector<128x128xf32>, vector<1024x128xf32> -> vector<1024x128xf32>
    %mul3A_99 = arith.mulf %dot_general3A_96, %dot_general3A_96 : vector<1024x128xf32>
    %sub3A_100 = arith.subf %dot_general3A_98, %mul3A_99 : vector<1024x128xf32>
    %sub3A_101 = arith.subf %concatenate3A_35, %dot_general3A_96 : vector<1024x128xf32>
    %add3A = arith.constant 9.99999974E-6 : f32
    %add3A_102 = vector.broadcast %add3A : f32 to vector<1024x128xf32>
    %add3A_103 = arith.addf %sub3A_100, %add3A_102 : vector<1024x128xf32>
    %rsqrt3A = math.rsqrt %add3A_103 : vector<1024x128xf32>
    %mul3A_104 = arith.mulf %sub3A_101, %rsqrt3A : vector<1024x128xf32>
    %get3A_105 = arith.constant 0 : index
    %get3A_106 = arith.constant 0 : index
    %get3A_107 = vector.load %arg2[%get3A_105, %get3A_106] : memref<1x128xf32, #tpu.memory_space<vmem>>, vector<1x128xf32>
    %mul3A_108 = vector.broadcast %get3A_107 : vector<1x128xf32> to vector<1024x128xf32>
    %mul3A_109 = arith.mulf %mul3A_104, %mul3A_108 : vector<1024x128xf32>
    %get3A_110 = arith.constant 0 : index
    %get3A_111 = arith.constant 0 : index
    %get3A_112 = vector.load %arg3[%get3A_110, %get3A_111] : memref<1x128xf32, #tpu.memory_space<vmem>>, vector<1x128xf32>
    %add3A_113 = vector.broadcast %get3A_112 : vector<1x128xf32> to vector<1024x128xf32>
    %add3A_114 = arith.addf %mul3A_109, %add3A_113 : vector<1024x128xf32>
    %swap3A = arith.constant 0 : index
    %swap3A_115 = arith.constant 0 : index
    %swap3A_116 = vector.load %arg4[%swap3A, %swap3A_115] : memref<1024x128xf32, #tpu.memory_space<vmem>>, vector<1024x128xf32>
    tpu.vector_store %arg4[%swap3A, %swap3A_115], %add3A_114 {strides = array<i32>} : memref<1024x128xf32, #tpu.memory_space<vmem>>, vector<1024x128xf32>,
    return
  }
  func.func @transform_0(%arg0: i32) -> (i32, i32, i32, i32) {
    %c0_i32 = arith.constant 0 : i32
    %c0_i32_0 = arith.constant 0 : i32
    %c0_i32_1 = arith.constant 0 : i32
    %c0_i32_2 = arith.constant 0 : i32
    return %c0_i32, %arg0, %c0_i32_0, %c0_i32_1 : i32, i32, i32, i32
  }
  func.func @transform_1(%arg0: i32) -> (i32, i32) {
    %c0_i32 = arith.constant 0 : i32
    %c0_i32_0 = arith.constant 0 : i32
    %c0_i32_1 = arith.constant 0 : i32
    return %c0_i32, %c0_i32_0 : i32, i32
  }
  func.func @transform_2(%arg0: i32) -> (i32, i32) {
    %c0_i32 = arith.constant 0 : i32
    %c0_i32_0 = arith.constant 0 : i32
    %c0_i32_1 = arith.constant 0 : i32
    return %c0_i32, %c0_i32_0 : i32, i32
  }
  func.func @transform_3(%arg0: i32) -> (i32, i32) {
    %c0_i32 = arith.constant 0 : i32
    %c0_i32_0 = arith.constant 0 : i32
    return %c0_i32, %arg0 : i32, i32
  }
}

module attributes {stable_mosaic.version = 14 : i64} {
  func.func @_stats_body(%arg0: memref<1x3072xf32, #tpu.memory_space<vmem>>, %arg1: memref<1x3072xf32, #tpu.memory_space<vmem>>, %arg2: memref<1024x1xf32, #tpu.memory_space<vmem>>, %arg3: memref<1024x1xf32, #tpu.memory_space<vmem>>) attributes {dimension_semantics = [], scalar_prefetch = 0 : i64, scratch_operands = 0 : i64, tpu.core_type = #tpu.core_type<tc>} {
    %iota3A = tpu.iota {dimensions = array<i32: 0>} : vector<1024x1xi32>
    %convert_element_type3A = arith.sitofp %iota3A : vector<1024x1xi32> to vector<1024x1xf32>
    %get3A = arith.constant 0 : index
    %get3A_0 = arith.constant 0 : index
    %get3A_1 = vector.load %arg0[%get3A, %get3A_0] : memref<1x3072xf32, #tpu.memory_space<vmem>>, vector<1x3072xf32>
    %eq3A = vector.broadcast %convert_element_type3A : vector<1024x1xf32> to vector<1024x3072xf32>
    %eq3A_2 = vector.broadcast %get3A_1 : vector<1x3072xf32> to vector<1024x3072xf32>
    %eq3A_3 = arith.cmpf oeq, %eq3A, %eq3A_2 : vector<1024x3072xf32>
    %convert_element_type3A_4 = arith.extui %eq3A_3 : vector<1024x3072xi1> to vector<1024x3072xi32>
    %convert_element_type3A_5 = arith.sitofp %convert_element_type3A_4 : vector<1024x3072xi32> to vector<1024x3072xf32>
    %convert_element_type3A_6 = arith.truncf %convert_element_type3A_5 : vector<1024x3072xf32> to vector<1024x3072xbf16>
    %get3A_7 = arith.constant 0 : index
    %get3A_8 = arith.constant 0 : index
    %get3A_9 = vector.load %arg1[%get3A_7, %get3A_8] : memref<1x3072xf32, #tpu.memory_space<vmem>>, vector<1x3072xf32>
    %eq3A_10 = vector.broadcast %convert_element_type3A : vector<1024x1xf32> to vector<1024x3072xf32>
    %eq3A_11 = vector.broadcast %get3A_9 : vector<1x3072xf32> to vector<1024x3072xf32>
    %eq3A_12 = arith.cmpf oeq, %eq3A_10, %eq3A_11 : vector<1024x3072xf32>
    %convert_element_type3A_13 = arith.extui %eq3A_12 : vector<1024x3072xi1> to vector<1024x3072xi32>
    %convert_element_type3A_14 = arith.sitofp %convert_element_type3A_13 : vector<1024x3072xi32> to vector<1024x3072xf32>
    %convert_element_type3A_15 = arith.truncf %convert_element_type3A_14 : vector<1024x3072xf32> to vector<1024x3072xbf16>
    %dot_general3A = arith.constant dense<0.000000e+00> : vector<1024x1024xf32>
    %dot_general3A_16 = tpu.matmul %convert_element_type3A_6, %convert_element_type3A_15, %dot_general3A {dimension_numbers = #tpu.dot_dimension_numbers<[1], [1], [0], [0], [0, 0, 1, 0], [], []>, transpose_lhs_hint = false} : vector<1024x3072xbf16>, vector<1024x3072xbf16>, vector<1024x1024xf32> -> vector<1024x1024xf32>
    %broadcast_in_dim3A = arith.constant 1.000000e+00 : f32
    %broadcast_in_dim3A_17 = vector.broadcast %broadcast_in_dim3A : f32 to vector<1024x1xf32>
    %dot_general3A_18 = arith.constant dense<0.000000e+00> : vector<1024x1xf32>
    %dot_general3A_19 = tpu.matmul %dot_general3A_16, %broadcast_in_dim3A_17, %dot_general3A_18 {dimension_numbers = #tpu.dot_dimension_numbers<[0], [0], [1], [1], [0, 1, 1, 1], [], []>, transpose_lhs_hint = false} : vector<1024x1024xf32>, vector<1024x1xf32>, vector<1024x1xf32> -> vector<1024x1xf32>
    %add3A = arith.constant 1.000000e+00 : f32
    %add3A_20 = vector.broadcast %add3A : f32 to vector<1024x1xf32>
    %add3A_21 = arith.addf %dot_general3A_19, %add3A_20 : vector<1024x1xf32>
    %div3A = arith.constant 1.000000e+00 : f32
    %div3A_22 = vector.broadcast %div3A : f32 to vector<1024x1xf32>
    %div3A_23 = arith.divf %div3A_22, %add3A_21 : vector<1024x1xf32>
    %dot_general3A_24 = arith.constant dense<0.000000e+00> : vector<1024x1xf32>
    %dot_general3A_25 = tpu.matmul %dot_general3A_16, %div3A_23, %dot_general3A_24 {dimension_numbers = #tpu.dot_dimension_numbers<[1], [0], [0], [1], [0, 0, 1, 1], [], []>, transpose_lhs_hint = false} : vector<1024x1024xf32>, vector<1024x1xf32>, vector<1024x1xf32> -> vector<1024x1xf32>
    %lt3A = arith.constant 1000 : i32
    %lt3A_26 = vector.broadcast %lt3A : i32 to vector<1024x1xi32>
    %lt3A_27 = arith.cmpi slt, %iota3A, %lt3A_26 : vector<1024x1xi32>
    %add3A_28 = arith.addf %div3A_23, %dot_general3A_25 : vector<1024x1xf32>
    %jit3A = arith.constant 0.000000e+00 : f32
    %broadcast_in_dim3A_29 = vector.broadcast %jit3A : f32 to vector<1024x1xf32>
    %select_n3A = arith.select %lt3A_27, %add3A_28, %broadcast_in_dim3A_29 : vector<1024x1xi1>, vector<1024x1xf32>
    %swap3A = arith.constant 0 : index
    %swap3A_30 = arith.constant 0 : index
    %swap3A_31 = vector.load %arg2[%swap3A, %swap3A_30] : memref<1024x1xf32, #tpu.memory_space<vmem>>, vector<1024x1xf32>
    tpu.vector_store %arg2[%swap3A, %swap3A_30], %div3A_23 {strides = array<i32>} : memref<1024x1xf32, #tpu.memory_space<vmem>>, vector<1024x1xf32>,
    %swap3A_32 = arith.constant 0 : index
    %swap3A_33 = arith.constant 0 : index
    %swap3A_34 = vector.load %arg3[%swap3A_32, %swap3A_33] : memref<1024x1xf32, #tpu.memory_space<vmem>>, vector<1024x1xf32>
    tpu.vector_store %arg3[%swap3A_32, %swap3A_33], %select_n3A {strides = array<i32>} : memref<1024x1xf32, #tpu.memory_space<vmem>>, vector<1024x1xf32>,
    return
  }
}

module attributes {stable_mosaic.version = 14 : i64} {
  func.func @_nodemlp_body(%arg0: i32, %arg1: memref<1024x128xf32, #tpu.memory_space<vmem>>, %arg2: memref<2x1024x128xf32, #tpu.memory_space<vmem>>, %arg3: memref<1024x1xf32, #tpu.memory_space<vmem>>, %arg4: memref<1024x1xf32, #tpu.memory_space<vmem>>, %arg5: memref<128x2048xf32, #tpu.memory_space<vmem>>, %arg6: memref<1x2048xf32, #tpu.memory_space<vmem>>, %arg7: memref<1x1x2048xf32, #tpu.memory_space<vmem>>) attributes {dimension_semantics = [#tpu.dimension_semantics<arbitrary>], iteration_bounds = array<i64: 6>, scalar_prefetch = 0 : i64, scratch_operands = 0 : i64, tpu.core_type = #tpu.core_type<tc>, window_params = [{transform_indices = @transform_0, window_bounds = array<i64: 1024, 128>}, {transform_indices = @transform_1, window_bounds = array<i64: 2, 1024, 128>}, {pipeline_mode = #tpu.pipeline_mode<synchronous>, transform_indices = @transform_2, window_bounds = array<i64: 1024, 1>}, {pipeline_mode = #tpu.pipeline_mode<synchronous>, transform_indices = @transform_3, window_bounds = array<i64: 1024, 1>}, {pipeline_mode = #tpu.pipeline_mode<synchronous>, transform_indices = @transform_4, window_bounds = array<i64: 128, 2048>}, {pipeline_mode = #tpu.pipeline_mode<synchronous>, transform_indices = @transform_5, window_bounds = array<i64: 1, 2048>}, {transform_indices = @transform_6, window_bounds = array<i64: 1, 1, 2048>}]} {
    %get3A = arith.constant 0 : index
    %get3A_0 = arith.constant 0 : index
    %get3A_1 = vector.load %arg1[%get3A, %get3A_0] : memref<1024x128xf32, #tpu.memory_space<vmem>>, vector<1024x128xf32>
    %get3A_2 = arith.constant 0 : index
    %get3A_3 = arith.constant 0 : index
    %get3A_4 = arith.constant 0 : index
    %get3A_5 = vector.load %arg2[%get3A_2, %get3A_3, %get3A_4] : memref<2x1024x128xf32, #tpu.memory_space<vmem>>, vector<1x1024x128xf32>
    %get3A_6 = vector.shape_cast %get3A_5 : vector<1x1024x128xf32> to vector<1024x128xf32>
    %add3A = arith.addf %get3A_1, %get3A_6 : vector<1024x128xf32>
    %get3A_7 = arith.constant 1 : index
    %get3A_8 = arith.constant 0 : index
    %get3A_9 = arith.constant 0 : index
    %get3A_10 = vector.load %arg2[%get3A_7, %get3A_8, %get3A_9] : memref<2x1024x128xf32, #tpu.memory_space<vmem>>, vector<1x1024x128xf32>
    %get3A_11 = vector.shape_cast %get3A_10 : vector<1x1024x128xf32> to vector<1024x128xf32>
    %add3A_12 = arith.addf %add3A, %get3A_11 : vector<1024x128xf32>
    %get3A_13 = arith.constant 0 : index
    %get3A_14 = arith.constant 0 : index
    %get3A_15 = vector.load %arg3[%get3A_13, %get3A_14] : memref<1024x1xf32, #tpu.memory_space<vmem>>, vector<1024x1xf32>
    %mul3A = vector.broadcast %get3A_15 : vector<1024x1xf32> to vector<1024x128xf32>
    %mul3A_16 = arith.mulf %add3A_12, %mul3A : vector<1024x128xf32>
    %get3A_17 = arith.constant 0 : index
    %get3A_18 = arith.constant 0 : index
    %get3A_19 = vector.load %arg5[%get3A_17, %get3A_18] : memref<128x2048xf32, #tpu.memory_space<vmem>>, vector<128x2048xf32>
    %dot_general3A = arith.constant dense<0.000000e+00> : vector<1024x2048xf32>
    %dot_general3A_20 = tpu.matmul %mul3A_16, %get3A_19, %dot_general3A {dimension_numbers = #tpu.dot_dimension_numbers<[1], [0], [0], [1], [0, 0, 1, 1], [], []>, transpose_lhs_hint = false} : vector<1024x128xf32>, vector<128x2048xf32>, vector<1024x2048xf32> -> vector<1024x2048xf32>
    %get3A_21 = arith.constant 0 : index
    %get3A_22 = arith.constant 0 : index
    %get3A_23 = vector.load %arg6[%get3A_21, %get3A_22] : memref<1x2048xf32, #tpu.memory_space<vmem>>, vector<1x2048xf32>
    %add3A_24 = vector.broadcast %get3A_23 : vector<1x2048xf32> to vector<1024x2048xf32>
    %add3A_25 = arith.addf %dot_general3A_20, %add3A_24 : vector<1024x2048xf32>
    %max3A = arith.constant 0.000000e+00 : f32
    %max3A_26 = vector.broadcast %max3A : f32 to vector<1024x2048xf32>
    %max3A_27 = arith.maximumf %add3A_25, %max3A_26 : vector<1024x2048xf32>
    %get3A_28 = arith.constant 0 : index
    %get3A_29 = arith.constant 0 : index
    %get3A_30 = vector.load %arg4[%get3A_28, %get3A_29] : memref<1024x1xf32, #tpu.memory_space<vmem>>, vector<1024x1xf32>
    %mul3A_31 = vector.broadcast %get3A_30 : vector<1024x1xf32> to vector<1024x2048xf32>
    %mul3A_32 = arith.mulf %mul3A_31, %max3A_27 : vector<1024x2048xf32>
    %reduce_sum3A = arith.constant dense<0.000000e+00> : vector<2048xf32>
    %reduce_sum3A_33 = vector.multi_reduction <add>, %mul3A_32, %reduce_sum3A [0] : vector<1024x2048xf32> to vector<2048xf32>
    %broadcast_in_dim3A = vector.shape_cast %reduce_sum3A_33 : vector<2048xf32> to vector<1x2048xf32>
    %reshape3A = vector.shape_cast %broadcast_in_dim3A : vector<1x2048xf32> to vector<1x1x2048xf32>
    %swap3A = arith.constant 0 : index
    %swap3A_34 = arith.constant 0 : index
    %swap3A_35 = arith.constant 0 : index
    %swap3A_36 = vector.load %arg7[%swap3A, %swap3A_34, %swap3A_35] : memref<1x1x2048xf32, #tpu.memory_space<vmem>>, vector<1x1x2048xf32>
    tpu.vector_store %arg7[%swap3A, %swap3A_34, %swap3A_35], %reshape3A {strides = array<i32>} : memref<1x1x2048xf32, #tpu.memory_space<vmem>>, vector<1x1x2048xf32>,
    return
  }
  func.func @transform_0(%arg0: i32) -> (i32, i32) {
    %c0_i32 = arith.constant 0 : i32
    %c0_i32_0 = arith.constant 0 : i32
    return %c0_i32, %arg0 : i32, i32
  }
  func.func @transform_1(%arg0: i32) -> (i32, i32, i32) {
    %c0_i32 = arith.constant 0 : i32
    %c0_i32_0 = arith.constant 0 : i32
    %c0_i32_1 = arith.constant 0 : i32
    return %c0_i32, %c0_i32_0, %arg0 : i32, i32, i32
  }
  func.func @transform_2(%arg0: i32) -> (i32, i32) {
    %c0_i32 = arith.constant 0 : i32
    %c0_i32_0 = arith.constant 0 : i32
    %c0_i32_1 = arith.constant 0 : i32
    return %c0_i32, %c0_i32_0 : i32, i32
  }
  func.func @transform_3(%arg0: i32) -> (i32, i32) {
    %c0_i32 = arith.constant 0 : i32
    %c0_i32_0 = arith.constant 0 : i32
    %c0_i32_1 = arith.constant 0 : i32
    return %c0_i32, %c0_i32_0 : i32, i32
  }
  func.func @transform_4(%arg0: i32) -> (i32, i32) {
    %c0_i32 = arith.constant 0 : i32
    %c0_i32_0 = arith.constant 0 : i32
    %c0_i32_1 = arith.constant 0 : i32
    return %c0_i32, %c0_i32_0 : i32, i32
  }
  func.func @transform_5(%arg0: i32) -> (i32, i32) {
    %c0_i32 = arith.constant 0 : i32
    %c0_i32_0 = arith.constant 0 : i32
    %c0_i32_1 = arith.constant 0 : i32
    return %c0_i32, %c0_i32_0 : i32, i32
  }
  func.func @transform_6(%arg0: i32) -> (i32, i32, i32) {
    %c0_i32 = arith.constant 0 : i32
    %c0_i32_0 = arith.constant 0 : i32
    %c0_i32_1 = arith.constant 0 : i32
    return %arg0, %c0_i32, %c0_i32_0 : i32, i32, i32
  }
}

module attributes {stable_mosaic.version = 14 : i64} {
  func.func @_rnn_body(%arg0: memref<96x128xf32, #tpu.memory_space<vmem>>, %arg1: memref<128x128xf32, #tpu.memory_space<vmem>>, %arg2: memref<1x128xf32, #tpu.memory_space<vmem>>, %arg3: memref<128x512xf32, #tpu.memory_space<vmem>>, %arg4: memref<128x512xf32, #tpu.memory_space<vmem>>, %arg5: memref<1x512xf32, #tpu.memory_space<vmem>>, %arg6: memref<256x512xf32, #tpu.memory_space<vmem>>, %arg7: memref<1x512xf32, #tpu.memory_space<vmem>>, %arg8: memref<4x128xf32, #tpu.memory_space<vmem>>, %arg9: memref<1x1xi32, #tpu.memory_space<smem>>, %arg10: memref<128x128xf32, #tpu.memory_space<vmem>>, %arg11: memref<1x128xf32, #tpu.memory_space<vmem>>, %arg12: memref<128x64xf32, #tpu.memory_space<vmem>>, %arg13: memref<1x64xf32, #tpu.memory_space<vmem>>, %arg14: memref<64x128xf32, #tpu.memory_space<vmem>>, %arg15: memref<1x128xf32, #tpu.memory_space<vmem>>, %arg16: memref<4x128xf32, #tpu.memory_space<vmem>>) attributes {dimension_semantics = [], scalar_prefetch = 0 : i64, scratch_operands = 0 : i64, tpu.core_type = #tpu.core_type<tc>} {
    %get3A = arith.constant 0 : index
    %get3A_0 = arith.constant 0 : index
    %get3A_1 = vector.load %arg4[%get3A, %get3A_0] : memref<128x512xf32, #tpu.memory_space<vmem>>, vector<128x512xf32>
    %get3A_2 = arith.constant 0 : index
    %get3A_3 = arith.constant 0 : index
    %get3A_4 = vector.load %arg5[%get3A_2, %get3A_3] : memref<1x512xf32, #tpu.memory_space<vmem>>, vector<1x512xf32>
    %get3A_5 = arith.constant 0 : index
    %get3A_6 = arith.constant 0 : index
    %get3A_7 = vector.load %arg6[%get3A_5, %get3A_6] : memref<256x512xf32, #tpu.memory_space<vmem>>, vector<256x512xf32>
    %get3A_8 = arith.constant 0 : index
    %get3A_9 = arith.constant 0 : index
    %get3A_10 = vector.load %arg7[%get3A_8, %get3A_9] : memref<1x512xf32, #tpu.memory_space<vmem>>, vector<1x512xf32>
    %get3A_11 = arith.constant 0 : index
    %get3A_12 = arith.constant 0 : index
    %get3A_13 = vector.load %arg0[%get3A_11, %get3A_12] : memref<96x128xf32, #tpu.memory_space<vmem>>, vector<96x128xf32>
    %mul3A = arith.constant 1.000000e-03 : f32
    %mul3A_14 = vector.broadcast %mul3A : f32 to vector<96x128xf32>
    %mul3A_15 = arith.mulf %get3A_13, %mul3A_14 : vector<96x128xf32>
    %get3A_16 = arith.constant 0 : index
    %get3A_17 = arith.constant 0 : index
    %get3A_18 = vector.load %arg1[%get3A_16, %get3A_17] : memref<128x128xf32, #tpu.memory_space<vmem>>, vector<128x128xf32>
    %dot_general3A = arith.constant dense<0.000000e+00> : vector<96x128xf32>
    %dot_general3A_19 = tpu.matmul %mul3A_15, %get3A_18, %dot_general3A {dimension_numbers = #tpu.dot_dimension_numbers<[1], [0], [0], [1], [0, 0, 1, 1], [], []>, transpose_lhs_hint = false} : vector<96x128xf32>, vector<128x128xf32>, vector<96x128xf32> -> vector<96x128xf32>
    %get3A_20 = arith.constant 0 : index
    %get3A_21 = arith.constant 0 : index
    %get3A_22 = vector.load %arg2[%get3A_20, %get3A_21] : memref<1x128xf32, #tpu.memory_space<vmem>>, vector<1x128xf32>
    %add3A = vector.broadcast %get3A_22 : vector<1x128xf32> to vector<96x128xf32>
    %add3A_23 = arith.addf %dot_general3A_19, %add3A : vector<96x128xf32>
    %get3A_24 = arith.constant 0 : index
    %get3A_25 = arith.constant 0 : index
    %get3A_26 = vector.load %arg3[%get3A_24, %get3A_25] : memref<128x512xf32, #tpu.memory_space<vmem>>, vector<128x512xf32>
    %dot_general3A_27 = arith.constant dense<0.000000e+00> : vector<96x512xf32>
    %dot_general3A_28 = tpu.matmul %add3A_23, %get3A_26, %dot_general3A_27 {dimension_numbers = #tpu.dot_dimension_numbers<[1], [0], [0], [1], [0, 0, 1, 1], [], []>, transpose_lhs_hint = false} : vector<96x128xf32>, vector<128x512xf32>, vector<96x512xf32> -> vector<96x512xf32>
    %broadcast_in_dim3A = arith.constant 0.000000e+00 : f32
    %broadcast_in_dim3A_29 = vector.broadcast %broadcast_in_dim3A : f32 to vector<4x128xf32>
    %slice3A = vector.extract_strided_slice %dot_general3A_28 {offsets = [0, 0], sizes = [4, 512], strides = [1, 1]} : vector<96x512xf32> to vector<4x512xf32>
    %dot_general3A_30 = arith.constant dense<0.000000e+00> : vector<4x512xf32>
    %dot_general3A_31 = tpu.matmul %broadcast_in_dim3A_29, %get3A_1, %dot_general3A_30 {dimension_numbers = #tpu.dot_dimension_numbers<[1], [0], [0], [1], [0, 0, 1, 1], [], []>, transpose_lhs_hint = false} : vector<4x128xf32>, vector<128x512xf32>, vector<4x512xf32> -> vector<4x512xf32>
    %add3A_32 = arith.addf %slice3A, %dot_general3A_31 : vector<4x512xf32>
    %add3A_33 = vector.broadcast %get3A_4 : vector<1x512xf32> to vector<4x512xf32>
    %add3A_34 = arith.addf %add3A_32, %add3A_33 : vector<4x512xf32>
    %slice3A_35 = vector.extract_strided_slice %add3A_34 {offsets = [0, 0], sizes = [4, 128], strides = [1, 1]} : vector<4x512xf32> to vector<4x128xf32>
    %logistic3A = arith.negf %slice3A_35 : vector<4x128xf32>
    %logistic3A_36 = math.exp %logistic3A : vector<4x128xf32>
    %logistic3A_37 = arith.constant 1.000000e+00 : f32
    %logistic3A_38 = vector.broadcast %logistic3A_37 : f32 to vector<4x128xf32>
    %logistic3A_39 = arith.addf %logistic3A_38, %logistic3A_36 : vector<4x128xf32>
    %logistic3A_40 = arith.divf %logistic3A_38, %logistic3A_39 : vector<4x128xf32>
    %slice3A_41 = vector.extract_strided_slice %add3A_34 {offsets = [0, 128], sizes = [4, 128], strides = [1, 1]} : vector<4x512xf32> to vector<4x128xf32>
    %logistic3A_42 = arith.negf %slice3A_41 : vector<4x128xf32>
    %logistic3A_43 = math.exp %logistic3A_42 : vector<4x128xf32>
    %logistic3A_44 = arith.constant 1.000000e+00 : f32
    %logistic3A_45 = vector.broadcast %logistic3A_44 : f32 to vector<4x128xf32>
    %logistic3A_46 = arith.addf %logistic3A_45, %logistic3A_43 : vector<4x128xf32>
    %logistic3A_47 = arith.divf %logistic3A_45, %logistic3A_46 : vector<4x128xf32>
    %slice3A_48 = vector.extract_strided_slice %add3A_34 {offsets = [0, 256], sizes = [4, 128], strides = [1, 1]} : vector<4x512xf32> to vector<4x128xf32>
    %tanh3A = math.tanh %slice3A_48 : vector<4x128xf32>
    %slice3A_49 = vector.extract_strided_slice %add3A_34 {offsets = [0, 384], sizes = [4, 128], strides = [1, 1]} : vector<4x512xf32> to vector<4x128xf32>
    %logistic3A_50 = arith.negf %slice3A_49 : vector<4x128xf32>
    %logistic3A_51 = math.exp %logistic3A_50 : vector<4x128xf32>
    %logistic3A_52 = arith.constant 1.000000e+00 : f32
    %logistic3A_53 = vector.broadcast %logistic3A_52 : f32 to vector<4x128xf32>
    %logistic3A_54 = arith.addf %logistic3A_53, %logistic3A_51 : vector<4x128xf32>
    %logistic3A_55 = arith.divf %logistic3A_53, %logistic3A_54 : vector<4x128xf32>
    %mul3A_56 = arith.mulf %logistic3A_47, %broadcast_in_dim3A_29 : vector<4x128xf32>
    %mul3A_57 = arith.mulf %logistic3A_40, %tanh3A : vector<4x128xf32>
    %add3A_58 = arith.addf %mul3A_56, %mul3A_57 : vector<4x128xf32>
    %tanh3A_59 = math.tanh %add3A_58 : vector<4x128xf32>
    %mul3A_60 = arith.mulf %logistic3A_55, %tanh3A_59 : vector<4x128xf32>
    %concatenate3A = tpu.concatenate %mul3A_60, %broadcast_in_dim3A_29 in 1 : vector<4x128xf32>, vector<4x128xf32> -> vector<4x256xf32>
    %dot_general3A_61 = arith.constant dense<0.000000e+00> : vector<4x512xf32>
    %dot_general3A_62 = tpu.matmul %concatenate3A, %get3A_7, %dot_general3A_61 {dimension_numbers = #tpu.dot_dimension_numbers<[1], [0], [0], [1], [0, 0, 1, 1], [], []>, transpose_lhs_hint = false} : vector<4x256xf32>, vector<256x512xf32>, vector<4x512xf32> -> vector<4x512xf32>
    %add3A_63 = vector.broadcast %get3A_10 : vector<1x512xf32> to vector<4x512xf32>
    %add3A_64 = arith.addf %dot_general3A_62, %add3A_63 : vector<4x512xf32>
    %slice3A_65 = vector.extract_strided_slice %add3A_64 {offsets = [0, 0], sizes = [4, 128], strides = [1, 1]} : vector<4x512xf32> to vector<4x128xf32>
    %logistic3A_66 = arith.negf %slice3A_65 : vector<4x128xf32>
    %logistic3A_67 = math.exp %logistic3A_66 : vector<4x128xf32>
    %logistic3A_68 = arith.constant 1.000000e+00 : f32
    %logistic3A_69 = vector.broadcast %logistic3A_68 : f32 to vector<4x128xf32>
    %logistic3A_70 = arith.addf %logistic3A_69, %logistic3A_67 : vector<4x128xf32>
    %logistic3A_71 = arith.divf %logistic3A_69, %logistic3A_70 : vector<4x128xf32>
    %slice3A_72 = vector.extract_strided_slice %add3A_64 {offsets = [0, 128], sizes = [4, 128], strides = [1, 1]} : vector<4x512xf32> to vector<4x128xf32>
    %logistic3A_73 = arith.negf %slice3A_72 : vector<4x128xf32>
    %logistic3A_74 = math.exp %logistic3A_73 : vector<4x128xf32>
    %logistic3A_75 = arith.constant 1.000000e+00 : f32
    %logistic3A_76 = vector.broadcast %logistic3A_75 : f32 to vector<4x128xf32>
    %logistic3A_77 = arith.addf %logistic3A_76, %logistic3A_74 : vector<4x128xf32>
    %logistic3A_78 = arith.divf %logistic3A_76, %logistic3A_77 : vector<4x128xf32>
    %slice3A_79 = vector.extract_strided_slice %add3A_64 {offsets = [0, 256], sizes = [4, 128], strides = [1, 1]} : vector<4x512xf32> to vector<4x128xf32>
    %tanh3A_80 = math.tanh %slice3A_79 : vector<4x128xf32>
    %slice3A_81 = vector.extract_strided_slice %add3A_64 {offsets = [0, 384], sizes = [4, 128], strides = [1, 1]} : vector<4x512xf32> to vector<4x128xf32>
    %logistic3A_82 = arith.negf %slice3A_81 : vector<4x128xf32>
    %logistic3A_83 = math.exp %logistic3A_82 : vector<4x128xf32>
    %logistic3A_84 = arith.constant 1.000000e+00 : f32
    %logistic3A_85 = vector.broadcast %logistic3A_84 : f32 to vector<4x128xf32>
    %logistic3A_86 = arith.addf %logistic3A_85, %logistic3A_83 : vector<4x128xf32>
    %logistic3A_87 = arith.divf %logistic3A_85, %logistic3A_86 : vector<4x128xf32>
    %mul3A_88 = arith.mulf %logistic3A_78, %broadcast_in_dim3A_29 : vector<4x128xf32>
    %mul3A_89 = arith.mulf %logistic3A_71, %tanh3A_80 : vector<4x128xf32>
    %add3A_90 = arith.addf %mul3A_88, %mul3A_89 : vector<4x128xf32>
    %tanh3A_91 = math.tanh %add3A_90 : vector<4x128xf32>
    %mul3A_92 = arith.mulf %logistic3A_87, %tanh3A_91 : vector<4x128xf32>
    %slice3A_93 = vector.extract_strided_slice %dot_general3A_28 {offsets = [4, 0], sizes = [4, 512], strides = [1, 1]} : vector<96x512xf32> to vector<4x512xf32>
    %dot_general3A_94 = arith.constant dense<0.000000e+00> : vector<4x512xf32>
    %dot_general3A_95 = tpu.matmul %mul3A_60, %get3A_1, %dot_general3A_94 {dimension_numbers = #tpu.dot_dimension_numbers<[1], [0], [0], [1], [0, 0, 1, 1], [], []>, transpose_lhs_hint = false} : vector<4x128xf32>, vector<128x512xf32>, vector<4x512xf32> -> vector<4x512xf32>
    %add3A_96 = arith.addf %slice3A_93, %dot_general3A_95 : vector<4x512xf32>
    %add3A_97 = vector.broadcast %get3A_4 : vector<1x512xf32> to vector<4x512xf32>
    %add3A_98 = arith.addf %add3A_96, %add3A_97 : vector<4x512xf32>
    %slice3A_99 = vector.extract_strided_slice %add3A_98 {offsets = [0, 0], sizes = [4, 128], strides = [1, 1]} : vector<4x512xf32> to vector<4x128xf32>
    %logistic3A_100 = arith.negf %slice3A_99 : vector<4x128xf32>
    %logistic3A_101 = math.exp %logistic3A_100 : vector<4x128xf32>
    %logistic3A_102 = arith.constant 1.000000e+00 : f32
    %logistic3A_103 = vector.broadcast %logistic3A_102 : f32 to vector<4x128xf32>
    %logistic3A_104 = arith.addf %logistic3A_103, %logistic3A_101 : vector<4x128xf32>
    %logistic3A_105 = arith.divf %logistic3A_103, %logistic3A_104 : vector<4x128xf32>
    %slice3A_106 = vector.extract_strided_slice %add3A_98 {offsets = [0, 128], sizes = [4, 128], strides = [1, 1]} : vector<4x512xf32> to vector<4x128xf32>
    %logistic3A_107 = arith.negf %slice3A_106 : vector<4x128xf32>
    %logistic3A_108 = math.exp %logistic3A_107 : vector<4x128xf32>
    %logistic3A_109 = arith.constant 1.000000e+00 : f32
    %logistic3A_110 = vector.broadcast %logistic3A_109 : f32 to vector<4x128xf32>
    %logistic3A_111 = arith.addf %logistic3A_110, %logistic3A_108 : vector<4x128xf32>
    %logistic3A_112 = arith.divf %logistic3A_110, %logistic3A_111 : vector<4x128xf32>
    %slice3A_113 = vector.extract_strided_slice %add3A_98 {offsets = [0, 256], sizes = [4, 128], strides = [1, 1]} : vector<4x512xf32> to vector<4x128xf32>
    %tanh3A_114 = math.tanh %slice3A_113 : vector<4x128xf32>
    %slice3A_115 = vector.extract_strided_slice %add3A_98 {offsets = [0, 384], sizes = [4, 128], strides = [1, 1]} : vector<4x512xf32> to vector<4x128xf32>
    %logistic3A_116 = arith.negf %slice3A_115 : vector<4x128xf32>
    %logistic3A_117 = math.exp %logistic3A_116 : vector<4x128xf32>
    %logistic3A_118 = arith.constant 1.000000e+00 : f32
    %logistic3A_119 = vector.broadcast %logistic3A_118 : f32 to vector<4x128xf32>
    %logistic3A_120 = arith.addf %logistic3A_119, %logistic3A_117 : vector<4x128xf32>
    %logistic3A_121 = arith.divf %logistic3A_119, %logistic3A_120 : vector<4x128xf32>
    %mul3A_122 = arith.mulf %logistic3A_112, %add3A_58 : vector<4x128xf32>
    %mul3A_123 = arith.mulf %logistic3A_105, %tanh3A_114 : vector<4x128xf32>
    %add3A_124 = arith.addf %mul3A_122, %mul3A_123 : vector<4x128xf32>
    %tanh3A_125 = math.tanh %add3A_124 : vector<4x128xf32>
    %mul3A_126 = arith.mulf %logistic3A_121, %tanh3A_125 : vector<4x128xf32>
    %concatenate3A_127 = tpu.concatenate %mul3A_126, %mul3A_92 in 1 : vector<4x128xf32>, vector<4x128xf32> -> vector<4x256xf32>
    %dot_general3A_128 = arith.constant dense<0.000000e+00> : vector<4x512xf32>
    %dot_general3A_129 = tpu.matmul %concatenate3A_127, %get3A_7, %dot_general3A_128 {dimension_numbers = #tpu.dot_dimension_numbers<[1], [0], [0], [1], [0, 0, 1, 1], [], []>, transpose_lhs_hint = false} : vector<4x256xf32>, vector<256x512xf32>, vector<4x512xf32> -> vector<4x512xf32>
    %add3A_130 = vector.broadcast %get3A_10 : vector<1x512xf32> to vector<4x512xf32>
    %add3A_131 = arith.addf %dot_general3A_129, %add3A_130 : vector<4x512xf32>
    %slice3A_132 = vector.extract_strided_slice %add3A_131 {offsets = [0, 0], sizes = [4, 128], strides = [1, 1]} : vector<4x512xf32> to vector<4x128xf32>
    %logistic3A_133 = arith.negf %slice3A_132 : vector<4x128xf32>
    %logistic3A_134 = math.exp %logistic3A_133 : vector<4x128xf32>
    %logistic3A_135 = arith.constant 1.000000e+00 : f32
    %logistic3A_136 = vector.broadcast %logistic3A_135 : f32 to vector<4x128xf32>
    %logistic3A_137 = arith.addf %logistic3A_136, %logistic3A_134 : vector<4x128xf32>
    %logistic3A_138 = arith.divf %logistic3A_136, %logistic3A_137 : vector<4x128xf32>
    %slice3A_139 = vector.extract_strided_slice %add3A_131 {offsets = [0, 128], sizes = [4, 128], strides = [1, 1]} : vector<4x512xf32> to vector<4x128xf32>
    %logistic3A_140 = arith.negf %slice3A_139 : vector<4x128xf32>
    %logistic3A_141 = math.exp %logistic3A_140 : vector<4x128xf32>
    %logistic3A_142 = arith.constant 1.000000e+00 : f32
    %logistic3A_143 = vector.broadcast %logistic3A_142 : f32 to vector<4x128xf32>
    %logistic3A_144 = arith.addf %logistic3A_143, %logistic3A_141 : vector<4x128xf32>
    %logistic3A_145 = arith.divf %logistic3A_143, %logistic3A_144 : vector<4x128xf32>
    %slice3A_146 = vector.extract_strided_slice %add3A_131 {offsets = [0, 256], sizes = [4, 128], strides = [1, 1]} : vector<4x512xf32> to vector<4x128xf32>
    %tanh3A_147 = math.tanh %slice3A_146 : vector<4x128xf32>
    %slice3A_148 = vector.extract_strided_slice %add3A_131 {offsets = [0, 384], sizes = [4, 128], strides = [1, 1]} : vector<4x512xf32> to vector<4x128xf32>
    %logistic3A_149 = arith.negf %slice3A_148 : vector<4x128xf32>
    %logistic3A_150 = math.exp %logistic3A_149 : vector<4x128xf32>
    %logistic3A_151 = arith.constant 1.000000e+00 : f32
    %logistic3A_152 = vector.broadcast %logistic3A_151 : f32 to vector<4x128xf32>
    %logistic3A_153 = arith.addf %logistic3A_152, %logistic3A_150 : vector<4x128xf32>
    %logistic3A_154 = arith.divf %logistic3A_152, %logistic3A_153 : vector<4x128xf32>
    %mul3A_155 = arith.mulf %logistic3A_145, %add3A_90 : vector<4x128xf32>
    %mul3A_156 = arith.mulf %logistic3A_138, %tanh3A_147 : vector<4x128xf32>
    %add3A_157 = arith.addf %mul3A_155, %mul3A_156 : vector<4x128xf32>
    %tanh3A_158 = math.tanh %add3A_157 : vector<4x128xf32>
    %mul3A_159 = arith.mulf %logistic3A_154, %tanh3A_158 : vector<4x128xf32>
    %slice3A_160 = vector.extract_strided_slice %dot_general3A_28 {offsets = [8, 0], sizes = [4, 512], strides = [1, 1]} : vector<96x512xf32> to vector<4x512xf32>
    %dot_general3A_161 = arith.constant dense<0.000000e+00> : vector<4x512xf32>
    %dot_general3A_162 = tpu.matmul %mul3A_126, %get3A_1, %dot_general3A_161 {dimension_numbers = #tpu.dot_dimension_numbers<[1], [0], [0], [1], [0, 0, 1, 1], [], []>, transpose_lhs_hint = false} : vector<4x128xf32>, vector<128x512xf32>, vector<4x512xf32> -> vector<4x512xf32>
    %add3A_163 = arith.addf %slice3A_160, %dot_general3A_162 : vector<4x512xf32>
    %add3A_164 = vector.broadcast %get3A_4 : vector<1x512xf32> to vector<4x512xf32>
    %add3A_165 = arith.addf %add3A_163, %add3A_164 : vector<4x512xf32>
    %slice3A_166 = vector.extract_strided_slice %add3A_165 {offsets = [0, 0], sizes = [4, 128], strides = [1, 1]} : vector<4x512xf32> to vector<4x128xf32>
    %logistic3A_167 = arith.negf %slice3A_166 : vector<4x128xf32>
    %logistic3A_168 = math.exp %logistic3A_167 : vector<4x128xf32>
    %logistic3A_169 = arith.constant 1.000000e+00 : f32
    %logistic3A_170 = vector.broadcast %logistic3A_169 : f32 to vector<4x128xf32>
    %logistic3A_171 = arith.addf %logistic3A_170, %logistic3A_168 : vector<4x128xf32>
    %logistic3A_172 = arith.divf %logistic3A_170, %logistic3A_171 : vector<4x128xf32>
    %slice3A_173 = vector.extract_strided_slice %add3A_165 {offsets = [0, 128], sizes = [4, 128], strides = [1, 1]} : vector<4x512xf32> to vector<4x128xf32>
    %logistic3A_174 = arith.negf %slice3A_173 : vector<4x128xf32>
    %logistic3A_175 = math.exp %logistic3A_174 : vector<4x128xf32>
    %logistic3A_176 = arith.constant 1.000000e+00 : f32
    %logistic3A_177 = vector.broadcast %logistic3A_176 : f32 to vector<4x128xf32>
    %logistic3A_178 = arith.addf %logistic3A_177, %logistic3A_175 : vector<4x128xf32>
    %logistic3A_179 = arith.divf %logistic3A_177, %logistic3A_178 : vector<4x128xf32>
    %slice3A_180 = vector.extract_strided_slice %add3A_165 {offsets = [0, 256], sizes = [4, 128], strides = [1, 1]} : vector<4x512xf32> to vector<4x128xf32>
    %tanh3A_181 = math.tanh %slice3A_180 : vector<4x128xf32>
    %slice3A_182 = vector.extract_strided_slice %add3A_165 {offsets = [0, 384], sizes = [4, 128], strides = [1, 1]} : vector<4x512xf32> to vector<4x128xf32>
    %logistic3A_183 = arith.negf %slice3A_182 : vector<4x128xf32>
    %logistic3A_184 = math.exp %logistic3A_183 : vector<4x128xf32>
    %logistic3A_185 = arith.constant 1.000000e+00 : f32
    %logistic3A_186 = vector.broadcast %logistic3A_185 : f32 to vector<4x128xf32>
    %logistic3A_187 = arith.addf %logistic3A_186, %logistic3A_184 : vector<4x128xf32>
    %logistic3A_188 = arith.divf %logistic3A_186, %logistic3A_187 : vector<4x128xf32>
    %mul3A_189 = arith.mulf %logistic3A_179, %add3A_124 : vector<4x128xf32>
    %mul3A_190 = arith.mulf %logistic3A_172, %tanh3A_181 : vector<4x128xf32>
    %add3A_191 = arith.addf %mul3A_189, %mul3A_190 : vector<4x128xf32>
    %tanh3A_192 = math.tanh %add3A_191 : vector<4x128xf32>
    %mul3A_193 = arith.mulf %logistic3A_188, %tanh3A_192 : vector<4x128xf32>
    %concatenate3A_194 = tpu.concatenate %mul3A_193, %mul3A_159 in 1 : vector<4x128xf32>, vector<4x128xf32> -> vector<4x256xf32>
    %dot_general3A_195 = arith.constant dense<0.000000e+00> : vector<4x512xf32>
    %dot_general3A_196 = tpu.matmul %concatenate3A_194, %get3A_7, %dot_general3A_195 {dimension_numbers = #tpu.dot_dimension_numbers<[1], [0], [0], [1], [0, 0, 1, 1], [], []>, transpose_lhs_hint = false} : vector<4x256xf32>, vector<256x512xf32>, vector<4x512xf32> -> vector<4x512xf32>
    %add3A_197 = vector.broadcast %get3A_10 : vector<1x512xf32> to vector<4x512xf32>
    %add3A_198 = arith.addf %dot_general3A_196, %add3A_197 : vector<4x512xf32>
    %slice3A_199 = vector.extract_strided_slice %add3A_198 {offsets = [0, 0], sizes = [4, 128], strides = [1, 1]} : vector<4x512xf32> to vector<4x128xf32>
    %logistic3A_200 = arith.negf %slice3A_199 : vector<4x128xf32>
    %logistic3A_201 = math.exp %logistic3A_200 : vector<4x128xf32>
    %logistic3A_202 = arith.constant 1.000000e+00 : f32
    %logistic3A_203 = vector.broadcast %logistic3A_202 : f32 to vector<4x128xf32>
    %logistic3A_204 = arith.addf %logistic3A_203, %logistic3A_201 : vector<4x128xf32>
    %logistic3A_205 = arith.divf %logistic3A_203, %logistic3A_204 : vector<4x128xf32>
    %slice3A_206 = vector.extract_strided_slice %add3A_198 {offsets = [0, 128], sizes = [4, 128], strides = [1, 1]} : vector<4x512xf32> to vector<4x128xf32>
    %logistic3A_207 = arith.negf %slice3A_206 : vector<4x128xf32>
    %logistic3A_208 = math.exp %logistic3A_207 : vector<4x128xf32>
    %logistic3A_209 = arith.constant 1.000000e+00 : f32
    %logistic3A_210 = vector.broadcast %logistic3A_209 : f32 to vector<4x128xf32>
    %logistic3A_211 = arith.addf %logistic3A_210, %logistic3A_208 : vector<4x128xf32>
    %logistic3A_212 = arith.divf %logistic3A_210, %logistic3A_211 : vector<4x128xf32>
    %slice3A_213 = vector.extract_strided_slice %add3A_198 {offsets = [0, 256], sizes = [4, 128], strides = [1, 1]} : vector<4x512xf32> to vector<4x128xf32>
    %tanh3A_214 = math.tanh %slice3A_213 : vector<4x128xf32>
    %slice3A_215 = vector.extract_strided_slice %add3A_198 {offsets = [0, 384], sizes = [4, 128], strides = [1, 1]} : vector<4x512xf32> to vector<4x128xf32>
    %logistic3A_216 = arith.negf %slice3A_215 : vector<4x128xf32>
    %logistic3A_217 = math.exp %logistic3A_216 : vector<4x128xf32>
    %logistic3A_218 = arith.constant 1.000000e+00 : f32
    %logistic3A_219 = vector.broadcast %logistic3A_218 : f32 to vector<4x128xf32>
    %logistic3A_220 = arith.addf %logistic3A_219, %logistic3A_217 : vector<4x128xf32>
    %logistic3A_221 = arith.divf %logistic3A_219, %logistic3A_220 : vector<4x128xf32>
    %mul3A_222 = arith.mulf %logistic3A_212, %add3A_157 : vector<4x128xf32>
    %mul3A_223 = arith.mulf %logistic3A_205, %tanh3A_214 : vector<4x128xf32>
    %add3A_224 = arith.addf %mul3A_222, %mul3A_223 : vector<4x128xf32>
    %tanh3A_225 = math.tanh %add3A_224 : vector<4x128xf32>
    %mul3A_226 = arith.mulf %logistic3A_221, %tanh3A_225 : vector<4x128xf32>
    %slice3A_227 = vector.extract_strided_slice %dot_general3A_28 {offsets = [12, 0], sizes = [4, 512], strides = [1, 1]} : vector<96x512xf32> to vector<4x512xf32>
    %dot_general3A_228 = arith.constant dense<0.000000e+00> : vector<4x512xf32>
    %dot_general3A_229 = tpu.matmul %mul3A_193, %get3A_1, %dot_general3A_228 {dimension_numbers = #tpu.dot_dimension_numbers<[1], [0], [0], [1], [0, 0, 1, 1], [], []>, transpose_lhs_hint = false} : vector<4x128xf32>, vector<128x512xf32>, vector<4x512xf32> -> vector<4x512xf32>
    %add3A_230 = arith.addf %slice3A_227, %dot_general3A_229 : vector<4x512xf32>
    %add3A_231 = vector.broadcast %get3A_4 : vector<1x512xf32> to vector<4x512xf32>
    %add3A_232 = arith.addf %add3A_230, %add3A_231 : vector<4x512xf32>
    %slice3A_233 = vector.extract_strided_slice %add3A_232 {offsets = [0, 0], sizes = [4, 128], strides = [1, 1]} : vector<4x512xf32> to vector<4x128xf32>
    %logistic3A_234 = arith.negf %slice3A_233 : vector<4x128xf32>
    %logistic3A_235 = math.exp %logistic3A_234 : vector<4x128xf32>
    %logistic3A_236 = arith.constant 1.000000e+00 : f32
    %logistic3A_237 = vector.broadcast %logistic3A_236 : f32 to vector<4x128xf32>
    %logistic3A_238 = arith.addf %logistic3A_237, %logistic3A_235 : vector<4x128xf32>
    %logistic3A_239 = arith.divf %logistic3A_237, %logistic3A_238 : vector<4x128xf32>
    %slice3A_240 = vector.extract_strided_slice %add3A_232 {offsets = [0, 128], sizes = [4, 128], strides = [1, 1]} : vector<4x512xf32> to vector<4x128xf32>
    %logistic3A_241 = arith.negf %slice3A_240 : vector<4x128xf32>
    %logistic3A_242 = math.exp %logistic3A_241 : vector<4x128xf32>
    %logistic3A_243 = arith.constant 1.000000e+00 : f32
    %logistic3A_244 = vector.broadcast %logistic3A_243 : f32 to vector<4x128xf32>
    %logistic3A_245 = arith.addf %logistic3A_244, %logistic3A_242 : vector<4x128xf32>
    %logistic3A_246 = arith.divf %logistic3A_244, %logistic3A_245 : vector<4x128xf32>
    %slice3A_247 = vector.extract_strided_slice %add3A_232 {offsets = [0, 256], sizes = [4, 128], strides = [1, 1]} : vector<4x512xf32> to vector<4x128xf32>
    %tanh3A_248 = math.tanh %slice3A_247 : vector<4x128xf32>
    %slice3A_249 = vector.extract_strided_slice %add3A_232 {offsets = [0, 384], sizes = [4, 128], strides = [1, 1]} : vector<4x512xf32> to vector<4x128xf32>
    %logistic3A_250 = arith.negf %slice3A_249 : vector<4x128xf32>
    %logistic3A_251 = math.exp %logistic3A_250 : vector<4x128xf32>
    %logistic3A_252 = arith.constant 1.000000e+00 : f32
    %logistic3A_253 = vector.broadcast %logistic3A_252 : f32 to vector<4x128xf32>
    %logistic3A_254 = arith.addf %logistic3A_253, %logistic3A_251 : vector<4x128xf32>
    %logistic3A_255 = arith.divf %logistic3A_253, %logistic3A_254 : vector<4x128xf32>
    %mul3A_256 = arith.mulf %logistic3A_246, %add3A_191 : vector<4x128xf32>
    %mul3A_257 = arith.mulf %logistic3A_239, %tanh3A_248 : vector<4x128xf32>
    %add3A_258 = arith.addf %mul3A_256, %mul3A_257 : vector<4x128xf32>
    %tanh3A_259 = math.tanh %add3A_258 : vector<4x128xf32>
    %mul3A_260 = arith.mulf %logistic3A_255, %tanh3A_259 : vector<4x128xf32>
    %concatenate3A_261 = tpu.concatenate %mul3A_260, %mul3A_226 in 1 : vector<4x128xf32>, vector<4x128xf32> -> vector<4x256xf32>
    %dot_general3A_262 = arith.constant dense<0.000000e+00> : vector<4x512xf32>
    %dot_general3A_263 = tpu.matmul %concatenate3A_261, %get3A_7, %dot_general3A_262 {dimension_numbers = #tpu.dot_dimension_numbers<[1], [0], [0], [1], [0, 0, 1, 1], [], []>, transpose_lhs_hint = false} : vector<4x256xf32>, vector<256x512xf32>, vector<4x512xf32> -> vector<4x512xf32>
    %add3A_264 = vector.broadcast %get3A_10 : vector<1x512xf32> to vector<4x512xf32>
    %add3A_265 = arith.addf %dot_general3A_263, %add3A_264 : vector<4x512xf32>
    %slice3A_266 = vector.extract_strided_slice %add3A_265 {offsets = [0, 0], sizes = [4, 128], strides = [1, 1]} : vector<4x512xf32> to vector<4x128xf32>
    %logistic3A_267 = arith.negf %slice3A_266 : vector<4x128xf32>
    %logistic3A_268 = math.exp %logistic3A_267 : vector<4x128xf32>
    %logistic3A_269 = arith.constant 1.000000e+00 : f32
    %logistic3A_270 = vector.broadcast %logistic3A_269 : f32 to vector<4x128xf32>
    %logistic3A_271 = arith.addf %logistic3A_270, %logistic3A_268 : vector<4x128xf32>
    %logistic3A_272 = arith.divf %logistic3A_270, %logistic3A_271 : vector<4x128xf32>
    %slice3A_273 = vector.extract_strided_slice %add3A_265 {offsets = [0, 128], sizes = [4, 128], strides = [1, 1]} : vector<4x512xf32> to vector<4x128xf32>
    %logistic3A_274 = arith.negf %slice3A_273 : vector<4x128xf32>
    %logistic3A_275 = math.exp %logistic3A_274 : vector<4x128xf32>
    %logistic3A_276 = arith.constant 1.000000e+00 : f32
    %logistic3A_277 = vector.broadcast %logistic3A_276 : f32 to vector<4x128xf32>
    %logistic3A_278 = arith.addf %logistic3A_277, %logistic3A_275 : vector<4x128xf32>
    %logistic3A_279 = arith.divf %logistic3A_277, %logistic3A_278 : vector<4x128xf32>
    %slice3A_280 = vector.extract_strided_slice %add3A_265 {offsets = [0, 256], sizes = [4, 128], strides = [1, 1]} : vector<4x512xf32> to vector<4x128xf32>
    %tanh3A_281 = math.tanh %slice3A_280 : vector<4x128xf32>
    %slice3A_282 = vector.extract_strided_slice %add3A_265 {offsets = [0, 384], sizes = [4, 128], strides = [1, 1]} : vector<4x512xf32> to vector<4x128xf32>
    %logistic3A_283 = arith.negf %slice3A_282 : vector<4x128xf32>
    %logistic3A_284 = math.exp %logistic3A_283 : vector<4x128xf32>
    %logistic3A_285 = arith.constant 1.000000e+00 : f32
    %logistic3A_286 = vector.broadcast %logistic3A_285 : f32 to vector<4x128xf32>
    %logistic3A_287 = arith.addf %logistic3A_286, %logistic3A_284 : vector<4x128xf32>
    %logistic3A_288 = arith.divf %logistic3A_286, %logistic3A_287 : vector<4x128xf32>
    %mul3A_289 = arith.mulf %logistic3A_279, %add3A_224 : vector<4x128xf32>
    %mul3A_290 = arith.mulf %logistic3A_272, %tanh3A_281 : vector<4x128xf32>
    %add3A_291 = arith.addf %mul3A_289, %mul3A_290 : vector<4x128xf32>
    %tanh3A_292 = math.tanh %add3A_291 : vector<4x128xf32>
    %mul3A_293 = arith.mulf %logistic3A_288, %tanh3A_292 : vector<4x128xf32>
    %slice3A_294 = vector.extract_strided_slice %dot_general3A_28 {offsets = [16, 0], sizes = [4, 512], strides = [1, 1]} : vector<96x512xf32> to vector<4x512xf32>
    %dot_general3A_295 = arith.constant dense<0.000000e+00> : vector<4x512xf32>
    %dot_general3A_296 = tpu.matmul %mul3A_260, %get3A_1, %dot_general3A_295 {dimension_numbers = #tpu.dot_dimension_numbers<[1], [0], [0], [1], [0, 0, 1, 1], [], []>, transpose_lhs_hint = false} : vector<4x128xf32>, vector<128x512xf32>, vector<4x512xf32> -> vector<4x512xf32>
    %add3A_297 = arith.addf %slice3A_294, %dot_general3A_296 : vector<4x512xf32>
    %add3A_298 = vector.broadcast %get3A_4 : vector<1x512xf32> to vector<4x512xf32>
    %add3A_299 = arith.addf %add3A_297, %add3A_298 : vector<4x512xf32>
    %slice3A_300 = vector.extract_strided_slice %add3A_299 {offsets = [0, 0], sizes = [4, 128], strides = [1, 1]} : vector<4x512xf32> to vector<4x128xf32>
    %logistic3A_301 = arith.negf %slice3A_300 : vector<4x128xf32>
    %logistic3A_302 = math.exp %logistic3A_301 : vector<4x128xf32>
    %logistic3A_303 = arith.constant 1.000000e+00 : f32
    %logistic3A_304 = vector.broadcast %logistic3A_303 : f32 to vector<4x128xf32>
    %logistic3A_305 = arith.addf %logistic3A_304, %logistic3A_302 : vector<4x128xf32>
    %logistic3A_306 = arith.divf %logistic3A_304, %logistic3A_305 : vector<4x128xf32>
    %slice3A_307 = vector.extract_strided_slice %add3A_299 {offsets = [0, 128], sizes = [4, 128], strides = [1, 1]} : vector<4x512xf32> to vector<4x128xf32>
    %logistic3A_308 = arith.negf %slice3A_307 : vector<4x128xf32>
    %logistic3A_309 = math.exp %logistic3A_308 : vector<4x128xf32>
    %logistic3A_310 = arith.constant 1.000000e+00 : f32
    %logistic3A_311 = vector.broadcast %logistic3A_310 : f32 to vector<4x128xf32>
    %logistic3A_312 = arith.addf %logistic3A_311, %logistic3A_309 : vector<4x128xf32>
    %logistic3A_313 = arith.divf %logistic3A_311, %logistic3A_312 : vector<4x128xf32>
    %slice3A_314 = vector.extract_strided_slice %add3A_299 {offsets = [0, 256], sizes = [4, 128], strides = [1, 1]} : vector<4x512xf32> to vector<4x128xf32>
    %tanh3A_315 = math.tanh %slice3A_314 : vector<4x128xf32>
    %slice3A_316 = vector.extract_strided_slice %add3A_299 {offsets = [0, 384], sizes = [4, 128], strides = [1, 1]} : vector<4x512xf32> to vector<4x128xf32>
    %logistic3A_317 = arith.negf %slice3A_316 : vector<4x128xf32>
    %logistic3A_318 = math.exp %logistic3A_317 : vector<4x128xf32>
    %logistic3A_319 = arith.constant 1.000000e+00 : f32
    %logistic3A_320 = vector.broadcast %logistic3A_319 : f32 to vector<4x128xf32>
    %logistic3A_321 = arith.addf %logistic3A_320, %logistic3A_318 : vector<4x128xf32>
    %logistic3A_322 = arith.divf %logistic3A_320, %logistic3A_321 : vector<4x128xf32>
    %mul3A_323 = arith.mulf %logistic3A_313, %add3A_258 : vector<4x128xf32>
    %mul3A_324 = arith.mulf %logistic3A_306, %tanh3A_315 : vector<4x128xf32>
    %add3A_325 = arith.addf %mul3A_323, %mul3A_324 : vector<4x128xf32>
    %tanh3A_326 = math.tanh %add3A_325 : vector<4x128xf32>
    %mul3A_327 = arith.mulf %logistic3A_322, %tanh3A_326 : vector<4x128xf32>
    %concatenate3A_328 = tpu.concatenate %mul3A_327, %mul3A_293 in 1 : vector<4x128xf32>, vector<4x128xf32> -> vector<4x256xf32>
    %dot_general3A_329 = arith.constant dense<0.000000e+00> : vector<4x512xf32>
    %dot_general3A_330 = tpu.matmul %concatenate3A_328, %get3A_7, %dot_general3A_329 {dimension_numbers = #tpu.dot_dimension_numbers<[1], [0], [0], [1], [0, 0, 1, 1], [], []>, transpose_lhs_hint = false} : vector<4x256xf32>, vector<256x512xf32>, vector<4x512xf32> -> vector<4x512xf32>
    %add3A_331 = vector.broadcast %get3A_10 : vector<1x512xf32> to vector<4x512xf32>
    %add3A_332 = arith.addf %dot_general3A_330, %add3A_331 : vector<4x512xf32>
    %slice3A_333 = vector.extract_strided_slice %add3A_332 {offsets = [0, 0], sizes = [4, 128], strides = [1, 1]} : vector<4x512xf32> to vector<4x128xf32>
    %logistic3A_334 = arith.negf %slice3A_333 : vector<4x128xf32>
    %logistic3A_335 = math.exp %logistic3A_334 : vector<4x128xf32>
    %logistic3A_336 = arith.constant 1.000000e+00 : f32
    %logistic3A_337 = vector.broadcast %logistic3A_336 : f32 to vector<4x128xf32>
    %logistic3A_338 = arith.addf %logistic3A_337, %logistic3A_335 : vector<4x128xf32>
    %logistic3A_339 = arith.divf %logistic3A_337, %logistic3A_338 : vector<4x128xf32>
    %slice3A_340 = vector.extract_strided_slice %add3A_332 {offsets = [0, 128], sizes = [4, 128], strides = [1, 1]} : vector<4x512xf32> to vector<4x128xf32>
    %logistic3A_341 = arith.negf %slice3A_340 : vector<4x128xf32>
    %logistic3A_342 = math.exp %logistic3A_341 : vector<4x128xf32>
    %logistic3A_343 = arith.constant 1.000000e+00 : f32
    %logistic3A_344 = vector.broadcast %logistic3A_343 : f32 to vector<4x128xf32>
    %logistic3A_345 = arith.addf %logistic3A_344, %logistic3A_342 : vector<4x128xf32>
    %logistic3A_346 = arith.divf %logistic3A_344, %logistic3A_345 : vector<4x128xf32>
    %slice3A_347 = vector.extract_strided_slice %add3A_332 {offsets = [0, 256], sizes = [4, 128], strides = [1, 1]} : vector<4x512xf32> to vector<4x128xf32>
    %tanh3A_348 = math.tanh %slice3A_347 : vector<4x128xf32>
    %slice3A_349 = vector.extract_strided_slice %add3A_332 {offsets = [0, 384], sizes = [4, 128], strides = [1, 1]} : vector<4x512xf32> to vector<4x128xf32>
    %logistic3A_350 = arith.negf %slice3A_349 : vector<4x128xf32>
    %logistic3A_351 = math.exp %logistic3A_350 : vector<4x128xf32>
    %logistic3A_352 = arith.constant 1.000000e+00 : f32
    %logistic3A_353 = vector.broadcast %logistic3A_352 : f32 to vector<4x128xf32>
    %logistic3A_354 = arith.addf %logistic3A_353, %logistic3A_351 : vector<4x128xf32>
    %logistic3A_355 = arith.divf %logistic3A_353, %logistic3A_354 : vector<4x128xf32>
    %mul3A_356 = arith.mulf %logistic3A_346, %add3A_291 : vector<4x128xf32>
    %mul3A_357 = arith.mulf %logistic3A_339, %tanh3A_348 : vector<4x128xf32>
    %add3A_358 = arith.addf %mul3A_356, %mul3A_357 : vector<4x128xf32>
    %tanh3A_359 = math.tanh %add3A_358 : vector<4x128xf32>
    %mul3A_360 = arith.mulf %logistic3A_355, %tanh3A_359 : vector<4x128xf32>
    %slice3A_361 = vector.extract_strided_slice %dot_general3A_28 {offsets = [20, 0], sizes = [4, 512], strides = [1, 1]} : vector<96x512xf32> to vector<4x512xf32>
    %dot_general3A_362 = arith.constant dense<0.000000e+00> : vector<4x512xf32>
    %dot_general3A_363 = tpu.matmul %mul3A_327, %get3A_1, %dot_general3A_362 {dimension_numbers = #tpu.dot_dimension_numbers<[1], [0], [0], [1], [0, 0, 1, 1], [], []>, transpose_lhs_hint = false} : vector<4x128xf32>, vector<128x512xf32>, vector<4x512xf32> -> vector<4x512xf32>
    %add3A_364 = arith.addf %slice3A_361, %dot_general3A_363 : vector<4x512xf32>
    %add3A_365 = vector.broadcast %get3A_4 : vector<1x512xf32> to vector<4x512xf32>
    %add3A_366 = arith.addf %add3A_364, %add3A_365 : vector<4x512xf32>
    %slice3A_367 = vector.extract_strided_slice %add3A_366 {offsets = [0, 0], sizes = [4, 128], strides = [1, 1]} : vector<4x512xf32> to vector<4x128xf32>
    %logistic3A_368 = arith.negf %slice3A_367 : vector<4x128xf32>
    %logistic3A_369 = math.exp %logistic3A_368 : vector<4x128xf32>
    %logistic3A_370 = arith.constant 1.000000e+00 : f32
    %logistic3A_371 = vector.broadcast %logistic3A_370 : f32 to vector<4x128xf32>
    %logistic3A_372 = arith.addf %logistic3A_371, %logistic3A_369 : vector<4x128xf32>
    %logistic3A_373 = arith.divf %logistic3A_371, %logistic3A_372 : vector<4x128xf32>
    %slice3A_374 = vector.extract_strided_slice %add3A_366 {offsets = [0, 128], sizes = [4, 128], strides = [1, 1]} : vector<4x512xf32> to vector<4x128xf32>
    %logistic3A_375 = arith.negf %slice3A_374 : vector<4x128xf32>
    %logistic3A_376 = math.exp %logistic3A_375 : vector<4x128xf32>
    %logistic3A_377 = arith.constant 1.000000e+00 : f32
    %logistic3A_378 = vector.broadcast %logistic3A_377 : f32 to vector<4x128xf32>
    %logistic3A_379 = arith.addf %logistic3A_378, %logistic3A_376 : vector<4x128xf32>
    %logistic3A_380 = arith.divf %logistic3A_378, %logistic3A_379 : vector<4x128xf32>
    %slice3A_381 = vector.extract_strided_slice %add3A_366 {offsets = [0, 256], sizes = [4, 128], strides = [1, 1]} : vector<4x512xf32> to vector<4x128xf32>
    %tanh3A_382 = math.tanh %slice3A_381 : vector<4x128xf32>
    %slice3A_383 = vector.extract_strided_slice %add3A_366 {offsets = [0, 384], sizes = [4, 128], strides = [1, 1]} : vector<4x512xf32> to vector<4x128xf32>
    %logistic3A_384 = arith.negf %slice3A_383 : vector<4x128xf32>
    %logistic3A_385 = math.exp %logistic3A_384 : vector<4x128xf32>
    %logistic3A_386 = arith.constant 1.000000e+00 : f32
    %logistic3A_387 = vector.broadcast %logistic3A_386 : f32 to vector<4x128xf32>
    %logistic3A_388 = arith.addf %logistic3A_387, %logistic3A_385 : vector<4x128xf32>
    %logistic3A_389 = arith.divf %logistic3A_387, %logistic3A_388 : vector<4x128xf32>
    %mul3A_390 = arith.mulf %logistic3A_380, %add3A_325 : vector<4x128xf32>
    %mul3A_391 = arith.mulf %logistic3A_373, %tanh3A_382 : vector<4x128xf32>
    %add3A_392 = arith.addf %mul3A_390, %mul3A_391 : vector<4x128xf32>
    %tanh3A_393 = math.tanh %add3A_392 : vector<4x128xf32>
    %mul3A_394 = arith.mulf %logistic3A_389, %tanh3A_393 : vector<4x128xf32>
    %concatenate3A_395 = tpu.concatenate %mul3A_394, %mul3A_360 in 1 : vector<4x128xf32>, vector<4x128xf32> -> vector<4x256xf32>
    %dot_general3A_396 = arith.constant dense<0.000000e+00> : vector<4x512xf32>
    %dot_general3A_397 = tpu.matmul %concatenate3A_395, %get3A_7, %dot_general3A_396 {dimension_numbers = #tpu.dot_dimension_numbers<[1], [0], [0], [1], [0, 0, 1, 1], [], []>, transpose_lhs_hint = false} : vector<4x256xf32>, vector<256x512xf32>, vector<4x512xf32> -> vector<4x512xf32>
    %add3A_398 = vector.broadcast %get3A_10 : vector<1x512xf32> to vector<4x512xf32>
    %add3A_399 = arith.addf %dot_general3A_397, %add3A_398 : vector<4x512xf32>
    %slice3A_400 = vector.extract_strided_slice %add3A_399 {offsets = [0, 0], sizes = [4, 128], strides = [1, 1]} : vector<4x512xf32> to vector<4x128xf32>
    %logistic3A_401 = arith.negf %slice3A_400 : vector<4x128xf32>
    %logistic3A_402 = math.exp %logistic3A_401 : vector<4x128xf32>
    %logistic3A_403 = arith.constant 1.000000e+00 : f32
    %logistic3A_404 = vector.broadcast %logistic3A_403 : f32 to vector<4x128xf32>
    %logistic3A_405 = arith.addf %logistic3A_404, %logistic3A_402 : vector<4x128xf32>
    %logistic3A_406 = arith.divf %logistic3A_404, %logistic3A_405 : vector<4x128xf32>
    %slice3A_407 = vector.extract_strided_slice %add3A_399 {offsets = [0, 128], sizes = [4, 128], strides = [1, 1]} : vector<4x512xf32> to vector<4x128xf32>
    %logistic3A_408 = arith.negf %slice3A_407 : vector<4x128xf32>
    %logistic3A_409 = math.exp %logistic3A_408 : vector<4x128xf32>
    %logistic3A_410 = arith.constant 1.000000e+00 : f32
    %logistic3A_411 = vector.broadcast %logistic3A_410 : f32 to vector<4x128xf32>
    %logistic3A_412 = arith.addf %logistic3A_411, %logistic3A_409 : vector<4x128xf32>
    %logistic3A_413 = arith.divf %logistic3A_411, %logistic3A_412 : vector<4x128xf32>
    %slice3A_414 = vector.extract_strided_slice %add3A_399 {offsets = [0, 256], sizes = [4, 128], strides = [1, 1]} : vector<4x512xf32> to vector<4x128xf32>
    %tanh3A_415 = math.tanh %slice3A_414 : vector<4x128xf32>
    %slice3A_416 = vector.extract_strided_slice %add3A_399 {offsets = [0, 384], sizes = [4, 128], strides = [1, 1]} : vector<4x512xf32> to vector<4x128xf32>
    %logistic3A_417 = arith.negf %slice3A_416 : vector<4x128xf32>
    %logistic3A_418 = math.exp %logistic3A_417 : vector<4x128xf32>
    %logistic3A_419 = arith.constant 1.000000e+00 : f32
    %logistic3A_420 = vector.broadcast %logistic3A_419 : f32 to vector<4x128xf32>
    %logistic3A_421 = arith.addf %logistic3A_420, %logistic3A_418 : vector<4x128xf32>
    %logistic3A_422 = arith.divf %logistic3A_420, %logistic3A_421 : vector<4x128xf32>
    %mul3A_423 = arith.mulf %logistic3A_413, %add3A_358 : vector<4x128xf32>
    %mul3A_424 = arith.mulf %logistic3A_406, %tanh3A_415 : vector<4x128xf32>
    %add3A_425 = arith.addf %mul3A_423, %mul3A_424 : vector<4x128xf32>
    %tanh3A_426 = math.tanh %add3A_425 : vector<4x128xf32>
    %mul3A_427 = arith.mulf %logistic3A_422, %tanh3A_426 : vector<4x128xf32>
    %slice3A_428 = vector.extract_strided_slice %dot_general3A_28 {offsets = [24, 0], sizes = [4, 512], strides = [1, 1]} : vector<96x512xf32> to vector<4x512xf32>
    %dot_general3A_429 = arith.constant dense<0.000000e+00> : vector<4x512xf32>
    %dot_general3A_430 = tpu.matmul %mul3A_394, %get3A_1, %dot_general3A_429 {dimension_numbers = #tpu.dot_dimension_numbers<[1], [0], [0], [1], [0, 0, 1, 1], [], []>, transpose_lhs_hint = false} : vector<4x128xf32>, vector<128x512xf32>, vector<4x512xf32> -> vector<4x512xf32>
    %add3A_431 = arith.addf %slice3A_428, %dot_general3A_430 : vector<4x512xf32>
    %add3A_432 = vector.broadcast %get3A_4 : vector<1x512xf32> to vector<4x512xf32>
    %add3A_433 = arith.addf %add3A_431, %add3A_432 : vector<4x512xf32>
    %slice3A_434 = vector.extract_strided_slice %add3A_433 {offsets = [0, 0], sizes = [4, 128], strides = [1, 1]} : vector<4x512xf32> to vector<4x128xf32>
    %logistic3A_435 = arith.negf %slice3A_434 : vector<4x128xf32>
    %logistic3A_436 = math.exp %logistic3A_435 : vector<4x128xf32>
    %logistic3A_437 = arith.constant 1.000000e+00 : f32
    %logistic3A_438 = vector.broadcast %logistic3A_437 : f32 to vector<4x128xf32>
    %logistic3A_439 = arith.addf %logistic3A_438, %logistic3A_436 : vector<4x128xf32>
    %logistic3A_440 = arith.divf %logistic3A_438, %logistic3A_439 : vector<4x128xf32>
    %slice3A_441 = vector.extract_strided_slice %add3A_433 {offsets = [0, 128], sizes = [4, 128], strides = [1, 1]} : vector<4x512xf32> to vector<4x128xf32>
    %logistic3A_442 = arith.negf %slice3A_441 : vector<4x128xf32>
    %logistic3A_443 = math.exp %logistic3A_442 : vector<4x128xf32>
    %logistic3A_444 = arith.constant 1.000000e+00 : f32
    %logistic3A_445 = vector.broadcast %logistic3A_444 : f32 to vector<4x128xf32>
    %logistic3A_446 = arith.addf %logistic3A_445, %logistic3A_443 : vector<4x128xf32>
    %logistic3A_447 = arith.divf %logistic3A_445, %logistic3A_446 : vector<4x128xf32>
    %slice3A_448 = vector.extract_strided_slice %add3A_433 {offsets = [0, 256], sizes = [4, 128], strides = [1, 1]} : vector<4x512xf32> to vector<4x128xf32>
    %tanh3A_449 = math.tanh %slice3A_448 : vector<4x128xf32>
    %slice3A_450 = vector.extract_strided_slice %add3A_433 {offsets = [0, 384], sizes = [4, 128], strides = [1, 1]} : vector<4x512xf32> to vector<4x128xf32>
    %logistic3A_451 = arith.negf %slice3A_450 : vector<4x128xf32>
    %logistic3A_452 = math.exp %logistic3A_451 : vector<4x128xf32>
    %logistic3A_453 = arith.constant 1.000000e+00 : f32
    %logistic3A_454 = vector.broadcast %logistic3A_453 : f32 to vector<4x128xf32>
    %logistic3A_455 = arith.addf %logistic3A_454, %logistic3A_452 : vector<4x128xf32>
    %logistic3A_456 = arith.divf %logistic3A_454, %logistic3A_455 : vector<4x128xf32>
    %mul3A_457 = arith.mulf %logistic3A_447, %add3A_392 : vector<4x128xf32>
    %mul3A_458 = arith.mulf %logistic3A_440, %tanh3A_449 : vector<4x128xf32>
    %add3A_459 = arith.addf %mul3A_457, %mul3A_458 : vector<4x128xf32>
    %tanh3A_460 = math.tanh %add3A_459 : vector<4x128xf32>
    %mul3A_461 = arith.mulf %logistic3A_456, %tanh3A_460 : vector<4x128xf32>
    %concatenate3A_462 = tpu.concatenate %mul3A_461, %mul3A_427 in 1 : vector<4x128xf32>, vector<4x128xf32> -> vector<4x256xf32>
    %dot_general3A_463 = arith.constant dense<0.000000e+00> : vector<4x512xf32>
    %dot_general3A_464 = tpu.matmul %concatenate3A_462, %get3A_7, %dot_general3A_463 {dimension_numbers = #tpu.dot_dimension_numbers<[1], [0], [0], [1], [0, 0, 1, 1], [], []>, transpose_lhs_hint = false} : vector<4x256xf32>, vector<256x512xf32>, vector<4x512xf32> -> vector<4x512xf32>
    %add3A_465 = vector.broadcast %get3A_10 : vector<1x512xf32> to vector<4x512xf32>
    %add3A_466 = arith.addf %dot_general3A_464, %add3A_465 : vector<4x512xf32>
    %slice3A_467 = vector.extract_strided_slice %add3A_466 {offsets = [0, 0], sizes = [4, 128], strides = [1, 1]} : vector<4x512xf32> to vector<4x128xf32>
    %logistic3A_468 = arith.negf %slice3A_467 : vector<4x128xf32>
    %logistic3A_469 = math.exp %logistic3A_468 : vector<4x128xf32>
    %logistic3A_470 = arith.constant 1.000000e+00 : f32
    %logistic3A_471 = vector.broadcast %logistic3A_470 : f32 to vector<4x128xf32>
    %logistic3A_472 = arith.addf %logistic3A_471, %logistic3A_469 : vector<4x128xf32>
    %logistic3A_473 = arith.divf %logistic3A_471, %logistic3A_472 : vector<4x128xf32>
    %slice3A_474 = vector.extract_strided_slice %add3A_466 {offsets = [0, 128], sizes = [4, 128], strides = [1, 1]} : vector<4x512xf32> to vector<4x128xf32>
    %logistic3A_475 = arith.negf %slice3A_474 : vector<4x128xf32>
    %logistic3A_476 = math.exp %logistic3A_475 : vector<4x128xf32>
    %logistic3A_477 = arith.constant 1.000000e+00 : f32
    %logistic3A_478 = vector.broadcast %logistic3A_477 : f32 to vector<4x128xf32>
    %logistic3A_479 = arith.addf %logistic3A_478, %logistic3A_476 : vector<4x128xf32>
    %logistic3A_480 = arith.divf %logistic3A_478, %logistic3A_479 : vector<4x128xf32>
    %slice3A_481 = vector.extract_strided_slice %add3A_466 {offsets = [0, 256], sizes = [4, 128], strides = [1, 1]} : vector<4x512xf32> to vector<4x128xf32>
    %tanh3A_482 = math.tanh %slice3A_481 : vector<4x128xf32>
    %slice3A_483 = vector.extract_strided_slice %add3A_466 {offsets = [0, 384], sizes = [4, 128], strides = [1, 1]} : vector<4x512xf32> to vector<4x128xf32>
    %logistic3A_484 = arith.negf %slice3A_483 : vector<4x128xf32>
    %logistic3A_485 = math.exp %logistic3A_484 : vector<4x128xf32>
    %logistic3A_486 = arith.constant 1.000000e+00 : f32
    %logistic3A_487 = vector.broadcast %logistic3A_486 : f32 to vector<4x128xf32>
    %logistic3A_488 = arith.addf %logistic3A_487, %logistic3A_485 : vector<4x128xf32>
    %logistic3A_489 = arith.divf %logistic3A_487, %logistic3A_488 : vector<4x128xf32>
    %mul3A_490 = arith.mulf %logistic3A_480, %add3A_425 : vector<4x128xf32>
    %mul3A_491 = arith.mulf %logistic3A_473, %tanh3A_482 : vector<4x128xf32>
    %add3A_492 = arith.addf %mul3A_490, %mul3A_491 : vector<4x128xf32>
    %tanh3A_493 = math.tanh %add3A_492 : vector<4x128xf32>
    %mul3A_494 = arith.mulf %logistic3A_489, %tanh3A_493 : vector<4x128xf32>
    %slice3A_495 = vector.extract_strided_slice %dot_general3A_28 {offsets = [28, 0], sizes = [4, 512], strides = [1, 1]} : vector<96x512xf32> to vector<4x512xf32>
    %dot_general3A_496 = arith.constant dense<0.000000e+00> : vector<4x512xf32>
    %dot_general3A_497 = tpu.matmul %mul3A_461, %get3A_1, %dot_general3A_496 {dimension_numbers = #tpu.dot_dimension_numbers<[1], [0], [0], [1], [0, 0, 1, 1], [], []>, transpose_lhs_hint = false} : vector<4x128xf32>, vector<128x512xf32>, vector<4x512xf32> -> vector<4x512xf32>
    %add3A_498 = arith.addf %slice3A_495, %dot_general3A_497 : vector<4x512xf32>
    %add3A_499 = vector.broadcast %get3A_4 : vector<1x512xf32> to vector<4x512xf32>
    %add3A_500 = arith.addf %add3A_498, %add3A_499 : vector<4x512xf32>
    %slice3A_501 = vector.extract_strided_slice %add3A_500 {offsets = [0, 0], sizes = [4, 128], strides = [1, 1]} : vector<4x512xf32> to vector<4x128xf32>
    %logistic3A_502 = arith.negf %slice3A_501 : vector<4x128xf32>
    %logistic3A_503 = math.exp %logistic3A_502 : vector<4x128xf32>
    %logistic3A_504 = arith.constant 1.000000e+00 : f32
    %logistic3A_505 = vector.broadcast %logistic3A_504 : f32 to vector<4x128xf32>
    %logistic3A_506 = arith.addf %logistic3A_505, %logistic3A_503 : vector<4x128xf32>
    %logistic3A_507 = arith.divf %logistic3A_505, %logistic3A_506 : vector<4x128xf32>
    %slice3A_508 = vector.extract_strided_slice %add3A_500 {offsets = [0, 128], sizes = [4, 128], strides = [1, 1]} : vector<4x512xf32> to vector<4x128xf32>
    %logistic3A_509 = arith.negf %slice3A_508 : vector<4x128xf32>
    %logistic3A_510 = math.exp %logistic3A_509 : vector<4x128xf32>
    %logistic3A_511 = arith.constant 1.000000e+00 : f32
    %logistic3A_512 = vector.broadcast %logistic3A_511 : f32 to vector<4x128xf32>
    %logistic3A_513 = arith.addf %logistic3A_512, %logistic3A_510 : vector<4x128xf32>
    %logistic3A_514 = arith.divf %logistic3A_512, %logistic3A_513 : vector<4x128xf32>
    %slice3A_515 = vector.extract_strided_slice %add3A_500 {offsets = [0, 256], sizes = [4, 128], strides = [1, 1]} : vector<4x512xf32> to vector<4x128xf32>
    %tanh3A_516 = math.tanh %slice3A_515 : vector<4x128xf32>
    %slice3A_517 = vector.extract_strided_slice %add3A_500 {offsets = [0, 384], sizes = [4, 128], strides = [1, 1]} : vector<4x512xf32> to vector<4x128xf32>
    %logistic3A_518 = arith.negf %slice3A_517 : vector<4x128xf32>
    %logistic3A_519 = math.exp %logistic3A_518 : vector<4x128xf32>
    %logistic3A_520 = arith.constant 1.000000e+00 : f32
    %logistic3A_521 = vector.broadcast %logistic3A_520 : f32 to vector<4x128xf32>
    %logistic3A_522 = arith.addf %logistic3A_521, %logistic3A_519 : vector<4x128xf32>
    %logistic3A_523 = arith.divf %logistic3A_521, %logistic3A_522 : vector<4x128xf32>
    %mul3A_524 = arith.mulf %logistic3A_514, %add3A_459 : vector<4x128xf32>
    %mul3A_525 = arith.mulf %logistic3A_507, %tanh3A_516 : vector<4x128xf32>
    %add3A_526 = arith.addf %mul3A_524, %mul3A_525 : vector<4x128xf32>
    %tanh3A_527 = math.tanh %add3A_526 : vector<4x128xf32>
    %mul3A_528 = arith.mulf %logistic3A_523, %tanh3A_527 : vector<4x128xf32>
    %concatenate3A_529 = tpu.concatenate %mul3A_528, %mul3A_494 in 1 : vector<4x128xf32>, vector<4x128xf32> -> vector<4x256xf32>
    %dot_general3A_530 = arith.constant dense<0.000000e+00> : vector<4x512xf32>
    %dot_general3A_531 = tpu.matmul %concatenate3A_529, %get3A_7, %dot_general3A_530 {dimension_numbers = #tpu.dot_dimension_numbers<[1], [0], [0], [1], [0, 0, 1, 1], [], []>, transpose_lhs_hint = false} : vector<4x256xf32>, vector<256x512xf32>, vector<4x512xf32> -> vector<4x512xf32>
    %add3A_532 = vector.broadcast %get3A_10 : vector<1x512xf32> to vector<4x512xf32>
    %add3A_533 = arith.addf %dot_general3A_531, %add3A_532 : vector<4x512xf32>
    %slice3A_534 = vector.extract_strided_slice %add3A_533 {offsets = [0, 0], sizes = [4, 128], strides = [1, 1]} : vector<4x512xf32> to vector<4x128xf32>
    %logistic3A_535 = arith.negf %slice3A_534 : vector<4x128xf32>
    %logistic3A_536 = math.exp %logistic3A_535 : vector<4x128xf32>
    %logistic3A_537 = arith.constant 1.000000e+00 : f32
    %logistic3A_538 = vector.broadcast %logistic3A_537 : f32 to vector<4x128xf32>
    %logistic3A_539 = arith.addf %logistic3A_538, %logistic3A_536 : vector<4x128xf32>
    %logistic3A_540 = arith.divf %logistic3A_538, %logistic3A_539 : vector<4x128xf32>
    %slice3A_541 = vector.extract_strided_slice %add3A_533 {offsets = [0, 128], sizes = [4, 128], strides = [1, 1]} : vector<4x512xf32> to vector<4x128xf32>
    %logistic3A_542 = arith.negf %slice3A_541 : vector<4x128xf32>
    %logistic3A_543 = math.exp %logistic3A_542 : vector<4x128xf32>
    %logistic3A_544 = arith.constant 1.000000e+00 : f32
    %logistic3A_545 = vector.broadcast %logistic3A_544 : f32 to vector<4x128xf32>
    %logistic3A_546 = arith.addf %logistic3A_545, %logistic3A_543 : vector<4x128xf32>
    %logistic3A_547 = arith.divf %logistic3A_545, %logistic3A_546 : vector<4x128xf32>
    %slice3A_548 = vector.extract_strided_slice %add3A_533 {offsets = [0, 256], sizes = [4, 128], strides = [1, 1]} : vector<4x512xf32> to vector<4x128xf32>
    %tanh3A_549 = math.tanh %slice3A_548 : vector<4x128xf32>
    %slice3A_550 = vector.extract_strided_slice %add3A_533 {offsets = [0, 384], sizes = [4, 128], strides = [1, 1]} : vector<4x512xf32> to vector<4x128xf32>
    %logistic3A_551 = arith.negf %slice3A_550 : vector<4x128xf32>
    %logistic3A_552 = math.exp %logistic3A_551 : vector<4x128xf32>
    %logistic3A_553 = arith.constant 1.000000e+00 : f32
    %logistic3A_554 = vector.broadcast %logistic3A_553 : f32 to vector<4x128xf32>
    %logistic3A_555 = arith.addf %logistic3A_554, %logistic3A_552 : vector<4x128xf32>
    %logistic3A_556 = arith.divf %logistic3A_554, %logistic3A_555 : vector<4x128xf32>
    %mul3A_557 = arith.mulf %logistic3A_547, %add3A_492 : vector<4x128xf32>
    %mul3A_558 = arith.mulf %logistic3A_540, %tanh3A_549 : vector<4x128xf32>
    %add3A_559 = arith.addf %mul3A_557, %mul3A_558 : vector<4x128xf32>
    %tanh3A_560 = math.tanh %add3A_559 : vector<4x128xf32>
    %mul3A_561 = arith.mulf %logistic3A_556, %tanh3A_560 : vector<4x128xf32>
    %slice3A_562 = vector.extract_strided_slice %dot_general3A_28 {offsets = [32, 0], sizes = [4, 512], strides = [1, 1]} : vector<96x512xf32> to vector<4x512xf32>
    %dot_general3A_563 = arith.constant dense<0.000000e+00> : vector<4x512xf32>
    %dot_general3A_564 = tpu.matmul %mul3A_528, %get3A_1, %dot_general3A_563 {dimension_numbers = #tpu.dot_dimension_numbers<[1], [0], [0], [1], [0, 0, 1, 1], [], []>, transpose_lhs_hint = false} : vector<4x128xf32>, vector<128x512xf32>, vector<4x512xf32> -> vector<4x512xf32>
    %add3A_565 = arith.addf %slice3A_562, %dot_general3A_564 : vector<4x512xf32>
    %add3A_566 = vector.broadcast %get3A_4 : vector<1x512xf32> to vector<4x512xf32>
    %add3A_567 = arith.addf %add3A_565, %add3A_566 : vector<4x512xf32>
    %slice3A_568 = vector.extract_strided_slice %add3A_567 {offsets = [0, 0], sizes = [4, 128], strides = [1, 1]} : vector<4x512xf32> to vector<4x128xf32>
    %logistic3A_569 = arith.negf %slice3A_568 : vector<4x128xf32>
    %logistic3A_570 = math.exp %logistic3A_569 : vector<4x128xf32>
    %logistic3A_571 = arith.constant 1.000000e+00 : f32
    %logistic3A_572 = vector.broadcast %logistic3A_571 : f32 to vector<4x128xf32>
    %logistic3A_573 = arith.addf %logistic3A_572, %logistic3A_570 : vector<4x128xf32>
    %logistic3A_574 = arith.divf %logistic3A_572, %logistic3A_573 : vector<4x128xf32>
    %slice3A_575 = vector.extract_strided_slice %add3A_567 {offsets = [0, 128], sizes = [4, 128], strides = [1, 1]} : vector<4x512xf32> to vector<4x128xf32>
    %logistic3A_576 = arith.negf %slice3A_575 : vector<4x128xf32>
    %logistic3A_577 = math.exp %logistic3A_576 : vector<4x128xf32>
    %logistic3A_578 = arith.constant 1.000000e+00 : f32
    %logistic3A_579 = vector.broadcast %logistic3A_578 : f32 to vector<4x128xf32>
    %logistic3A_580 = arith.addf %logistic3A_579, %logistic3A_577 : vector<4x128xf32>
    %logistic3A_581 = arith.divf %logistic3A_579, %logistic3A_580 : vector<4x128xf32>
    %slice3A_582 = vector.extract_strided_slice %add3A_567 {offsets = [0, 256], sizes = [4, 128], strides = [1, 1]} : vector<4x512xf32> to vector<4x128xf32>
    %tanh3A_583 = math.tanh %slice3A_582 : vector<4x128xf32>
    %slice3A_584 = vector.extract_strided_slice %add3A_567 {offsets = [0, 384], sizes = [4, 128], strides = [1, 1]} : vector<4x512xf32> to vector<4x128xf32>
    %logistic3A_585 = arith.negf %slice3A_584 : vector<4x128xf32>
    %logistic3A_586 = math.exp %logistic3A_585 : vector<4x128xf32>
    %logistic3A_587 = arith.constant 1.000000e+00 : f32
    %logistic3A_588 = vector.broadcast %logistic3A_587 : f32 to vector<4x128xf32>
    %logistic3A_589 = arith.addf %logistic3A_588, %logistic3A_586 : vector<4x128xf32>
    %logistic3A_590 = arith.divf %logistic3A_588, %logistic3A_589 : vector<4x128xf32>
    %mul3A_591 = arith.mulf %logistic3A_581, %add3A_526 : vector<4x128xf32>
    %mul3A_592 = arith.mulf %logistic3A_574, %tanh3A_583 : vector<4x128xf32>
    %add3A_593 = arith.addf %mul3A_591, %mul3A_592 : vector<4x128xf32>
    %tanh3A_594 = math.tanh %add3A_593 : vector<4x128xf32>
    %mul3A_595 = arith.mulf %logistic3A_590, %tanh3A_594 : vector<4x128xf32>
    %concatenate3A_596 = tpu.concatenate %mul3A_595, %mul3A_561 in 1 : vector<4x128xf32>, vector<4x128xf32> -> vector<4x256xf32>
    %dot_general3A_597 = arith.constant dense<0.000000e+00> : vector<4x512xf32>
    %dot_general3A_598 = tpu.matmul %concatenate3A_596, %get3A_7, %dot_general3A_597 {dimension_numbers = #tpu.dot_dimension_numbers<[1], [0], [0], [1], [0, 0, 1, 1], [], []>, transpose_lhs_hint = false} : vector<4x256xf32>, vector<256x512xf32>, vector<4x512xf32> -> vector<4x512xf32>
    %add3A_599 = vector.broadcast %get3A_10 : vector<1x512xf32> to vector<4x512xf32>
    %add3A_600 = arith.addf %dot_general3A_598, %add3A_599 : vector<4x512xf32>
    %slice3A_601 = vector.extract_strided_slice %add3A_600 {offsets = [0, 0], sizes = [4, 128], strides = [1, 1]} : vector<4x512xf32> to vector<4x128xf32>
    %logistic3A_602 = arith.negf %slice3A_601 : vector<4x128xf32>
    %logistic3A_603 = math.exp %logistic3A_602 : vector<4x128xf32>
    %logistic3A_604 = arith.constant 1.000000e+00 : f32
    %logistic3A_605 = vector.broadcast %logistic3A_604 : f32 to vector<4x128xf32>
    %logistic3A_606 = arith.addf %logistic3A_605, %logistic3A_603 : vector<4x128xf32>
    %logistic3A_607 = arith.divf %logistic3A_605, %logistic3A_606 : vector<4x128xf32>
    %slice3A_608 = vector.extract_strided_slice %add3A_600 {offsets = [0, 128], sizes = [4, 128], strides = [1, 1]} : vector<4x512xf32> to vector<4x128xf32>
    %logistic3A_609 = arith.negf %slice3A_608 : vector<4x128xf32>
    %logistic3A_610 = math.exp %logistic3A_609 : vector<4x128xf32>
    %logistic3A_611 = arith.constant 1.000000e+00 : f32
    %logistic3A_612 = vector.broadcast %logistic3A_611 : f32 to vector<4x128xf32>
    %logistic3A_613 = arith.addf %logistic3A_612, %logistic3A_610 : vector<4x128xf32>
    %logistic3A_614 = arith.divf %logistic3A_612, %logistic3A_613 : vector<4x128xf32>
    %slice3A_615 = vector.extract_strided_slice %add3A_600 {offsets = [0, 256], sizes = [4, 128], strides = [1, 1]} : vector<4x512xf32> to vector<4x128xf32>
    %tanh3A_616 = math.tanh %slice3A_615 : vector<4x128xf32>
    %slice3A_617 = vector.extract_strided_slice %add3A_600 {offsets = [0, 384], sizes = [4, 128], strides = [1, 1]} : vector<4x512xf32> to vector<4x128xf32>
    %logistic3A_618 = arith.negf %slice3A_617 : vector<4x128xf32>
    %logistic3A_619 = math.exp %logistic3A_618 : vector<4x128xf32>
    %logistic3A_620 = arith.constant 1.000000e+00 : f32
    %logistic3A_621 = vector.broadcast %logistic3A_620 : f32 to vector<4x128xf32>
    %logistic3A_622 = arith.addf %logistic3A_621, %logistic3A_619 : vector<4x128xf32>
    %logistic3A_623 = arith.divf %logistic3A_621, %logistic3A_622 : vector<4x128xf32>
    %mul3A_624 = arith.mulf %logistic3A_614, %add3A_559 : vector<4x128xf32>
    %mul3A_625 = arith.mulf %logistic3A_607, %tanh3A_616 : vector<4x128xf32>
    %add3A_626 = arith.addf %mul3A_624, %mul3A_625 : vector<4x128xf32>
    %tanh3A_627 = math.tanh %add3A_626 : vector<4x128xf32>
    %mul3A_628 = arith.mulf %logistic3A_623, %tanh3A_627 : vector<4x128xf32>
    %slice3A_629 = vector.extract_strided_slice %dot_general3A_28 {offsets = [36, 0], sizes = [4, 512], strides = [1, 1]} : vector<96x512xf32> to vector<4x512xf32>
    %dot_general3A_630 = arith.constant dense<0.000000e+00> : vector<4x512xf32>
    %dot_general3A_631 = tpu.matmul %mul3A_595, %get3A_1, %dot_general3A_630 {dimension_numbers = #tpu.dot_dimension_numbers<[1], [0], [0], [1], [0, 0, 1, 1], [], []>, transpose_lhs_hint = false} : vector<4x128xf32>, vector<128x512xf32>, vector<4x512xf32> -> vector<4x512xf32>
    %add3A_632 = arith.addf %slice3A_629, %dot_general3A_631 : vector<4x512xf32>
    %add3A_633 = vector.broadcast %get3A_4 : vector<1x512xf32> to vector<4x512xf32>
    %add3A_634 = arith.addf %add3A_632, %add3A_633 : vector<4x512xf32>
    %slice3A_635 = vector.extract_strided_slice %add3A_634 {offsets = [0, 0], sizes = [4, 128], strides = [1, 1]} : vector<4x512xf32> to vector<4x128xf32>
    %logistic3A_636 = arith.negf %slice3A_635 : vector<4x128xf32>
    %logistic3A_637 = math.exp %logistic3A_636 : vector<4x128xf32>
    %logistic3A_638 = arith.constant 1.000000e+00 : f32
    %logistic3A_639 = vector.broadcast %logistic3A_638 : f32 to vector<4x128xf32>
    %logistic3A_640 = arith.addf %logistic3A_639, %logistic3A_637 : vector<4x128xf32>
    %logistic3A_641 = arith.divf %logistic3A_639, %logistic3A_640 : vector<4x128xf32>
    %slice3A_642 = vector.extract_strided_slice %add3A_634 {offsets = [0, 128], sizes = [4, 128], strides = [1, 1]} : vector<4x512xf32> to vector<4x128xf32>
    %logistic3A_643 = arith.negf %slice3A_642 : vector<4x128xf32>
    %logistic3A_644 = math.exp %logistic3A_643 : vector<4x128xf32>
    %logistic3A_645 = arith.constant 1.000000e+00 : f32
    %logistic3A_646 = vector.broadcast %logistic3A_645 : f32 to vector<4x128xf32>
    %logistic3A_647 = arith.addf %logistic3A_646, %logistic3A_644 : vector<4x128xf32>
    %logistic3A_648 = arith.divf %logistic3A_646, %logistic3A_647 : vector<4x128xf32>
    %slice3A_649 = vector.extract_strided_slice %add3A_634 {offsets = [0, 256], sizes = [4, 128], strides = [1, 1]} : vector<4x512xf32> to vector<4x128xf32>
    %tanh3A_650 = math.tanh %slice3A_649 : vector<4x128xf32>
    %slice3A_651 = vector.extract_strided_slice %add3A_634 {offsets = [0, 384], sizes = [4, 128], strides = [1, 1]} : vector<4x512xf32> to vector<4x128xf32>
    %logistic3A_652 = arith.negf %slice3A_651 : vector<4x128xf32>
    %logistic3A_653 = math.exp %logistic3A_652 : vector<4x128xf32>
    %logistic3A_654 = arith.constant 1.000000e+00 : f32
    %logistic3A_655 = vector.broadcast %logistic3A_654 : f32 to vector<4x128xf32>
    %logistic3A_656 = arith.addf %logistic3A_655, %logistic3A_653 : vector<4x128xf32>
    %logistic3A_657 = arith.divf %logistic3A_655, %logistic3A_656 : vector<4x128xf32>
    %mul3A_658 = arith.mulf %logistic3A_648, %add3A_593 : vector<4x128xf32>
    %mul3A_659 = arith.mulf %logistic3A_641, %tanh3A_650 : vector<4x128xf32>
    %add3A_660 = arith.addf %mul3A_658, %mul3A_659 : vector<4x128xf32>
    %tanh3A_661 = math.tanh %add3A_660 : vector<4x128xf32>
    %mul3A_662 = arith.mulf %logistic3A_657, %tanh3A_661 : vector<4x128xf32>
    %concatenate3A_663 = tpu.concatenate %mul3A_662, %mul3A_628 in 1 : vector<4x128xf32>, vector<4x128xf32> -> vector<4x256xf32>
    %dot_general3A_664 = arith.constant dense<0.000000e+00> : vector<4x512xf32>
    %dot_general3A_665 = tpu.matmul %concatenate3A_663, %get3A_7, %dot_general3A_664 {dimension_numbers = #tpu.dot_dimension_numbers<[1], [0], [0], [1], [0, 0, 1, 1], [], []>, transpose_lhs_hint = false} : vector<4x256xf32>, vector<256x512xf32>, vector<4x512xf32> -> vector<4x512xf32>
    %add3A_666 = vector.broadcast %get3A_10 : vector<1x512xf32> to vector<4x512xf32>
    %add3A_667 = arith.addf %dot_general3A_665, %add3A_666 : vector<4x512xf32>
    %slice3A_668 = vector.extract_strided_slice %add3A_667 {offsets = [0, 0], sizes = [4, 128], strides = [1, 1]} : vector<4x512xf32> to vector<4x128xf32>
    %logistic3A_669 = arith.negf %slice3A_668 : vector<4x128xf32>
    %logistic3A_670 = math.exp %logistic3A_669 : vector<4x128xf32>
    %logistic3A_671 = arith.constant 1.000000e+00 : f32
    %logistic3A_672 = vector.broadcast %logistic3A_671 : f32 to vector<4x128xf32>
    %logistic3A_673 = arith.addf %logistic3A_672, %logistic3A_670 : vector<4x128xf32>
    %logistic3A_674 = arith.divf %logistic3A_672, %logistic3A_673 : vector<4x128xf32>
    %slice3A_675 = vector.extract_strided_slice %add3A_667 {offsets = [0, 128], sizes = [4, 128], strides = [1, 1]} : vector<4x512xf32> to vector<4x128xf32>
    %logistic3A_676 = arith.negf %slice3A_675 : vector<4x128xf32>
    %logistic3A_677 = math.exp %logistic3A_676 : vector<4x128xf32>
    %logistic3A_678 = arith.constant 1.000000e+00 : f32
    %logistic3A_679 = vector.broadcast %logistic3A_678 : f32 to vector<4x128xf32>
    %logistic3A_680 = arith.addf %logistic3A_679, %logistic3A_677 : vector<4x128xf32>
    %logistic3A_681 = arith.divf %logistic3A_679, %logistic3A_680 : vector<4x128xf32>
    %slice3A_682 = vector.extract_strided_slice %add3A_667 {offsets = [0, 256], sizes = [4, 128], strides = [1, 1]} : vector<4x512xf32> to vector<4x128xf32>
    %tanh3A_683 = math.tanh %slice3A_682 : vector<4x128xf32>
    %slice3A_684 = vector.extract_strided_slice %add3A_667 {offsets = [0, 384], sizes = [4, 128], strides = [1, 1]} : vector<4x512xf32> to vector<4x128xf32>
    %logistic3A_685 = arith.negf %slice3A_684 : vector<4x128xf32>
    %logistic3A_686 = math.exp %logistic3A_685 : vector<4x128xf32>
    %logistic3A_687 = arith.constant 1.000000e+00 : f32
    %logistic3A_688 = vector.broadcast %logistic3A_687 : f32 to vector<4x128xf32>
    %logistic3A_689 = arith.addf %logistic3A_688, %logistic3A_686 : vector<4x128xf32>
    %logistic3A_690 = arith.divf %logistic3A_688, %logistic3A_689 : vector<4x128xf32>
    %mul3A_691 = arith.mulf %logistic3A_681, %add3A_626 : vector<4x128xf32>
    %mul3A_692 = arith.mulf %logistic3A_674, %tanh3A_683 : vector<4x128xf32>
    %add3A_693 = arith.addf %mul3A_691, %mul3A_692 : vector<4x128xf32>
    %tanh3A_694 = math.tanh %add3A_693 : vector<4x128xf32>
    %mul3A_695 = arith.mulf %logistic3A_690, %tanh3A_694 : vector<4x128xf32>
    %slice3A_696 = vector.extract_strided_slice %dot_general3A_28 {offsets = [40, 0], sizes = [4, 512], strides = [1, 1]} : vector<96x512xf32> to vector<4x512xf32>
    %dot_general3A_697 = arith.constant dense<0.000000e+00> : vector<4x512xf32>
    %dot_general3A_698 = tpu.matmul %mul3A_662, %get3A_1, %dot_general3A_697 {dimension_numbers = #tpu.dot_dimension_numbers<[1], [0], [0], [1], [0, 0, 1, 1], [], []>, transpose_lhs_hint = false} : vector<4x128xf32>, vector<128x512xf32>, vector<4x512xf32> -> vector<4x512xf32>
    %add3A_699 = arith.addf %slice3A_696, %dot_general3A_698 : vector<4x512xf32>
    %add3A_700 = vector.broadcast %get3A_4 : vector<1x512xf32> to vector<4x512xf32>
    %add3A_701 = arith.addf %add3A_699, %add3A_700 : vector<4x512xf32>
    %slice3A_702 = vector.extract_strided_slice %add3A_701 {offsets = [0, 0], sizes = [4, 128], strides = [1, 1]} : vector<4x512xf32> to vector<4x128xf32>
    %logistic3A_703 = arith.negf %slice3A_702 : vector<4x128xf32>
    %logistic3A_704 = math.exp %logistic3A_703 : vector<4x128xf32>
    %logistic3A_705 = arith.constant 1.000000e+00 : f32
    %logistic3A_706 = vector.broadcast %logistic3A_705 : f32 to vector<4x128xf32>
    %logistic3A_707 = arith.addf %logistic3A_706, %logistic3A_704 : vector<4x128xf32>
    %logistic3A_708 = arith.divf %logistic3A_706, %logistic3A_707 : vector<4x128xf32>
    %slice3A_709 = vector.extract_strided_slice %add3A_701 {offsets = [0, 128], sizes = [4, 128], strides = [1, 1]} : vector<4x512xf32> to vector<4x128xf32>
    %logistic3A_710 = arith.negf %slice3A_709 : vector<4x128xf32>
    %logistic3A_711 = math.exp %logistic3A_710 : vector<4x128xf32>
    %logistic3A_712 = arith.constant 1.000000e+00 : f32
    %logistic3A_713 = vector.broadcast %logistic3A_712 : f32 to vector<4x128xf32>
    %logistic3A_714 = arith.addf %logistic3A_713, %logistic3A_711 : vector<4x128xf32>
    %logistic3A_715 = arith.divf %logistic3A_713, %logistic3A_714 : vector<4x128xf32>
    %slice3A_716 = vector.extract_strided_slice %add3A_701 {offsets = [0, 256], sizes = [4, 128], strides = [1, 1]} : vector<4x512xf32> to vector<4x128xf32>
    %tanh3A_717 = math.tanh %slice3A_716 : vector<4x128xf32>
    %slice3A_718 = vector.extract_strided_slice %add3A_701 {offsets = [0, 384], sizes = [4, 128], strides = [1, 1]} : vector<4x512xf32> to vector<4x128xf32>
    %logistic3A_719 = arith.negf %slice3A_718 : vector<4x128xf32>
    %logistic3A_720 = math.exp %logistic3A_719 : vector<4x128xf32>
    %logistic3A_721 = arith.constant 1.000000e+00 : f32
    %logistic3A_722 = vector.broadcast %logistic3A_721 : f32 to vector<4x128xf32>
    %logistic3A_723 = arith.addf %logistic3A_722, %logistic3A_720 : vector<4x128xf32>
    %logistic3A_724 = arith.divf %logistic3A_722, %logistic3A_723 : vector<4x128xf32>
    %mul3A_725 = arith.mulf %logistic3A_715, %add3A_660 : vector<4x128xf32>
    %mul3A_726 = arith.mulf %logistic3A_708, %tanh3A_717 : vector<4x128xf32>
    %add3A_727 = arith.addf %mul3A_725, %mul3A_726 : vector<4x128xf32>
    %tanh3A_728 = math.tanh %add3A_727 : vector<4x128xf32>
    %mul3A_729 = arith.mulf %logistic3A_724, %tanh3A_728 : vector<4x128xf32>
    %concatenate3A_730 = tpu.concatenate %mul3A_729, %mul3A_695 in 1 : vector<4x128xf32>, vector<4x128xf32> -> vector<4x256xf32>
    %dot_general3A_731 = arith.constant dense<0.000000e+00> : vector<4x512xf32>
    %dot_general3A_732 = tpu.matmul %concatenate3A_730, %get3A_7, %dot_general3A_731 {dimension_numbers = #tpu.dot_dimension_numbers<[1], [0], [0], [1], [0, 0, 1, 1], [], []>, transpose_lhs_hint = false} : vector<4x256xf32>, vector<256x512xf32>, vector<4x512xf32> -> vector<4x512xf32>
    %add3A_733 = vector.broadcast %get3A_10 : vector<1x512xf32> to vector<4x512xf32>
    %add3A_734 = arith.addf %dot_general3A_732, %add3A_733 : vector<4x512xf32>
    %slice3A_735 = vector.extract_strided_slice %add3A_734 {offsets = [0, 0], sizes = [4, 128], strides = [1, 1]} : vector<4x512xf32> to vector<4x128xf32>
    %logistic3A_736 = arith.negf %slice3A_735 : vector<4x128xf32>
    %logistic3A_737 = math.exp %logistic3A_736 : vector<4x128xf32>
    %logistic3A_738 = arith.constant 1.000000e+00 : f32
    %logistic3A_739 = vector.broadcast %logistic3A_738 : f32 to vector<4x128xf32>
    %logistic3A_740 = arith.addf %logistic3A_739, %logistic3A_737 : vector<4x128xf32>
    %logistic3A_741 = arith.divf %logistic3A_739, %logistic3A_740 : vector<4x128xf32>
    %slice3A_742 = vector.extract_strided_slice %add3A_734 {offsets = [0, 128], sizes = [4, 128], strides = [1, 1]} : vector<4x512xf32> to vector<4x128xf32>
    %logistic3A_743 = arith.negf %slice3A_742 : vector<4x128xf32>
    %logistic3A_744 = math.exp %logistic3A_743 : vector<4x128xf32>
    %logistic3A_745 = arith.constant 1.000000e+00 : f32
    %logistic3A_746 = vector.broadcast %logistic3A_745 : f32 to vector<4x128xf32>
    %logistic3A_747 = arith.addf %logistic3A_746, %logistic3A_744 : vector<4x128xf32>
    %logistic3A_748 = arith.divf %logistic3A_746, %logistic3A_747 : vector<4x128xf32>
    %slice3A_749 = vector.extract_strided_slice %add3A_734 {offsets = [0, 256], sizes = [4, 128], strides = [1, 1]} : vector<4x512xf32> to vector<4x128xf32>
    %tanh3A_750 = math.tanh %slice3A_749 : vector<4x128xf32>
    %slice3A_751 = vector.extract_strided_slice %add3A_734 {offsets = [0, 384], sizes = [4, 128], strides = [1, 1]} : vector<4x512xf32> to vector<4x128xf32>
    %logistic3A_752 = arith.negf %slice3A_751 : vector<4x128xf32>
    %logistic3A_753 = math.exp %logistic3A_752 : vector<4x128xf32>
    %logistic3A_754 = arith.constant 1.000000e+00 : f32
    %logistic3A_755 = vector.broadcast %logistic3A_754 : f32 to vector<4x128xf32>
    %logistic3A_756 = arith.addf %logistic3A_755, %logistic3A_753 : vector<4x128xf32>
    %logistic3A_757 = arith.divf %logistic3A_755, %logistic3A_756 : vector<4x128xf32>
    %mul3A_758 = arith.mulf %logistic3A_748, %add3A_693 : vector<4x128xf32>
    %mul3A_759 = arith.mulf %logistic3A_741, %tanh3A_750 : vector<4x128xf32>
    %add3A_760 = arith.addf %mul3A_758, %mul3A_759 : vector<4x128xf32>
    %tanh3A_761 = math.tanh %add3A_760 : vector<4x128xf32>
    %mul3A_762 = arith.mulf %logistic3A_757, %tanh3A_761 : vector<4x128xf32>
    %slice3A_763 = vector.extract_strided_slice %dot_general3A_28 {offsets = [44, 0], sizes = [4, 512], strides = [1, 1]} : vector<96x512xf32> to vector<4x512xf32>
    %dot_general3A_764 = arith.constant dense<0.000000e+00> : vector<4x512xf32>
    %dot_general3A_765 = tpu.matmul %mul3A_729, %get3A_1, %dot_general3A_764 {dimension_numbers = #tpu.dot_dimension_numbers<[1], [0], [0], [1], [0, 0, 1, 1], [], []>, transpose_lhs_hint = false} : vector<4x128xf32>, vector<128x512xf32>, vector<4x512xf32> -> vector<4x512xf32>
    %add3A_766 = arith.addf %slice3A_763, %dot_general3A_765 : vector<4x512xf32>
    %add3A_767 = vector.broadcast %get3A_4 : vector<1x512xf32> to vector<4x512xf32>
    %add3A_768 = arith.addf %add3A_766, %add3A_767 : vector<4x512xf32>
    %slice3A_769 = vector.extract_strided_slice %add3A_768 {offsets = [0, 0], sizes = [4, 128], strides = [1, 1]} : vector<4x512xf32> to vector<4x128xf32>
    %logistic3A_770 = arith.negf %slice3A_769 : vector<4x128xf32>
    %logistic3A_771 = math.exp %logistic3A_770 : vector<4x128xf32>
    %logistic3A_772 = arith.constant 1.000000e+00 : f32
    %logistic3A_773 = vector.broadcast %logistic3A_772 : f32 to vector<4x128xf32>
    %logistic3A_774 = arith.addf %logistic3A_773, %logistic3A_771 : vector<4x128xf32>
    %logistic3A_775 = arith.divf %logistic3A_773, %logistic3A_774 : vector<4x128xf32>
    %slice3A_776 = vector.extract_strided_slice %add3A_768 {offsets = [0, 128], sizes = [4, 128], strides = [1, 1]} : vector<4x512xf32> to vector<4x128xf32>
    %logistic3A_777 = arith.negf %slice3A_776 : vector<4x128xf32>
    %logistic3A_778 = math.exp %logistic3A_777 : vector<4x128xf32>
    %logistic3A_779 = arith.constant 1.000000e+00 : f32
    %logistic3A_780 = vector.broadcast %logistic3A_779 : f32 to vector<4x128xf32>
    %logistic3A_781 = arith.addf %logistic3A_780, %logistic3A_778 : vector<4x128xf32>
    %logistic3A_782 = arith.divf %logistic3A_780, %logistic3A_781 : vector<4x128xf32>
    %slice3A_783 = vector.extract_strided_slice %add3A_768 {offsets = [0, 256], sizes = [4, 128], strides = [1, 1]} : vector<4x512xf32> to vector<4x128xf32>
    %tanh3A_784 = math.tanh %slice3A_783 : vector<4x128xf32>
    %slice3A_785 = vector.extract_strided_slice %add3A_768 {offsets = [0, 384], sizes = [4, 128], strides = [1, 1]} : vector<4x512xf32> to vector<4x128xf32>
    %logistic3A_786 = arith.negf %slice3A_785 : vector<4x128xf32>
    %logistic3A_787 = math.exp %logistic3A_786 : vector<4x128xf32>
    %logistic3A_788 = arith.constant 1.000000e+00 : f32
    %logistic3A_789 = vector.broadcast %logistic3A_788 : f32 to vector<4x128xf32>
    %logistic3A_790 = arith.addf %logistic3A_789, %logistic3A_787 : vector<4x128xf32>
    %logistic3A_791 = arith.divf %logistic3A_789, %logistic3A_790 : vector<4x128xf32>
    %mul3A_792 = arith.mulf %logistic3A_782, %add3A_727 : vector<4x128xf32>
    %mul3A_793 = arith.mulf %logistic3A_775, %tanh3A_784 : vector<4x128xf32>
    %add3A_794 = arith.addf %mul3A_792, %mul3A_793 : vector<4x128xf32>
    %tanh3A_795 = math.tanh %add3A_794 : vector<4x128xf32>
    %mul3A_796 = arith.mulf %logistic3A_791, %tanh3A_795 : vector<4x128xf32>
    %concatenate3A_797 = tpu.concatenate %mul3A_796, %mul3A_762 in 1 : vector<4x128xf32>, vector<4x128xf32> -> vector<4x256xf32>
    %dot_general3A_798 = arith.constant dense<0.000000e+00> : vector<4x512xf32>
    %dot_general3A_799 = tpu.matmul %concatenate3A_797, %get3A_7, %dot_general3A_798 {dimension_numbers = #tpu.dot_dimension_numbers<[1], [0], [0], [1], [0, 0, 1, 1], [], []>, transpose_lhs_hint = false} : vector<4x256xf32>, vector<256x512xf32>, vector<4x512xf32> -> vector<4x512xf32>
    %add3A_800 = vector.broadcast %get3A_10 : vector<1x512xf32> to vector<4x512xf32>
    %add3A_801 = arith.addf %dot_general3A_799, %add3A_800 : vector<4x512xf32>
    %slice3A_802 = vector.extract_strided_slice %add3A_801 {offsets = [0, 0], sizes = [4, 128], strides = [1, 1]} : vector<4x512xf32> to vector<4x128xf32>
    %logistic3A_803 = arith.negf %slice3A_802 : vector<4x128xf32>
    %logistic3A_804 = math.exp %logistic3A_803 : vector<4x128xf32>
    %logistic3A_805 = arith.constant 1.000000e+00 : f32
    %logistic3A_806 = vector.broadcast %logistic3A_805 : f32 to vector<4x128xf32>
    %logistic3A_807 = arith.addf %logistic3A_806, %logistic3A_804 : vector<4x128xf32>
    %logistic3A_808 = arith.divf %logistic3A_806, %logistic3A_807 : vector<4x128xf32>
    %slice3A_809 = vector.extract_strided_slice %add3A_801 {offsets = [0, 128], sizes = [4, 128], strides = [1, 1]} : vector<4x512xf32> to vector<4x128xf32>
    %logistic3A_810 = arith.negf %slice3A_809 : vector<4x128xf32>
    %logistic3A_811 = math.exp %logistic3A_810 : vector<4x128xf32>
    %logistic3A_812 = arith.constant 1.000000e+00 : f32
    %logistic3A_813 = vector.broadcast %logistic3A_812 : f32 to vector<4x128xf32>
    %logistic3A_814 = arith.addf %logistic3A_813, %logistic3A_811 : vector<4x128xf32>
    %logistic3A_815 = arith.divf %logistic3A_813, %logistic3A_814 : vector<4x128xf32>
    %slice3A_816 = vector.extract_strided_slice %add3A_801 {offsets = [0, 256], sizes = [4, 128], strides = [1, 1]} : vector<4x512xf32> to vector<4x128xf32>
    %tanh3A_817 = math.tanh %slice3A_816 : vector<4x128xf32>
    %slice3A_818 = vector.extract_strided_slice %add3A_801 {offsets = [0, 384], sizes = [4, 128], strides = [1, 1]} : vector<4x512xf32> to vector<4x128xf32>
    %logistic3A_819 = arith.negf %slice3A_818 : vector<4x128xf32>
    %logistic3A_820 = math.exp %logistic3A_819 : vector<4x128xf32>
    %logistic3A_821 = arith.constant 1.000000e+00 : f32
    %logistic3A_822 = vector.broadcast %logistic3A_821 : f32 to vector<4x128xf32>
    %logistic3A_823 = arith.addf %logistic3A_822, %logistic3A_820 : vector<4x128xf32>
    %logistic3A_824 = arith.divf %logistic3A_822, %logistic3A_823 : vector<4x128xf32>
    %mul3A_825 = arith.mulf %logistic3A_815, %add3A_760 : vector<4x128xf32>
    %mul3A_826 = arith.mulf %logistic3A_808, %tanh3A_817 : vector<4x128xf32>
    %add3A_827 = arith.addf %mul3A_825, %mul3A_826 : vector<4x128xf32>
    %tanh3A_828 = math.tanh %add3A_827 : vector<4x128xf32>
    %mul3A_829 = arith.mulf %logistic3A_824, %tanh3A_828 : vector<4x128xf32>
    %slice3A_830 = vector.extract_strided_slice %dot_general3A_28 {offsets = [48, 0], sizes = [4, 512], strides = [1, 1]} : vector<96x512xf32> to vector<4x512xf32>
    %dot_general3A_831 = arith.constant dense<0.000000e+00> : vector<4x512xf32>
    %dot_general3A_832 = tpu.matmul %mul3A_796, %get3A_1, %dot_general3A_831 {dimension_numbers = #tpu.dot_dimension_numbers<[1], [0], [0], [1], [0, 0, 1, 1], [], []>, transpose_lhs_hint = false} : vector<4x128xf32>, vector<128x512xf32>, vector<4x512xf32> -> vector<4x512xf32>
    %add3A_833 = arith.addf %slice3A_830, %dot_general3A_832 : vector<4x512xf32>
    %add3A_834 = vector.broadcast %get3A_4 : vector<1x512xf32> to vector<4x512xf32>
    %add3A_835 = arith.addf %add3A_833, %add3A_834 : vector<4x512xf32>
    %slice3A_836 = vector.extract_strided_slice %add3A_835 {offsets = [0, 0], sizes = [4, 128], strides = [1, 1]} : vector<4x512xf32> to vector<4x128xf32>
    %logistic3A_837 = arith.negf %slice3A_836 : vector<4x128xf32>
    %logistic3A_838 = math.exp %logistic3A_837 : vector<4x128xf32>
    %logistic3A_839 = arith.constant 1.000000e+00 : f32
    %logistic3A_840 = vector.broadcast %logistic3A_839 : f32 to vector<4x128xf32>
    %logistic3A_841 = arith.addf %logistic3A_840, %logistic3A_838 : vector<4x128xf32>
    %logistic3A_842 = arith.divf %logistic3A_840, %logistic3A_841 : vector<4x128xf32>
    %slice3A_843 = vector.extract_strided_slice %add3A_835 {offsets = [0, 128], sizes = [4, 128], strides = [1, 1]} : vector<4x512xf32> to vector<4x128xf32>
    %logistic3A_844 = arith.negf %slice3A_843 : vector<4x128xf32>
    %logistic3A_845 = math.exp %logistic3A_844 : vector<4x128xf32>
    %logistic3A_846 = arith.constant 1.000000e+00 : f32
    %logistic3A_847 = vector.broadcast %logistic3A_846 : f32 to vector<4x128xf32>
    %logistic3A_848 = arith.addf %logistic3A_847, %logistic3A_845 : vector<4x128xf32>
    %logistic3A_849 = arith.divf %logistic3A_847, %logistic3A_848 : vector<4x128xf32>
    %slice3A_850 = vector.extract_strided_slice %add3A_835 {offsets = [0, 256], sizes = [4, 128], strides = [1, 1]} : vector<4x512xf32> to vector<4x128xf32>
    %tanh3A_851 = math.tanh %slice3A_850 : vector<4x128xf32>
    %slice3A_852 = vector.extract_strided_slice %add3A_835 {offsets = [0, 384], sizes = [4, 128], strides = [1, 1]} : vector<4x512xf32> to vector<4x128xf32>
    %logistic3A_853 = arith.negf %slice3A_852 : vector<4x128xf32>
    %logistic3A_854 = math.exp %logistic3A_853 : vector<4x128xf32>
    %logistic3A_855 = arith.constant 1.000000e+00 : f32
    %logistic3A_856 = vector.broadcast %logistic3A_855 : f32 to vector<4x128xf32>
    %logistic3A_857 = arith.addf %logistic3A_856, %logistic3A_854 : vector<4x128xf32>
    %logistic3A_858 = arith.divf %logistic3A_856, %logistic3A_857 : vector<4x128xf32>
    %mul3A_859 = arith.mulf %logistic3A_849, %add3A_794 : vector<4x128xf32>
    %mul3A_860 = arith.mulf %logistic3A_842, %tanh3A_851 : vector<4x128xf32>
    %add3A_861 = arith.addf %mul3A_859, %mul3A_860 : vector<4x128xf32>
    %tanh3A_862 = math.tanh %add3A_861 : vector<4x128xf32>
    %mul3A_863 = arith.mulf %logistic3A_858, %tanh3A_862 : vector<4x128xf32>
    %concatenate3A_864 = tpu.concatenate %mul3A_863, %mul3A_829 in 1 : vector<4x128xf32>, vector<4x128xf32> -> vector<4x256xf32>
    %dot_general3A_865 = arith.constant dense<0.000000e+00> : vector<4x512xf32>
    %dot_general3A_866 = tpu.matmul %concatenate3A_864, %get3A_7, %dot_general3A_865 {dimension_numbers = #tpu.dot_dimension_numbers<[1], [0], [0], [1], [0, 0, 1, 1], [], []>, transpose_lhs_hint = false} : vector<4x256xf32>, vector<256x512xf32>, vector<4x512xf32> -> vector<4x512xf32>
    %add3A_867 = vector.broadcast %get3A_10 : vector<1x512xf32> to vector<4x512xf32>
    %add3A_868 = arith.addf %dot_general3A_866, %add3A_867 : vector<4x512xf32>
    %slice3A_869 = vector.extract_strided_slice %add3A_868 {offsets = [0, 0], sizes = [4, 128], strides = [1, 1]} : vector<4x512xf32> to vector<4x128xf32>
    %logistic3A_870 = arith.negf %slice3A_869 : vector<4x128xf32>
    %logistic3A_871 = math.exp %logistic3A_870 : vector<4x128xf32>
    %logistic3A_872 = arith.constant 1.000000e+00 : f32
    %logistic3A_873 = vector.broadcast %logistic3A_872 : f32 to vector<4x128xf32>
    %logistic3A_874 = arith.addf %logistic3A_873, %logistic3A_871 : vector<4x128xf32>
    %logistic3A_875 = arith.divf %logistic3A_873, %logistic3A_874 : vector<4x128xf32>
    %slice3A_876 = vector.extract_strided_slice %add3A_868 {offsets = [0, 128], sizes = [4, 128], strides = [1, 1]} : vector<4x512xf32> to vector<4x128xf32>
    %logistic3A_877 = arith.negf %slice3A_876 : vector<4x128xf32>
    %logistic3A_878 = math.exp %logistic3A_877 : vector<4x128xf32>
    %logistic3A_879 = arith.constant 1.000000e+00 : f32
    %logistic3A_880 = vector.broadcast %logistic3A_879 : f32 to vector<4x128xf32>
    %logistic3A_881 = arith.addf %logistic3A_880, %logistic3A_878 : vector<4x128xf32>
    %logistic3A_882 = arith.divf %logistic3A_880, %logistic3A_881 : vector<4x128xf32>
    %slice3A_883 = vector.extract_strided_slice %add3A_868 {offsets = [0, 256], sizes = [4, 128], strides = [1, 1]} : vector<4x512xf32> to vector<4x128xf32>
    %tanh3A_884 = math.tanh %slice3A_883 : vector<4x128xf32>
    %slice3A_885 = vector.extract_strided_slice %add3A_868 {offsets = [0, 384], sizes = [4, 128], strides = [1, 1]} : vector<4x512xf32> to vector<4x128xf32>
    %logistic3A_886 = arith.negf %slice3A_885 : vector<4x128xf32>
    %logistic3A_887 = math.exp %logistic3A_886 : vector<4x128xf32>
    %logistic3A_888 = arith.constant 1.000000e+00 : f32
    %logistic3A_889 = vector.broadcast %logistic3A_888 : f32 to vector<4x128xf32>
    %logistic3A_890 = arith.addf %logistic3A_889, %logistic3A_887 : vector<4x128xf32>
    %logistic3A_891 = arith.divf %logistic3A_889, %logistic3A_890 : vector<4x128xf32>
    %mul3A_892 = arith.mulf %logistic3A_882, %add3A_827 : vector<4x128xf32>
    %mul3A_893 = arith.mulf %logistic3A_875, %tanh3A_884 : vector<4x128xf32>
    %add3A_894 = arith.addf %mul3A_892, %mul3A_893 : vector<4x128xf32>
    %tanh3A_895 = math.tanh %add3A_894 : vector<4x128xf32>
    %mul3A_896 = arith.mulf %logistic3A_891, %tanh3A_895 : vector<4x128xf32>
    %slice3A_897 = vector.extract_strided_slice %dot_general3A_28 {offsets = [52, 0], sizes = [4, 512], strides = [1, 1]} : vector<96x512xf32> to vector<4x512xf32>
    %dot_general3A_898 = arith.constant dense<0.000000e+00> : vector<4x512xf32>
    %dot_general3A_899 = tpu.matmul %mul3A_863, %get3A_1, %dot_general3A_898 {dimension_numbers = #tpu.dot_dimension_numbers<[1], [0], [0], [1], [0, 0, 1, 1], [], []>, transpose_lhs_hint = false} : vector<4x128xf32>, vector<128x512xf32>, vector<4x512xf32> -> vector<4x512xf32>
    %add3A_900 = arith.addf %slice3A_897, %dot_general3A_899 : vector<4x512xf32>
    %add3A_901 = vector.broadcast %get3A_4 : vector<1x512xf32> to vector<4x512xf32>
    %add3A_902 = arith.addf %add3A_900, %add3A_901 : vector<4x512xf32>
    %slice3A_903 = vector.extract_strided_slice %add3A_902 {offsets = [0, 0], sizes = [4, 128], strides = [1, 1]} : vector<4x512xf32> to vector<4x128xf32>
    %logistic3A_904 = arith.negf %slice3A_903 : vector<4x128xf32>
    %logistic3A_905 = math.exp %logistic3A_904 : vector<4x128xf32>
    %logistic3A_906 = arith.constant 1.000000e+00 : f32
    %logistic3A_907 = vector.broadcast %logistic3A_906 : f32 to vector<4x128xf32>
    %logistic3A_908 = arith.addf %logistic3A_907, %logistic3A_905 : vector<4x128xf32>
    %logistic3A_909 = arith.divf %logistic3A_907, %logistic3A_908 : vector<4x128xf32>
    %slice3A_910 = vector.extract_strided_slice %add3A_902 {offsets = [0, 128], sizes = [4, 128], strides = [1, 1]} : vector<4x512xf32> to vector<4x128xf32>
    %logistic3A_911 = arith.negf %slice3A_910 : vector<4x128xf32>
    %logistic3A_912 = math.exp %logistic3A_911 : vector<4x128xf32>
    %logistic3A_913 = arith.constant 1.000000e+00 : f32
    %logistic3A_914 = vector.broadcast %logistic3A_913 : f32 to vector<4x128xf32>
    %logistic3A_915 = arith.addf %logistic3A_914, %logistic3A_912 : vector<4x128xf32>
    %logistic3A_916 = arith.divf %logistic3A_914, %logistic3A_915 : vector<4x128xf32>
    %slice3A_917 = vector.extract_strided_slice %add3A_902 {offsets = [0, 256], sizes = [4, 128], strides = [1, 1]} : vector<4x512xf32> to vector<4x128xf32>
    %tanh3A_918 = math.tanh %slice3A_917 : vector<4x128xf32>
    %slice3A_919 = vector.extract_strided_slice %add3A_902 {offsets = [0, 384], sizes = [4, 128], strides = [1, 1]} : vector<4x512xf32> to vector<4x128xf32>
    %logistic3A_920 = arith.negf %slice3A_919 : vector<4x128xf32>
    %logistic3A_921 = math.exp %logistic3A_920 : vector<4x128xf32>
    %logistic3A_922 = arith.constant 1.000000e+00 : f32
    %logistic3A_923 = vector.broadcast %logistic3A_922 : f32 to vector<4x128xf32>
    %logistic3A_924 = arith.addf %logistic3A_923, %logistic3A_921 : vector<4x128xf32>
    %logistic3A_925 = arith.divf %logistic3A_923, %logistic3A_924 : vector<4x128xf32>
    %mul3A_926 = arith.mulf %logistic3A_916, %add3A_861 : vector<4x128xf32>
    %mul3A_927 = arith.mulf %logistic3A_909, %tanh3A_918 : vector<4x128xf32>
    %add3A_928 = arith.addf %mul3A_926, %mul3A_927 : vector<4x128xf32>
    %tanh3A_929 = math.tanh %add3A_928 : vector<4x128xf32>
    %mul3A_930 = arith.mulf %logistic3A_925, %tanh3A_929 : vector<4x128xf32>
    %concatenate3A_931 = tpu.concatenate %mul3A_930, %mul3A_896 in 1 : vector<4x128xf32>, vector<4x128xf32> -> vector<4x256xf32>
    %dot_general3A_932 = arith.constant dense<0.000000e+00> : vector<4x512xf32>
    %dot_general3A_933 = tpu.matmul %concatenate3A_931, %get3A_7, %dot_general3A_932 {dimension_numbers = #tpu.dot_dimension_numbers<[1], [0], [0], [1], [0, 0, 1, 1], [], []>, transpose_lhs_hint = false} : vector<4x256xf32>, vector<256x512xf32>, vector<4x512xf32> -> vector<4x512xf32>
    %add3A_934 = vector.broadcast %get3A_10 : vector<1x512xf32> to vector<4x512xf32>
    %add3A_935 = arith.addf %dot_general3A_933, %add3A_934 : vector<4x512xf32>
    %slice3A_936 = vector.extract_strided_slice %add3A_935 {offsets = [0, 0], sizes = [4, 128], strides = [1, 1]} : vector<4x512xf32> to vector<4x128xf32>
    %logistic3A_937 = arith.negf %slice3A_936 : vector<4x128xf32>
    %logistic3A_938 = math.exp %logistic3A_937 : vector<4x128xf32>
    %logistic3A_939 = arith.constant 1.000000e+00 : f32
    %logistic3A_940 = vector.broadcast %logistic3A_939 : f32 to vector<4x128xf32>
    %logistic3A_941 = arith.addf %logistic3A_940, %logistic3A_938 : vector<4x128xf32>
    %logistic3A_942 = arith.divf %logistic3A_940, %logistic3A_941 : vector<4x128xf32>
    %slice3A_943 = vector.extract_strided_slice %add3A_935 {offsets = [0, 128], sizes = [4, 128], strides = [1, 1]} : vector<4x512xf32> to vector<4x128xf32>
    %logistic3A_944 = arith.negf %slice3A_943 : vector<4x128xf32>
    %logistic3A_945 = math.exp %logistic3A_944 : vector<4x128xf32>
    %logistic3A_946 = arith.constant 1.000000e+00 : f32
    %logistic3A_947 = vector.broadcast %logistic3A_946 : f32 to vector<4x128xf32>
    %logistic3A_948 = arith.addf %logistic3A_947, %logistic3A_945 : vector<4x128xf32>
    %logistic3A_949 = arith.divf %logistic3A_947, %logistic3A_948 : vector<4x128xf32>
    %slice3A_950 = vector.extract_strided_slice %add3A_935 {offsets = [0, 256], sizes = [4, 128], strides = [1, 1]} : vector<4x512xf32> to vector<4x128xf32>
    %tanh3A_951 = math.tanh %slice3A_950 : vector<4x128xf32>
    %slice3A_952 = vector.extract_strided_slice %add3A_935 {offsets = [0, 384], sizes = [4, 128], strides = [1, 1]} : vector<4x512xf32> to vector<4x128xf32>
    %logistic3A_953 = arith.negf %slice3A_952 : vector<4x128xf32>
    %logistic3A_954 = math.exp %logistic3A_953 : vector<4x128xf32>
    %logistic3A_955 = arith.constant 1.000000e+00 : f32
    %logistic3A_956 = vector.broadcast %logistic3A_955 : f32 to vector<4x128xf32>
    %logistic3A_957 = arith.addf %logistic3A_956, %logistic3A_954 : vector<4x128xf32>
    %logistic3A_958 = arith.divf %logistic3A_956, %logistic3A_957 : vector<4x128xf32>
    %mul3A_959 = arith.mulf %logistic3A_949, %add3A_894 : vector<4x128xf32>
    %mul3A_960 = arith.mulf %logistic3A_942, %tanh3A_951 : vector<4x128xf32>
    %add3A_961 = arith.addf %mul3A_959, %mul3A_960 : vector<4x128xf32>
    %tanh3A_962 = math.tanh %add3A_961 : vector<4x128xf32>
    %mul3A_963 = arith.mulf %logistic3A_958, %tanh3A_962 : vector<4x128xf32>
    %slice3A_964 = vector.extract_strided_slice %dot_general3A_28 {offsets = [56, 0], sizes = [4, 512], strides = [1, 1]} : vector<96x512xf32> to vector<4x512xf32>
    %dot_general3A_965 = arith.constant dense<0.000000e+00> : vector<4x512xf32>
    %dot_general3A_966 = tpu.matmul %mul3A_930, %get3A_1, %dot_general3A_965 {dimension_numbers = #tpu.dot_dimension_numbers<[1], [0], [0], [1], [0, 0, 1, 1], [], []>, transpose_lhs_hint = false} : vector<4x128xf32>, vector<128x512xf32>, vector<4x512xf32> -> vector<4x512xf32>
    %add3A_967 = arith.addf %slice3A_964, %dot_general3A_966 : vector<4x512xf32>
    %add3A_968 = vector.broadcast %get3A_4 : vector<1x512xf32> to vector<4x512xf32>
    %add3A_969 = arith.addf %add3A_967, %add3A_968 : vector<4x512xf32>
    %slice3A_970 = vector.extract_strided_slice %add3A_969 {offsets = [0, 0], sizes = [4, 128], strides = [1, 1]} : vector<4x512xf32> to vector<4x128xf32>
    %logistic3A_971 = arith.negf %slice3A_970 : vector<4x128xf32>
    %logistic3A_972 = math.exp %logistic3A_971 : vector<4x128xf32>
    %logistic3A_973 = arith.constant 1.000000e+00 : f32
    %logistic3A_974 = vector.broadcast %logistic3A_973 : f32 to vector<4x128xf32>
    %logistic3A_975 = arith.addf %logistic3A_974, %logistic3A_972 : vector<4x128xf32>
    %logistic3A_976 = arith.divf %logistic3A_974, %logistic3A_975 : vector<4x128xf32>
    %slice3A_977 = vector.extract_strided_slice %add3A_969 {offsets = [0, 128], sizes = [4, 128], strides = [1, 1]} : vector<4x512xf32> to vector<4x128xf32>
    %logistic3A_978 = arith.negf %slice3A_977 : vector<4x128xf32>
    %logistic3A_979 = math.exp %logistic3A_978 : vector<4x128xf32>
    %logistic3A_980 = arith.constant 1.000000e+00 : f32
    %logistic3A_981 = vector.broadcast %logistic3A_980 : f32 to vector<4x128xf32>
    %logistic3A_982 = arith.addf %logistic3A_981, %logistic3A_979 : vector<4x128xf32>
    %logistic3A_983 = arith.divf %logistic3A_981, %logistic3A_982 : vector<4x128xf32>
    %slice3A_984 = vector.extract_strided_slice %add3A_969 {offsets = [0, 256], sizes = [4, 128], strides = [1, 1]} : vector<4x512xf32> to vector<4x128xf32>
    %tanh3A_985 = math.tanh %slice3A_984 : vector<4x128xf32>
    %slice3A_986 = vector.extract_strided_slice %add3A_969 {offsets = [0, 384], sizes = [4, 128], strides = [1, 1]} : vector<4x512xf32> to vector<4x128xf32>
    %logistic3A_987 = arith.negf %slice3A_986 : vector<4x128xf32>
    %logistic3A_988 = math.exp %logistic3A_987 : vector<4x128xf32>
    %logistic3A_989 = arith.constant 1.000000e+00 : f32
    %logistic3A_990 = vector.broadcast %logistic3A_989 : f32 to vector<4x128xf32>
    %logistic3A_991 = arith.addf %logistic3A_990, %logistic3A_988 : vector<4x128xf32>
    %logistic3A_992 = arith.divf %logistic3A_990, %logistic3A_991 : vector<4x128xf32>
    %mul3A_993 = arith.mulf %logistic3A_983, %add3A_928 : vector<4x128xf32>
    %mul3A_994 = arith.mulf %logistic3A_976, %tanh3A_985 : vector<4x128xf32>
    %add3A_995 = arith.addf %mul3A_993, %mul3A_994 : vector<4x128xf32>
    %tanh3A_996 = math.tanh %add3A_995 : vector<4x128xf32>
    %mul3A_997 = arith.mulf %logistic3A_992, %tanh3A_996 : vector<4x128xf32>
    %concatenate3A_998 = tpu.concatenate %mul3A_997, %mul3A_963 in 1 : vector<4x128xf32>, vector<4x128xf32> -> vector<4x256xf32>
    %dot_general3A_999 = arith.constant dense<0.000000e+00> : vector<4x512xf32>
    %dot_general3A_1000 = tpu.matmul %concatenate3A_998, %get3A_7, %dot_general3A_999 {dimension_numbers = #tpu.dot_dimension_numbers<[1], [0], [0], [1], [0, 0, 1, 1], [], []>, transpose_lhs_hint = false} : vector<4x256xf32>, vector<256x512xf32>, vector<4x512xf32> -> vector<4x512xf32>
    %add3A_1001 = vector.broadcast %get3A_10 : vector<1x512xf32> to vector<4x512xf32>
    %add3A_1002 = arith.addf %dot_general3A_1000, %add3A_1001 : vector<4x512xf32>
    %slice3A_1003 = vector.extract_strided_slice %add3A_1002 {offsets = [0, 0], sizes = [4, 128], strides = [1, 1]} : vector<4x512xf32> to vector<4x128xf32>
    %logistic3A_1004 = arith.negf %slice3A_1003 : vector<4x128xf32>
    %logistic3A_1005 = math.exp %logistic3A_1004 : vector<4x128xf32>
    %logistic3A_1006 = arith.constant 1.000000e+00 : f32
    %logistic3A_1007 = vector.broadcast %logistic3A_1006 : f32 to vector<4x128xf32>
    %logistic3A_1008 = arith.addf %logistic3A_1007, %logistic3A_1005 : vector<4x128xf32>
    %logistic3A_1009 = arith.divf %logistic3A_1007, %logistic3A_1008 : vector<4x128xf32>
    %slice3A_1010 = vector.extract_strided_slice %add3A_1002 {offsets = [0, 128], sizes = [4, 128], strides = [1, 1]} : vector<4x512xf32> to vector<4x128xf32>
    %logistic3A_1011 = arith.negf %slice3A_1010 : vector<4x128xf32>
    %logistic3A_1012 = math.exp %logistic3A_1011 : vector<4x128xf32>
    %logistic3A_1013 = arith.constant 1.000000e+00 : f32
    %logistic3A_1014 = vector.broadcast %logistic3A_1013 : f32 to vector<4x128xf32>
    %logistic3A_1015 = arith.addf %logistic3A_1014, %logistic3A_1012 : vector<4x128xf32>
    %logistic3A_1016 = arith.divf %logistic3A_1014, %logistic3A_1015 : vector<4x128xf32>
    %slice3A_1017 = vector.extract_strided_slice %add3A_1002 {offsets = [0, 256], sizes = [4, 128], strides = [1, 1]} : vector<4x512xf32> to vector<4x128xf32>
    %tanh3A_1018 = math.tanh %slice3A_1017 : vector<4x128xf32>
    %slice3A_1019 = vector.extract_strided_slice %add3A_1002 {offsets = [0, 384], sizes = [4, 128], strides = [1, 1]} : vector<4x512xf32> to vector<4x128xf32>
    %logistic3A_1020 = arith.negf %slice3A_1019 : vector<4x128xf32>
    %logistic3A_1021 = math.exp %logistic3A_1020 : vector<4x128xf32>
    %logistic3A_1022 = arith.constant 1.000000e+00 : f32
    %logistic3A_1023 = vector.broadcast %logistic3A_1022 : f32 to vector<4x128xf32>
    %logistic3A_1024 = arith.addf %logistic3A_1023, %logistic3A_1021 : vector<4x128xf32>
    %logistic3A_1025 = arith.divf %logistic3A_1023, %logistic3A_1024 : vector<4x128xf32>
    %mul3A_1026 = arith.mulf %logistic3A_1016, %add3A_961 : vector<4x128xf32>
    %mul3A_1027 = arith.mulf %logistic3A_1009, %tanh3A_1018 : vector<4x128xf32>
    %add3A_1028 = arith.addf %mul3A_1026, %mul3A_1027 : vector<4x128xf32>
    %tanh3A_1029 = math.tanh %add3A_1028 : vector<4x128xf32>
    %mul3A_1030 = arith.mulf %logistic3A_1025, %tanh3A_1029 : vector<4x128xf32>
    %slice3A_1031 = vector.extract_strided_slice %dot_general3A_28 {offsets = [60, 0], sizes = [4, 512], strides = [1, 1]} : vector<96x512xf32> to vector<4x512xf32>
    %dot_general3A_1032 = arith.constant dense<0.000000e+00> : vector<4x512xf32>
    %dot_general3A_1033 = tpu.matmul %mul3A_997, %get3A_1, %dot_general3A_1032 {dimension_numbers = #tpu.dot_dimension_numbers<[1], [0], [0], [1], [0, 0, 1, 1], [], []>, transpose_lhs_hint = false} : vector<4x128xf32>, vector<128x512xf32>, vector<4x512xf32> -> vector<4x512xf32>
    %add3A_1034 = arith.addf %slice3A_1031, %dot_general3A_1033 : vector<4x512xf32>
    %add3A_1035 = vector.broadcast %get3A_4 : vector<1x512xf32> to vector<4x512xf32>
    %add3A_1036 = arith.addf %add3A_1034, %add3A_1035 : vector<4x512xf32>
    %slice3A_1037 = vector.extract_strided_slice %add3A_1036 {offsets = [0, 0], sizes = [4, 128], strides = [1, 1]} : vector<4x512xf32> to vector<4x128xf32>
    %logistic3A_1038 = arith.negf %slice3A_1037 : vector<4x128xf32>
    %logistic3A_1039 = math.exp %logistic3A_1038 : vector<4x128xf32>
    %logistic3A_1040 = arith.constant 1.000000e+00 : f32
    %logistic3A_1041 = vector.broadcast %logistic3A_1040 : f32 to vector<4x128xf32>
    %logistic3A_1042 = arith.addf %logistic3A_1041, %logistic3A_1039 : vector<4x128xf32>
    %logistic3A_1043 = arith.divf %logistic3A_1041, %logistic3A_1042 : vector<4x128xf32>
    %slice3A_1044 = vector.extract_strided_slice %add3A_1036 {offsets = [0, 128], sizes = [4, 128], strides = [1, 1]} : vector<4x512xf32> to vector<4x128xf32>
    %logistic3A_1045 = arith.negf %slice3A_1044 : vector<4x128xf32>
    %logistic3A_1046 = math.exp %logistic3A_1045 : vector<4x128xf32>
    %logistic3A_1047 = arith.constant 1.000000e+00 : f32
    %logistic3A_1048 = vector.broadcast %logistic3A_1047 : f32 to vector<4x128xf32>
    %logistic3A_1049 = arith.addf %logistic3A_1048, %logistic3A_1046 : vector<4x128xf32>
    %logistic3A_1050 = arith.divf %logistic3A_1048, %logistic3A_1049 : vector<4x128xf32>
    %slice3A_1051 = vector.extract_strided_slice %add3A_1036 {offsets = [0, 256], sizes = [4, 128], strides = [1, 1]} : vector<4x512xf32> to vector<4x128xf32>
    %tanh3A_1052 = math.tanh %slice3A_1051 : vector<4x128xf32>
    %slice3A_1053 = vector.extract_strided_slice %add3A_1036 {offsets = [0, 384], sizes = [4, 128], strides = [1, 1]} : vector<4x512xf32> to vector<4x128xf32>
    %logistic3A_1054 = arith.negf %slice3A_1053 : vector<4x128xf32>
    %logistic3A_1055 = math.exp %logistic3A_1054 : vector<4x128xf32>
    %logistic3A_1056 = arith.constant 1.000000e+00 : f32
    %logistic3A_1057 = vector.broadcast %logistic3A_1056 : f32 to vector<4x128xf32>
    %logistic3A_1058 = arith.addf %logistic3A_1057, %logistic3A_1055 : vector<4x128xf32>
    %logistic3A_1059 = arith.divf %logistic3A_1057, %logistic3A_1058 : vector<4x128xf32>
    %mul3A_1060 = arith.mulf %logistic3A_1050, %add3A_995 : vector<4x128xf32>
    %mul3A_1061 = arith.mulf %logistic3A_1043, %tanh3A_1052 : vector<4x128xf32>
    %add3A_1062 = arith.addf %mul3A_1060, %mul3A_1061 : vector<4x128xf32>
    %tanh3A_1063 = math.tanh %add3A_1062 : vector<4x128xf32>
    %mul3A_1064 = arith.mulf %logistic3A_1059, %tanh3A_1063 : vector<4x128xf32>
    %concatenate3A_1065 = tpu.concatenate %mul3A_1064, %mul3A_1030 in 1 : vector<4x128xf32>, vector<4x128xf32> -> vector<4x256xf32>
    %dot_general3A_1066 = arith.constant dense<0.000000e+00> : vector<4x512xf32>
    %dot_general3A_1067 = tpu.matmul %concatenate3A_1065, %get3A_7, %dot_general3A_1066 {dimension_numbers = #tpu.dot_dimension_numbers<[1], [0], [0], [1], [0, 0, 1, 1], [], []>, transpose_lhs_hint = false} : vector<4x256xf32>, vector<256x512xf32>, vector<4x512xf32> -> vector<4x512xf32>
    %add3A_1068 = vector.broadcast %get3A_10 : vector<1x512xf32> to vector<4x512xf32>
    %add3A_1069 = arith.addf %dot_general3A_1067, %add3A_1068 : vector<4x512xf32>
    %slice3A_1070 = vector.extract_strided_slice %add3A_1069 {offsets = [0, 0], sizes = [4, 128], strides = [1, 1]} : vector<4x512xf32> to vector<4x128xf32>
    %logistic3A_1071 = arith.negf %slice3A_1070 : vector<4x128xf32>
    %logistic3A_1072 = math.exp %logistic3A_1071 : vector<4x128xf32>
    %logistic3A_1073 = arith.constant 1.000000e+00 : f32
    %logistic3A_1074 = vector.broadcast %logistic3A_1073 : f32 to vector<4x128xf32>
    %logistic3A_1075 = arith.addf %logistic3A_1074, %logistic3A_1072 : vector<4x128xf32>
    %logistic3A_1076 = arith.divf %logistic3A_1074, %logistic3A_1075 : vector<4x128xf32>
    %slice3A_1077 = vector.extract_strided_slice %add3A_1069 {offsets = [0, 128], sizes = [4, 128], strides = [1, 1]} : vector<4x512xf32> to vector<4x128xf32>
    %logistic3A_1078 = arith.negf %slice3A_1077 : vector<4x128xf32>
    %logistic3A_1079 = math.exp %logistic3A_1078 : vector<4x128xf32>
    %logistic3A_1080 = arith.constant 1.000000e+00 : f32
    %logistic3A_1081 = vector.broadcast %logistic3A_1080 : f32 to vector<4x128xf32>
    %logistic3A_1082 = arith.addf %logistic3A_1081, %logistic3A_1079 : vector<4x128xf32>
    %logistic3A_1083 = arith.divf %logistic3A_1081, %logistic3A_1082 : vector<4x128xf32>
    %slice3A_1084 = vector.extract_strided_slice %add3A_1069 {offsets = [0, 256], sizes = [4, 128], strides = [1, 1]} : vector<4x512xf32> to vector<4x128xf32>
    %tanh3A_1085 = math.tanh %slice3A_1084 : vector<4x128xf32>
    %slice3A_1086 = vector.extract_strided_slice %add3A_1069 {offsets = [0, 384], sizes = [4, 128], strides = [1, 1]} : vector<4x512xf32> to vector<4x128xf32>
    %logistic3A_1087 = arith.negf %slice3A_1086 : vector<4x128xf32>
    %logistic3A_1088 = math.exp %logistic3A_1087 : vector<4x128xf32>
    %logistic3A_1089 = arith.constant 1.000000e+00 : f32
    %logistic3A_1090 = vector.broadcast %logistic3A_1089 : f32 to vector<4x128xf32>
    %logistic3A_1091 = arith.addf %logistic3A_1090, %logistic3A_1088 : vector<4x128xf32>
    %logistic3A_1092 = arith.divf %logistic3A_1090, %logistic3A_1091 : vector<4x128xf32>
    %mul3A_1093 = arith.mulf %logistic3A_1083, %add3A_1028 : vector<4x128xf32>
    %mul3A_1094 = arith.mulf %logistic3A_1076, %tanh3A_1085 : vector<4x128xf32>
    %add3A_1095 = arith.addf %mul3A_1093, %mul3A_1094 : vector<4x128xf32>
    %tanh3A_1096 = math.tanh %add3A_1095 : vector<4x128xf32>
    %mul3A_1097 = arith.mulf %logistic3A_1092, %tanh3A_1096 : vector<4x128xf32>
    %slice3A_1098 = vector.extract_strided_slice %dot_general3A_28 {offsets = [64, 0], sizes = [4, 512], strides = [1, 1]} : vector<96x512xf32> to vector<4x512xf32>
    %dot_general3A_1099 = arith.constant dense<0.000000e+00> : vector<4x512xf32>
    %dot_general3A_1100 = tpu.matmul %mul3A_1064, %get3A_1, %dot_general3A_1099 {dimension_numbers = #tpu.dot_dimension_numbers<[1], [0], [0], [1], [0, 0, 1, 1], [], []>, transpose_lhs_hint = false} : vector<4x128xf32>, vector<128x512xf32>, vector<4x512xf32> -> vector<4x512xf32>
    %add3A_1101 = arith.addf %slice3A_1098, %dot_general3A_1100 : vector<4x512xf32>
    %add3A_1102 = vector.broadcast %get3A_4 : vector<1x512xf32> to vector<4x512xf32>
    %add3A_1103 = arith.addf %add3A_1101, %add3A_1102 : vector<4x512xf32>
    %slice3A_1104 = vector.extract_strided_slice %add3A_1103 {offsets = [0, 0], sizes = [4, 128], strides = [1, 1]} : vector<4x512xf32> to vector<4x128xf32>
    %logistic3A_1105 = arith.negf %slice3A_1104 : vector<4x128xf32>
    %logistic3A_1106 = math.exp %logistic3A_1105 : vector<4x128xf32>
    %logistic3A_1107 = arith.constant 1.000000e+00 : f32
    %logistic3A_1108 = vector.broadcast %logistic3A_1107 : f32 to vector<4x128xf32>
    %logistic3A_1109 = arith.addf %logistic3A_1108, %logistic3A_1106 : vector<4x128xf32>
    %logistic3A_1110 = arith.divf %logistic3A_1108, %logistic3A_1109 : vector<4x128xf32>
    %slice3A_1111 = vector.extract_strided_slice %add3A_1103 {offsets = [0, 128], sizes = [4, 128], strides = [1, 1]} : vector<4x512xf32> to vector<4x128xf32>
    %logistic3A_1112 = arith.negf %slice3A_1111 : vector<4x128xf32>
    %logistic3A_1113 = math.exp %logistic3A_1112 : vector<4x128xf32>
    %logistic3A_1114 = arith.constant 1.000000e+00 : f32
    %logistic3A_1115 = vector.broadcast %logistic3A_1114 : f32 to vector<4x128xf32>
    %logistic3A_1116 = arith.addf %logistic3A_1115, %logistic3A_1113 : vector<4x128xf32>
    %logistic3A_1117 = arith.divf %logistic3A_1115, %logistic3A_1116 : vector<4x128xf32>
    %slice3A_1118 = vector.extract_strided_slice %add3A_1103 {offsets = [0, 256], sizes = [4, 128], strides = [1, 1]} : vector<4x512xf32> to vector<4x128xf32>
    %tanh3A_1119 = math.tanh %slice3A_1118 : vector<4x128xf32>
    %slice3A_1120 = vector.extract_strided_slice %add3A_1103 {offsets = [0, 384], sizes = [4, 128], strides = [1, 1]} : vector<4x512xf32> to vector<4x128xf32>
    %logistic3A_1121 = arith.negf %slice3A_1120 : vector<4x128xf32>
    %logistic3A_1122 = math.exp %logistic3A_1121 : vector<4x128xf32>
    %logistic3A_1123 = arith.constant 1.000000e+00 : f32
    %logistic3A_1124 = vector.broadcast %logistic3A_1123 : f32 to vector<4x128xf32>
    %logistic3A_1125 = arith.addf %logistic3A_1124, %logistic3A_1122 : vector<4x128xf32>
    %logistic3A_1126 = arith.divf %logistic3A_1124, %logistic3A_1125 : vector<4x128xf32>
    %mul3A_1127 = arith.mulf %logistic3A_1117, %add3A_1062 : vector<4x128xf32>
    %mul3A_1128 = arith.mulf %logistic3A_1110, %tanh3A_1119 : vector<4x128xf32>
    %add3A_1129 = arith.addf %mul3A_1127, %mul3A_1128 : vector<4x128xf32>
    %tanh3A_1130 = math.tanh %add3A_1129 : vector<4x128xf32>
    %mul3A_1131 = arith.mulf %logistic3A_1126, %tanh3A_1130 : vector<4x128xf32>
    %concatenate3A_1132 = tpu.concatenate %mul3A_1131, %mul3A_1097 in 1 : vector<4x128xf32>, vector<4x128xf32> -> vector<4x256xf32>
    %dot_general3A_1133 = arith.constant dense<0.000000e+00> : vector<4x512xf32>
    %dot_general3A_1134 = tpu.matmul %concatenate3A_1132, %get3A_7, %dot_general3A_1133 {dimension_numbers = #tpu.dot_dimension_numbers<[1], [0], [0], [1], [0, 0, 1, 1], [], []>, transpose_lhs_hint = false} : vector<4x256xf32>, vector<256x512xf32>, vector<4x512xf32> -> vector<4x512xf32>
    %add3A_1135 = vector.broadcast %get3A_10 : vector<1x512xf32> to vector<4x512xf32>
    %add3A_1136 = arith.addf %dot_general3A_1134, %add3A_1135 : vector<4x512xf32>
    %slice3A_1137 = vector.extract_strided_slice %add3A_1136 {offsets = [0, 0], sizes = [4, 128], strides = [1, 1]} : vector<4x512xf32> to vector<4x128xf32>
    %logistic3A_1138 = arith.negf %slice3A_1137 : vector<4x128xf32>
    %logistic3A_1139 = math.exp %logistic3A_1138 : vector<4x128xf32>
    %logistic3A_1140 = arith.constant 1.000000e+00 : f32
    %logistic3A_1141 = vector.broadcast %logistic3A_1140 : f32 to vector<4x128xf32>
    %logistic3A_1142 = arith.addf %logistic3A_1141, %logistic3A_1139 : vector<4x128xf32>
    %logistic3A_1143 = arith.divf %logistic3A_1141, %logistic3A_1142 : vector<4x128xf32>
    %slice3A_1144 = vector.extract_strided_slice %add3A_1136 {offsets = [0, 128], sizes = [4, 128], strides = [1, 1]} : vector<4x512xf32> to vector<4x128xf32>
    %logistic3A_1145 = arith.negf %slice3A_1144 : vector<4x128xf32>
    %logistic3A_1146 = math.exp %logistic3A_1145 : vector<4x128xf32>
    %logistic3A_1147 = arith.constant 1.000000e+00 : f32
    %logistic3A_1148 = vector.broadcast %logistic3A_1147 : f32 to vector<4x128xf32>
    %logistic3A_1149 = arith.addf %logistic3A_1148, %logistic3A_1146 : vector<4x128xf32>
    %logistic3A_1150 = arith.divf %logistic3A_1148, %logistic3A_1149 : vector<4x128xf32>
    %slice3A_1151 = vector.extract_strided_slice %add3A_1136 {offsets = [0, 256], sizes = [4, 128], strides = [1, 1]} : vector<4x512xf32> to vector<4x128xf32>
    %tanh3A_1152 = math.tanh %slice3A_1151 : vector<4x128xf32>
    %slice3A_1153 = vector.extract_strided_slice %add3A_1136 {offsets = [0, 384], sizes = [4, 128], strides = [1, 1]} : vector<4x512xf32> to vector<4x128xf32>
    %logistic3A_1154 = arith.negf %slice3A_1153 : vector<4x128xf32>
    %logistic3A_1155 = math.exp %logistic3A_1154 : vector<4x128xf32>
    %logistic3A_1156 = arith.constant 1.000000e+00 : f32
    %logistic3A_1157 = vector.broadcast %logistic3A_1156 : f32 to vector<4x128xf32>
    %logistic3A_1158 = arith.addf %logistic3A_1157, %logistic3A_1155 : vector<4x128xf32>
    %logistic3A_1159 = arith.divf %logistic3A_1157, %logistic3A_1158 : vector<4x128xf32>
    %mul3A_1160 = arith.mulf %logistic3A_1150, %add3A_1095 : vector<4x128xf32>
    %mul3A_1161 = arith.mulf %logistic3A_1143, %tanh3A_1152 : vector<4x128xf32>
    %add3A_1162 = arith.addf %mul3A_1160, %mul3A_1161 : vector<4x128xf32>
    %tanh3A_1163 = math.tanh %add3A_1162 : vector<4x128xf32>
    %mul3A_1164 = arith.mulf %logistic3A_1159, %tanh3A_1163 : vector<4x128xf32>
    %slice3A_1165 = vector.extract_strided_slice %dot_general3A_28 {offsets = [68, 0], sizes = [4, 512], strides = [1, 1]} : vector<96x512xf32> to vector<4x512xf32>
    %dot_general3A_1166 = arith.constant dense<0.000000e+00> : vector<4x512xf32>
    %dot_general3A_1167 = tpu.matmul %mul3A_1131, %get3A_1, %dot_general3A_1166 {dimension_numbers = #tpu.dot_dimension_numbers<[1], [0], [0], [1], [0, 0, 1, 1], [], []>, transpose_lhs_hint = false} : vector<4x128xf32>, vector<128x512xf32>, vector<4x512xf32> -> vector<4x512xf32>
    %add3A_1168 = arith.addf %slice3A_1165, %dot_general3A_1167 : vector<4x512xf32>
    %add3A_1169 = vector.broadcast %get3A_4 : vector<1x512xf32> to vector<4x512xf32>
    %add3A_1170 = arith.addf %add3A_1168, %add3A_1169 : vector<4x512xf32>
    %slice3A_1171 = vector.extract_strided_slice %add3A_1170 {offsets = [0, 0], sizes = [4, 128], strides = [1, 1]} : vector<4x512xf32> to vector<4x128xf32>
    %logistic3A_1172 = arith.negf %slice3A_1171 : vector<4x128xf32>
    %logistic3A_1173 = math.exp %logistic3A_1172 : vector<4x128xf32>
    %logistic3A_1174 = arith.constant 1.000000e+00 : f32
    %logistic3A_1175 = vector.broadcast %logistic3A_1174 : f32 to vector<4x128xf32>
    %logistic3A_1176 = arith.addf %logistic3A_1175, %logistic3A_1173 : vector<4x128xf32>
    %logistic3A_1177 = arith.divf %logistic3A_1175, %logistic3A_1176 : vector<4x128xf32>
    %slice3A_1178 = vector.extract_strided_slice %add3A_1170 {offsets = [0, 128], sizes = [4, 128], strides = [1, 1]} : vector<4x512xf32> to vector<4x128xf32>
    %logistic3A_1179 = arith.negf %slice3A_1178 : vector<4x128xf32>
    %logistic3A_1180 = math.exp %logistic3A_1179 : vector<4x128xf32>
    %logistic3A_1181 = arith.constant 1.000000e+00 : f32
    %logistic3A_1182 = vector.broadcast %logistic3A_1181 : f32 to vector<4x128xf32>
    %logistic3A_1183 = arith.addf %logistic3A_1182, %logistic3A_1180 : vector<4x128xf32>
    %logistic3A_1184 = arith.divf %logistic3A_1182, %logistic3A_1183 : vector<4x128xf32>
    %slice3A_1185 = vector.extract_strided_slice %add3A_1170 {offsets = [0, 256], sizes = [4, 128], strides = [1, 1]} : vector<4x512xf32> to vector<4x128xf32>
    %tanh3A_1186 = math.tanh %slice3A_1185 : vector<4x128xf32>
    %slice3A_1187 = vector.extract_strided_slice %add3A_1170 {offsets = [0, 384], sizes = [4, 128], strides = [1, 1]} : vector<4x512xf32> to vector<4x128xf32>
    %logistic3A_1188 = arith.negf %slice3A_1187 : vector<4x128xf32>
    %logistic3A_1189 = math.exp %logistic3A_1188 : vector<4x128xf32>
    %logistic3A_1190 = arith.constant 1.000000e+00 : f32
    %logistic3A_1191 = vector.broadcast %logistic3A_1190 : f32 to vector<4x128xf32>
    %logistic3A_1192 = arith.addf %logistic3A_1191, %logistic3A_1189 : vector<4x128xf32>
    %logistic3A_1193 = arith.divf %logistic3A_1191, %logistic3A_1192 : vector<4x128xf32>
    %mul3A_1194 = arith.mulf %logistic3A_1184, %add3A_1129 : vector<4x128xf32>
    %mul3A_1195 = arith.mulf %logistic3A_1177, %tanh3A_1186 : vector<4x128xf32>
    %add3A_1196 = arith.addf %mul3A_1194, %mul3A_1195 : vector<4x128xf32>
    %tanh3A_1197 = math.tanh %add3A_1196 : vector<4x128xf32>
    %mul3A_1198 = arith.mulf %logistic3A_1193, %tanh3A_1197 : vector<4x128xf32>
    %concatenate3A_1199 = tpu.concatenate %mul3A_1198, %mul3A_1164 in 1 : vector<4x128xf32>, vector<4x128xf32> -> vector<4x256xf32>
    %dot_general3A_1200 = arith.constant dense<0.000000e+00> : vector<4x512xf32>
    %dot_general3A_1201 = tpu.matmul %concatenate3A_1199, %get3A_7, %dot_general3A_1200 {dimension_numbers = #tpu.dot_dimension_numbers<[1], [0], [0], [1], [0, 0, 1, 1], [], []>, transpose_lhs_hint = false} : vector<4x256xf32>, vector<256x512xf32>, vector<4x512xf32> -> vector<4x512xf32>
    %add3A_1202 = vector.broadcast %get3A_10 : vector<1x512xf32> to vector<4x512xf32>
    %add3A_1203 = arith.addf %dot_general3A_1201, %add3A_1202 : vector<4x512xf32>
    %slice3A_1204 = vector.extract_strided_slice %add3A_1203 {offsets = [0, 0], sizes = [4, 128], strides = [1, 1]} : vector<4x512xf32> to vector<4x128xf32>
    %logistic3A_1205 = arith.negf %slice3A_1204 : vector<4x128xf32>
    %logistic3A_1206 = math.exp %logistic3A_1205 : vector<4x128xf32>
    %logistic3A_1207 = arith.constant 1.000000e+00 : f32
    %logistic3A_1208 = vector.broadcast %logistic3A_1207 : f32 to vector<4x128xf32>
    %logistic3A_1209 = arith.addf %logistic3A_1208, %logistic3A_1206 : vector<4x128xf32>
    %logistic3A_1210 = arith.divf %logistic3A_1208, %logistic3A_1209 : vector<4x128xf32>
    %slice3A_1211 = vector.extract_strided_slice %add3A_1203 {offsets = [0, 128], sizes = [4, 128], strides = [1, 1]} : vector<4x512xf32> to vector<4x128xf32>
    %logistic3A_1212 = arith.negf %slice3A_1211 : vector<4x128xf32>
    %logistic3A_1213 = math.exp %logistic3A_1212 : vector<4x128xf32>
    %logistic3A_1214 = arith.constant 1.000000e+00 : f32
    %logistic3A_1215 = vector.broadcast %logistic3A_1214 : f32 to vector<4x128xf32>
    %logistic3A_1216 = arith.addf %logistic3A_1215, %logistic3A_1213 : vector<4x128xf32>
    %logistic3A_1217 = arith.divf %logistic3A_1215, %logistic3A_1216 : vector<4x128xf32>
    %slice3A_1218 = vector.extract_strided_slice %add3A_1203 {offsets = [0, 256], sizes = [4, 128], strides = [1, 1]} : vector<4x512xf32> to vector<4x128xf32>
    %tanh3A_1219 = math.tanh %slice3A_1218 : vector<4x128xf32>
    %slice3A_1220 = vector.extract_strided_slice %add3A_1203 {offsets = [0, 384], sizes = [4, 128], strides = [1, 1]} : vector<4x512xf32> to vector<4x128xf32>
    %logistic3A_1221 = arith.negf %slice3A_1220 : vector<4x128xf32>
    %logistic3A_1222 = math.exp %logistic3A_1221 : vector<4x128xf32>
    %logistic3A_1223 = arith.constant 1.000000e+00 : f32
    %logistic3A_1224 = vector.broadcast %logistic3A_1223 : f32 to vector<4x128xf32>
    %logistic3A_1225 = arith.addf %logistic3A_1224, %logistic3A_1222 : vector<4x128xf32>
    %logistic3A_1226 = arith.divf %logistic3A_1224, %logistic3A_1225 : vector<4x128xf32>
    %mul3A_1227 = arith.mulf %logistic3A_1217, %add3A_1162 : vector<4x128xf32>
    %mul3A_1228 = arith.mulf %logistic3A_1210, %tanh3A_1219 : vector<4x128xf32>
    %add3A_1229 = arith.addf %mul3A_1227, %mul3A_1228 : vector<4x128xf32>
    %tanh3A_1230 = math.tanh %add3A_1229 : vector<4x128xf32>
    %mul3A_1231 = arith.mulf %logistic3A_1226, %tanh3A_1230 : vector<4x128xf32>
    %slice3A_1232 = vector.extract_strided_slice %dot_general3A_28 {offsets = [72, 0], sizes = [4, 512], strides = [1, 1]} : vector<96x512xf32> to vector<4x512xf32>
    %dot_general3A_1233 = arith.constant dense<0.000000e+00> : vector<4x512xf32>
    %dot_general3A_1234 = tpu.matmul %mul3A_1198, %get3A_1, %dot_general3A_1233 {dimension_numbers = #tpu.dot_dimension_numbers<[1], [0], [0], [1], [0, 0, 1, 1], [], []>, transpose_lhs_hint = false} : vector<4x128xf32>, vector<128x512xf32>, vector<4x512xf32> -> vector<4x512xf32>
    %add3A_1235 = arith.addf %slice3A_1232, %dot_general3A_1234 : vector<4x512xf32>
    %add3A_1236 = vector.broadcast %get3A_4 : vector<1x512xf32> to vector<4x512xf32>
    %add3A_1237 = arith.addf %add3A_1235, %add3A_1236 : vector<4x512xf32>
    %slice3A_1238 = vector.extract_strided_slice %add3A_1237 {offsets = [0, 0], sizes = [4, 128], strides = [1, 1]} : vector<4x512xf32> to vector<4x128xf32>
    %logistic3A_1239 = arith.negf %slice3A_1238 : vector<4x128xf32>
    %logistic3A_1240 = math.exp %logistic3A_1239 : vector<4x128xf32>
    %logistic3A_1241 = arith.constant 1.000000e+00 : f32
    %logistic3A_1242 = vector.broadcast %logistic3A_1241 : f32 to vector<4x128xf32>
    %logistic3A_1243 = arith.addf %logistic3A_1242, %logistic3A_1240 : vector<4x128xf32>
    %logistic3A_1244 = arith.divf %logistic3A_1242, %logistic3A_1243 : vector<4x128xf32>
    %slice3A_1245 = vector.extract_strided_slice %add3A_1237 {offsets = [0, 128], sizes = [4, 128], strides = [1, 1]} : vector<4x512xf32> to vector<4x128xf32>
    %logistic3A_1246 = arith.negf %slice3A_1245 : vector<4x128xf32>
    %logistic3A_1247 = math.exp %logistic3A_1246 : vector<4x128xf32>
    %logistic3A_1248 = arith.constant 1.000000e+00 : f32
    %logistic3A_1249 = vector.broadcast %logistic3A_1248 : f32 to vector<4x128xf32>
    %logistic3A_1250 = arith.addf %logistic3A_1249, %logistic3A_1247 : vector<4x128xf32>
    %logistic3A_1251 = arith.divf %logistic3A_1249, %logistic3A_1250 : vector<4x128xf32>
    %slice3A_1252 = vector.extract_strided_slice %add3A_1237 {offsets = [0, 256], sizes = [4, 128], strides = [1, 1]} : vector<4x512xf32> to vector<4x128xf32>
    %tanh3A_1253 = math.tanh %slice3A_1252 : vector<4x128xf32>
    %slice3A_1254 = vector.extract_strided_slice %add3A_1237 {offsets = [0, 384], sizes = [4, 128], strides = [1, 1]} : vector<4x512xf32> to vector<4x128xf32>
    %logistic3A_1255 = arith.negf %slice3A_1254 : vector<4x128xf32>
    %logistic3A_1256 = math.exp %logistic3A_1255 : vector<4x128xf32>
    %logistic3A_1257 = arith.constant 1.000000e+00 : f32
    %logistic3A_1258 = vector.broadcast %logistic3A_1257 : f32 to vector<4x128xf32>
    %logistic3A_1259 = arith.addf %logistic3A_1258, %logistic3A_1256 : vector<4x128xf32>
    %logistic3A_1260 = arith.divf %logistic3A_1258, %logistic3A_1259 : vector<4x128xf32>
    %mul3A_1261 = arith.mulf %logistic3A_1251, %add3A_1196 : vector<4x128xf32>
    %mul3A_1262 = arith.mulf %logistic3A_1244, %tanh3A_1253 : vector<4x128xf32>
    %add3A_1263 = arith.addf %mul3A_1261, %mul3A_1262 : vector<4x128xf32>
    %tanh3A_1264 = math.tanh %add3A_1263 : vector<4x128xf32>
    %mul3A_1265 = arith.mulf %logistic3A_1260, %tanh3A_1264 : vector<4x128xf32>
    %concatenate3A_1266 = tpu.concatenate %mul3A_1265, %mul3A_1231 in 1 : vector<4x128xf32>, vector<4x128xf32> -> vector<4x256xf32>
    %dot_general3A_1267 = arith.constant dense<0.000000e+00> : vector<4x512xf32>
    %dot_general3A_1268 = tpu.matmul %concatenate3A_1266, %get3A_7, %dot_general3A_1267 {dimension_numbers = #tpu.dot_dimension_numbers<[1], [0], [0], [1], [0, 0, 1, 1], [], []>, transpose_lhs_hint = false} : vector<4x256xf32>, vector<256x512xf32>, vector<4x512xf32> -> vector<4x512xf32>
    %add3A_1269 = vector.broadcast %get3A_10 : vector<1x512xf32> to vector<4x512xf32>
    %add3A_1270 = arith.addf %dot_general3A_1268, %add3A_1269 : vector<4x512xf32>
    %slice3A_1271 = vector.extract_strided_slice %add3A_1270 {offsets = [0, 0], sizes = [4, 128], strides = [1, 1]} : vector<4x512xf32> to vector<4x128xf32>
    %logistic3A_1272 = arith.negf %slice3A_1271 : vector<4x128xf32>
    %logistic3A_1273 = math.exp %logistic3A_1272 : vector<4x128xf32>
    %logistic3A_1274 = arith.constant 1.000000e+00 : f32
    %logistic3A_1275 = vector.broadcast %logistic3A_1274 : f32 to vector<4x128xf32>
    %logistic3A_1276 = arith.addf %logistic3A_1275, %logistic3A_1273 : vector<4x128xf32>
    %logistic3A_1277 = arith.divf %logistic3A_1275, %logistic3A_1276 : vector<4x128xf32>
    %slice3A_1278 = vector.extract_strided_slice %add3A_1270 {offsets = [0, 128], sizes = [4, 128], strides = [1, 1]} : vector<4x512xf32> to vector<4x128xf32>
    %logistic3A_1279 = arith.negf %slice3A_1278 : vector<4x128xf32>
    %logistic3A_1280 = math.exp %logistic3A_1279 : vector<4x128xf32>
    %logistic3A_1281 = arith.constant 1.000000e+00 : f32
    %logistic3A_1282 = vector.broadcast %logistic3A_1281 : f32 to vector<4x128xf32>
    %logistic3A_1283 = arith.addf %logistic3A_1282, %logistic3A_1280 : vector<4x128xf32>
    %logistic3A_1284 = arith.divf %logistic3A_1282, %logistic3A_1283 : vector<4x128xf32>
    %slice3A_1285 = vector.extract_strided_slice %add3A_1270 {offsets = [0, 256], sizes = [4, 128], strides = [1, 1]} : vector<4x512xf32> to vector<4x128xf32>
    %tanh3A_1286 = math.tanh %slice3A_1285 : vector<4x128xf32>
    %slice3A_1287 = vector.extract_strided_slice %add3A_1270 {offsets = [0, 384], sizes = [4, 128], strides = [1, 1]} : vector<4x512xf32> to vector<4x128xf32>
    %logistic3A_1288 = arith.negf %slice3A_1287 : vector<4x128xf32>
    %logistic3A_1289 = math.exp %logistic3A_1288 : vector<4x128xf32>
    %logistic3A_1290 = arith.constant 1.000000e+00 : f32
    %logistic3A_1291 = vector.broadcast %logistic3A_1290 : f32 to vector<4x128xf32>
    %logistic3A_1292 = arith.addf %logistic3A_1291, %logistic3A_1289 : vector<4x128xf32>
    %logistic3A_1293 = arith.divf %logistic3A_1291, %logistic3A_1292 : vector<4x128xf32>
    %mul3A_1294 = arith.mulf %logistic3A_1284, %add3A_1229 : vector<4x128xf32>
    %mul3A_1295 = arith.mulf %logistic3A_1277, %tanh3A_1286 : vector<4x128xf32>
    %add3A_1296 = arith.addf %mul3A_1294, %mul3A_1295 : vector<4x128xf32>
    %tanh3A_1297 = math.tanh %add3A_1296 : vector<4x128xf32>
    %mul3A_1298 = arith.mulf %logistic3A_1293, %tanh3A_1297 : vector<4x128xf32>
    %slice3A_1299 = vector.extract_strided_slice %dot_general3A_28 {offsets = [76, 0], sizes = [4, 512], strides = [1, 1]} : vector<96x512xf32> to vector<4x512xf32>
    %dot_general3A_1300 = arith.constant dense<0.000000e+00> : vector<4x512xf32>
    %dot_general3A_1301 = tpu.matmul %mul3A_1265, %get3A_1, %dot_general3A_1300 {dimension_numbers = #tpu.dot_dimension_numbers<[1], [0], [0], [1], [0, 0, 1, 1], [], []>, transpose_lhs_hint = false} : vector<4x128xf32>, vector<128x512xf32>, vector<4x512xf32> -> vector<4x512xf32>
    %add3A_1302 = arith.addf %slice3A_1299, %dot_general3A_1301 : vector<4x512xf32>
    %add3A_1303 = vector.broadcast %get3A_4 : vector<1x512xf32> to vector<4x512xf32>
    %add3A_1304 = arith.addf %add3A_1302, %add3A_1303 : vector<4x512xf32>
    %slice3A_1305 = vector.extract_strided_slice %add3A_1304 {offsets = [0, 0], sizes = [4, 128], strides = [1, 1]} : vector<4x512xf32> to vector<4x128xf32>
    %logistic3A_1306 = arith.negf %slice3A_1305 : vector<4x128xf32>
    %logistic3A_1307 = math.exp %logistic3A_1306 : vector<4x128xf32>
    %logistic3A_1308 = arith.constant 1.000000e+00 : f32
    %logistic3A_1309 = vector.broadcast %logistic3A_1308 : f32 to vector<4x128xf32>
    %logistic3A_1310 = arith.addf %logistic3A_1309, %logistic3A_1307 : vector<4x128xf32>
    %logistic3A_1311 = arith.divf %logistic3A_1309, %logistic3A_1310 : vector<4x128xf32>
    %slice3A_1312 = vector.extract_strided_slice %add3A_1304 {offsets = [0, 128], sizes = [4, 128], strides = [1, 1]} : vector<4x512xf32> to vector<4x128xf32>
    %logistic3A_1313 = arith.negf %slice3A_1312 : vector<4x128xf32>
    %logistic3A_1314 = math.exp %logistic3A_1313 : vector<4x128xf32>
    %logistic3A_1315 = arith.constant 1.000000e+00 : f32
    %logistic3A_1316 = vector.broadcast %logistic3A_1315 : f32 to vector<4x128xf32>
    %logistic3A_1317 = arith.addf %logistic3A_1316, %logistic3A_1314 : vector<4x128xf32>
    %logistic3A_1318 = arith.divf %logistic3A_1316, %logistic3A_1317 : vector<4x128xf32>
    %slice3A_1319 = vector.extract_strided_slice %add3A_1304 {offsets = [0, 256], sizes = [4, 128], strides = [1, 1]} : vector<4x512xf32> to vector<4x128xf32>
    %tanh3A_1320 = math.tanh %slice3A_1319 : vector<4x128xf32>
    %slice3A_1321 = vector.extract_strided_slice %add3A_1304 {offsets = [0, 384], sizes = [4, 128], strides = [1, 1]} : vector<4x512xf32> to vector<4x128xf32>
    %logistic3A_1322 = arith.negf %slice3A_1321 : vector<4x128xf32>
    %logistic3A_1323 = math.exp %logistic3A_1322 : vector<4x128xf32>
    %logistic3A_1324 = arith.constant 1.000000e+00 : f32
    %logistic3A_1325 = vector.broadcast %logistic3A_1324 : f32 to vector<4x128xf32>
    %logistic3A_1326 = arith.addf %logistic3A_1325, %logistic3A_1323 : vector<4x128xf32>
    %logistic3A_1327 = arith.divf %logistic3A_1325, %logistic3A_1326 : vector<4x128xf32>
    %mul3A_1328 = arith.mulf %logistic3A_1318, %add3A_1263 : vector<4x128xf32>
    %mul3A_1329 = arith.mulf %logistic3A_1311, %tanh3A_1320 : vector<4x128xf32>
    %add3A_1330 = arith.addf %mul3A_1328, %mul3A_1329 : vector<4x128xf32>
    %tanh3A_1331 = math.tanh %add3A_1330 : vector<4x128xf32>
    %mul3A_1332 = arith.mulf %logistic3A_1327, %tanh3A_1331 : vector<4x128xf32>
    %concatenate3A_1333 = tpu.concatenate %mul3A_1332, %mul3A_1298 in 1 : vector<4x128xf32>, vector<4x128xf32> -> vector<4x256xf32>
    %dot_general3A_1334 = arith.constant dense<0.000000e+00> : vector<4x512xf32>
    %dot_general3A_1335 = tpu.matmul %concatenate3A_1333, %get3A_7, %dot_general3A_1334 {dimension_numbers = #tpu.dot_dimension_numbers<[1], [0], [0], [1], [0, 0, 1, 1], [], []>, transpose_lhs_hint = false} : vector<4x256xf32>, vector<256x512xf32>, vector<4x512xf32> -> vector<4x512xf32>
    %add3A_1336 = vector.broadcast %get3A_10 : vector<1x512xf32> to vector<4x512xf32>
    %add3A_1337 = arith.addf %dot_general3A_1335, %add3A_1336 : vector<4x512xf32>
    %slice3A_1338 = vector.extract_strided_slice %add3A_1337 {offsets = [0, 0], sizes = [4, 128], strides = [1, 1]} : vector<4x512xf32> to vector<4x128xf32>
    %logistic3A_1339 = arith.negf %slice3A_1338 : vector<4x128xf32>
    %logistic3A_1340 = math.exp %logistic3A_1339 : vector<4x128xf32>
    %logistic3A_1341 = arith.constant 1.000000e+00 : f32
    %logistic3A_1342 = vector.broadcast %logistic3A_1341 : f32 to vector<4x128xf32>
    %logistic3A_1343 = arith.addf %logistic3A_1342, %logistic3A_1340 : vector<4x128xf32>
    %logistic3A_1344 = arith.divf %logistic3A_1342, %logistic3A_1343 : vector<4x128xf32>
    %slice3A_1345 = vector.extract_strided_slice %add3A_1337 {offsets = [0, 128], sizes = [4, 128], strides = [1, 1]} : vector<4x512xf32> to vector<4x128xf32>
    %logistic3A_1346 = arith.negf %slice3A_1345 : vector<4x128xf32>
    %logistic3A_1347 = math.exp %logistic3A_1346 : vector<4x128xf32>
    %logistic3A_1348 = arith.constant 1.000000e+00 : f32
    %logistic3A_1349 = vector.broadcast %logistic3A_1348 : f32 to vector<4x128xf32>
    %logistic3A_1350 = arith.addf %logistic3A_1349, %logistic3A_1347 : vector<4x128xf32>
    %logistic3A_1351 = arith.divf %logistic3A_1349, %logistic3A_1350 : vector<4x128xf32>
    %slice3A_1352 = vector.extract_strided_slice %add3A_1337 {offsets = [0, 256], sizes = [4, 128], strides = [1, 1]} : vector<4x512xf32> to vector<4x128xf32>
    %tanh3A_1353 = math.tanh %slice3A_1352 : vector<4x128xf32>
    %slice3A_1354 = vector.extract_strided_slice %add3A_1337 {offsets = [0, 384], sizes = [4, 128], strides = [1, 1]} : vector<4x512xf32> to vector<4x128xf32>
    %logistic3A_1355 = arith.negf %slice3A_1354 : vector<4x128xf32>
    %logistic3A_1356 = math.exp %logistic3A_1355 : vector<4x128xf32>
    %logistic3A_1357 = arith.constant 1.000000e+00 : f32
    %logistic3A_1358 = vector.broadcast %logistic3A_1357 : f32 to vector<4x128xf32>
    %logistic3A_1359 = arith.addf %logistic3A_1358, %logistic3A_1356 : vector<4x128xf32>
    %logistic3A_1360 = arith.divf %logistic3A_1358, %logistic3A_1359 : vector<4x128xf32>
    %mul3A_1361 = arith.mulf %logistic3A_1351, %add3A_1296 : vector<4x128xf32>
    %mul3A_1362 = arith.mulf %logistic3A_1344, %tanh3A_1353 : vector<4x128xf32>
    %add3A_1363 = arith.addf %mul3A_1361, %mul3A_1362 : vector<4x128xf32>
    %tanh3A_1364 = math.tanh %add3A_1363 : vector<4x128xf32>
    %mul3A_1365 = arith.mulf %logistic3A_1360, %tanh3A_1364 : vector<4x128xf32>
    %slice3A_1366 = vector.extract_strided_slice %dot_general3A_28 {offsets = [80, 0], sizes = [4, 512], strides = [1, 1]} : vector<96x512xf32> to vector<4x512xf32>
    %dot_general3A_1367 = arith.constant dense<0.000000e+00> : vector<4x512xf32>
    %dot_general3A_1368 = tpu.matmul %mul3A_1332, %get3A_1, %dot_general3A_1367 {dimension_numbers = #tpu.dot_dimension_numbers<[1], [0], [0], [1], [0, 0, 1, 1], [], []>, transpose_lhs_hint = false} : vector<4x128xf32>, vector<128x512xf32>, vector<4x512xf32> -> vector<4x512xf32>
    %add3A_1369 = arith.addf %slice3A_1366, %dot_general3A_1368 : vector<4x512xf32>
    %add3A_1370 = vector.broadcast %get3A_4 : vector<1x512xf32> to vector<4x512xf32>
    %add3A_1371 = arith.addf %add3A_1369, %add3A_1370 : vector<4x512xf32>
    %slice3A_1372 = vector.extract_strided_slice %add3A_1371 {offsets = [0, 0], sizes = [4, 128], strides = [1, 1]} : vector<4x512xf32> to vector<4x128xf32>
    %logistic3A_1373 = arith.negf %slice3A_1372 : vector<4x128xf32>
    %logistic3A_1374 = math.exp %logistic3A_1373 : vector<4x128xf32>
    %logistic3A_1375 = arith.constant 1.000000e+00 : f32
    %logistic3A_1376 = vector.broadcast %logistic3A_1375 : f32 to vector<4x128xf32>
    %logistic3A_1377 = arith.addf %logistic3A_1376, %logistic3A_1374 : vector<4x128xf32>
    %logistic3A_1378 = arith.divf %logistic3A_1376, %logistic3A_1377 : vector<4x128xf32>
    %slice3A_1379 = vector.extract_strided_slice %add3A_1371 {offsets = [0, 128], sizes = [4, 128], strides = [1, 1]} : vector<4x512xf32> to vector<4x128xf32>
    %logistic3A_1380 = arith.negf %slice3A_1379 : vector<4x128xf32>
    %logistic3A_1381 = math.exp %logistic3A_1380 : vector<4x128xf32>
    %logistic3A_1382 = arith.constant 1.000000e+00 : f32
    %logistic3A_1383 = vector.broadcast %logistic3A_1382 : f32 to vector<4x128xf32>
    %logistic3A_1384 = arith.addf %logistic3A_1383, %logistic3A_1381 : vector<4x128xf32>
    %logistic3A_1385 = arith.divf %logistic3A_1383, %logistic3A_1384 : vector<4x128xf32>
    %slice3A_1386 = vector.extract_strided_slice %add3A_1371 {offsets = [0, 256], sizes = [4, 128], strides = [1, 1]} : vector<4x512xf32> to vector<4x128xf32>
    %tanh3A_1387 = math.tanh %slice3A_1386 : vector<4x128xf32>
    %slice3A_1388 = vector.extract_strided_slice %add3A_1371 {offsets = [0, 384], sizes = [4, 128], strides = [1, 1]} : vector<4x512xf32> to vector<4x128xf32>
    %logistic3A_1389 = arith.negf %slice3A_1388 : vector<4x128xf32>
    %logistic3A_1390 = math.exp %logistic3A_1389 : vector<4x128xf32>
    %logistic3A_1391 = arith.constant 1.000000e+00 : f32
    %logistic3A_1392 = vector.broadcast %logistic3A_1391 : f32 to vector<4x128xf32>
    %logistic3A_1393 = arith.addf %logistic3A_1392, %logistic3A_1390 : vector<4x128xf32>
    %logistic3A_1394 = arith.divf %logistic3A_1392, %logistic3A_1393 : vector<4x128xf32>
    %mul3A_1395 = arith.mulf %logistic3A_1385, %add3A_1330 : vector<4x128xf32>
    %mul3A_1396 = arith.mulf %logistic3A_1378, %tanh3A_1387 : vector<4x128xf32>
    %add3A_1397 = arith.addf %mul3A_1395, %mul3A_1396 : vector<4x128xf32>
    %tanh3A_1398 = math.tanh %add3A_1397 : vector<4x128xf32>
    %mul3A_1399 = arith.mulf %logistic3A_1394, %tanh3A_1398 : vector<4x128xf32>
    %concatenate3A_1400 = tpu.concatenate %mul3A_1399, %mul3A_1365 in 1 : vector<4x128xf32>, vector<4x128xf32> -> vector<4x256xf32>
    %dot_general3A_1401 = arith.constant dense<0.000000e+00> : vector<4x512xf32>
    %dot_general3A_1402 = tpu.matmul %concatenate3A_1400, %get3A_7, %dot_general3A_1401 {dimension_numbers = #tpu.dot_dimension_numbers<[1], [0], [0], [1], [0, 0, 1, 1], [], []>, transpose_lhs_hint = false} : vector<4x256xf32>, vector<256x512xf32>, vector<4x512xf32> -> vector<4x512xf32>
    %add3A_1403 = vector.broadcast %get3A_10 : vector<1x512xf32> to vector<4x512xf32>
    %add3A_1404 = arith.addf %dot_general3A_1402, %add3A_1403 : vector<4x512xf32>
    %slice3A_1405 = vector.extract_strided_slice %add3A_1404 {offsets = [0, 0], sizes = [4, 128], strides = [1, 1]} : vector<4x512xf32> to vector<4x128xf32>
    %logistic3A_1406 = arith.negf %slice3A_1405 : vector<4x128xf32>
    %logistic3A_1407 = math.exp %logistic3A_1406 : vector<4x128xf32>
    %logistic3A_1408 = arith.constant 1.000000e+00 : f32
    %logistic3A_1409 = vector.broadcast %logistic3A_1408 : f32 to vector<4x128xf32>
    %logistic3A_1410 = arith.addf %logistic3A_1409, %logistic3A_1407 : vector<4x128xf32>
    %logistic3A_1411 = arith.divf %logistic3A_1409, %logistic3A_1410 : vector<4x128xf32>
    %slice3A_1412 = vector.extract_strided_slice %add3A_1404 {offsets = [0, 128], sizes = [4, 128], strides = [1, 1]} : vector<4x512xf32> to vector<4x128xf32>
    %logistic3A_1413 = arith.negf %slice3A_1412 : vector<4x128xf32>
    %logistic3A_1414 = math.exp %logistic3A_1413 : vector<4x128xf32>
    %logistic3A_1415 = arith.constant 1.000000e+00 : f32
    %logistic3A_1416 = vector.broadcast %logistic3A_1415 : f32 to vector<4x128xf32>
    %logistic3A_1417 = arith.addf %logistic3A_1416, %logistic3A_1414 : vector<4x128xf32>
    %logistic3A_1418 = arith.divf %logistic3A_1416, %logistic3A_1417 : vector<4x128xf32>
    %slice3A_1419 = vector.extract_strided_slice %add3A_1404 {offsets = [0, 256], sizes = [4, 128], strides = [1, 1]} : vector<4x512xf32> to vector<4x128xf32>
    %tanh3A_1420 = math.tanh %slice3A_1419 : vector<4x128xf32>
    %slice3A_1421 = vector.extract_strided_slice %add3A_1404 {offsets = [0, 384], sizes = [4, 128], strides = [1, 1]} : vector<4x512xf32> to vector<4x128xf32>
    %logistic3A_1422 = arith.negf %slice3A_1421 : vector<4x128xf32>
    %logistic3A_1423 = math.exp %logistic3A_1422 : vector<4x128xf32>
    %logistic3A_1424 = arith.constant 1.000000e+00 : f32
    %logistic3A_1425 = vector.broadcast %logistic3A_1424 : f32 to vector<4x128xf32>
    %logistic3A_1426 = arith.addf %logistic3A_1425, %logistic3A_1423 : vector<4x128xf32>
    %logistic3A_1427 = arith.divf %logistic3A_1425, %logistic3A_1426 : vector<4x128xf32>
    %mul3A_1428 = arith.mulf %logistic3A_1418, %add3A_1363 : vector<4x128xf32>
    %mul3A_1429 = arith.mulf %logistic3A_1411, %tanh3A_1420 : vector<4x128xf32>
    %add3A_1430 = arith.addf %mul3A_1428, %mul3A_1429 : vector<4x128xf32>
    %tanh3A_1431 = math.tanh %add3A_1430 : vector<4x128xf32>
    %mul3A_1432 = arith.mulf %logistic3A_1427, %tanh3A_1431 : vector<4x128xf32>
    %slice3A_1433 = vector.extract_strided_slice %dot_general3A_28 {offsets = [84, 0], sizes = [4, 512], strides = [1, 1]} : vector<96x512xf32> to vector<4x512xf32>
    %dot_general3A_1434 = arith.constant dense<0.000000e+00> : vector<4x512xf32>
    %dot_general3A_1435 = tpu.matmul %mul3A_1399, %get3A_1, %dot_general3A_1434 {dimension_numbers = #tpu.dot_dimension_numbers<[1], [0], [0], [1], [0, 0, 1, 1], [], []>, transpose_lhs_hint = false} : vector<4x128xf32>, vector<128x512xf32>, vector<4x512xf32> -> vector<4x512xf32>
    %add3A_1436 = arith.addf %slice3A_1433, %dot_general3A_1435 : vector<4x512xf32>
    %add3A_1437 = vector.broadcast %get3A_4 : vector<1x512xf32> to vector<4x512xf32>
    %add3A_1438 = arith.addf %add3A_1436, %add3A_1437 : vector<4x512xf32>
    %slice3A_1439 = vector.extract_strided_slice %add3A_1438 {offsets = [0, 0], sizes = [4, 128], strides = [1, 1]} : vector<4x512xf32> to vector<4x128xf32>
    %logistic3A_1440 = arith.negf %slice3A_1439 : vector<4x128xf32>
    %logistic3A_1441 = math.exp %logistic3A_1440 : vector<4x128xf32>
    %logistic3A_1442 = arith.constant 1.000000e+00 : f32
    %logistic3A_1443 = vector.broadcast %logistic3A_1442 : f32 to vector<4x128xf32>
    %logistic3A_1444 = arith.addf %logistic3A_1443, %logistic3A_1441 : vector<4x128xf32>
    %logistic3A_1445 = arith.divf %logistic3A_1443, %logistic3A_1444 : vector<4x128xf32>
    %slice3A_1446 = vector.extract_strided_slice %add3A_1438 {offsets = [0, 128], sizes = [4, 128], strides = [1, 1]} : vector<4x512xf32> to vector<4x128xf32>
    %logistic3A_1447 = arith.negf %slice3A_1446 : vector<4x128xf32>
    %logistic3A_1448 = math.exp %logistic3A_1447 : vector<4x128xf32>
    %logistic3A_1449 = arith.constant 1.000000e+00 : f32
    %logistic3A_1450 = vector.broadcast %logistic3A_1449 : f32 to vector<4x128xf32>
    %logistic3A_1451 = arith.addf %logistic3A_1450, %logistic3A_1448 : vector<4x128xf32>
    %logistic3A_1452 = arith.divf %logistic3A_1450, %logistic3A_1451 : vector<4x128xf32>
    %slice3A_1453 = vector.extract_strided_slice %add3A_1438 {offsets = [0, 256], sizes = [4, 128], strides = [1, 1]} : vector<4x512xf32> to vector<4x128xf32>
    %tanh3A_1454 = math.tanh %slice3A_1453 : vector<4x128xf32>
    %slice3A_1455 = vector.extract_strided_slice %add3A_1438 {offsets = [0, 384], sizes = [4, 128], strides = [1, 1]} : vector<4x512xf32> to vector<4x128xf32>
    %logistic3A_1456 = arith.negf %slice3A_1455 : vector<4x128xf32>
    %logistic3A_1457 = math.exp %logistic3A_1456 : vector<4x128xf32>
    %logistic3A_1458 = arith.constant 1.000000e+00 : f32
    %logistic3A_1459 = vector.broadcast %logistic3A_1458 : f32 to vector<4x128xf32>
    %logistic3A_1460 = arith.addf %logistic3A_1459, %logistic3A_1457 : vector<4x128xf32>
    %logistic3A_1461 = arith.divf %logistic3A_1459, %logistic3A_1460 : vector<4x128xf32>
    %mul3A_1462 = arith.mulf %logistic3A_1452, %add3A_1397 : vector<4x128xf32>
    %mul3A_1463 = arith.mulf %logistic3A_1445, %tanh3A_1454 : vector<4x128xf32>
    %add3A_1464 = arith.addf %mul3A_1462, %mul3A_1463 : vector<4x128xf32>
    %tanh3A_1465 = math.tanh %add3A_1464 : vector<4x128xf32>
    %mul3A_1466 = arith.mulf %logistic3A_1461, %tanh3A_1465 : vector<4x128xf32>
    %concatenate3A_1467 = tpu.concatenate %mul3A_1466, %mul3A_1432 in 1 : vector<4x128xf32>, vector<4x128xf32> -> vector<4x256xf32>
    %dot_general3A_1468 = arith.constant dense<0.000000e+00> : vector<4x512xf32>
    %dot_general3A_1469 = tpu.matmul %concatenate3A_1467, %get3A_7, %dot_general3A_1468 {dimension_numbers = #tpu.dot_dimension_numbers<[1], [0], [0], [1], [0, 0, 1, 1], [], []>, transpose_lhs_hint = false} : vector<4x256xf32>, vector<256x512xf32>, vector<4x512xf32> -> vector<4x512xf32>
    %add3A_1470 = vector.broadcast %get3A_10 : vector<1x512xf32> to vector<4x512xf32>
    %add3A_1471 = arith.addf %dot_general3A_1469, %add3A_1470 : vector<4x512xf32>
    %slice3A_1472 = vector.extract_strided_slice %add3A_1471 {offsets = [0, 0], sizes = [4, 128], strides = [1, 1]} : vector<4x512xf32> to vector<4x128xf32>
    %logistic3A_1473 = arith.negf %slice3A_1472 : vector<4x128xf32>
    %logistic3A_1474 = math.exp %logistic3A_1473 : vector<4x128xf32>
    %logistic3A_1475 = arith.constant 1.000000e+00 : f32
    %logistic3A_1476 = vector.broadcast %logistic3A_1475 : f32 to vector<4x128xf32>
    %logistic3A_1477 = arith.addf %logistic3A_1476, %logistic3A_1474 : vector<4x128xf32>
    %logistic3A_1478 = arith.divf %logistic3A_1476, %logistic3A_1477 : vector<4x128xf32>
    %slice3A_1479 = vector.extract_strided_slice %add3A_1471 {offsets = [0, 128], sizes = [4, 128], strides = [1, 1]} : vector<4x512xf32> to vector<4x128xf32>
    %logistic3A_1480 = arith.negf %slice3A_1479 : vector<4x128xf32>
    %logistic3A_1481 = math.exp %logistic3A_1480 : vector<4x128xf32>
    %logistic3A_1482 = arith.constant 1.000000e+00 : f32
    %logistic3A_1483 = vector.broadcast %logistic3A_1482 : f32 to vector<4x128xf32>
    %logistic3A_1484 = arith.addf %logistic3A_1483, %logistic3A_1481 : vector<4x128xf32>
    %logistic3A_1485 = arith.divf %logistic3A_1483, %logistic3A_1484 : vector<4x128xf32>
    %slice3A_1486 = vector.extract_strided_slice %add3A_1471 {offsets = [0, 256], sizes = [4, 128], strides = [1, 1]} : vector<4x512xf32> to vector<4x128xf32>
    %tanh3A_1487 = math.tanh %slice3A_1486 : vector<4x128xf32>
    %slice3A_1488 = vector.extract_strided_slice %add3A_1471 {offsets = [0, 384], sizes = [4, 128], strides = [1, 1]} : vector<4x512xf32> to vector<4x128xf32>
    %logistic3A_1489 = arith.negf %slice3A_1488 : vector<4x128xf32>
    %logistic3A_1490 = math.exp %logistic3A_1489 : vector<4x128xf32>
    %logistic3A_1491 = arith.constant 1.000000e+00 : f32
    %logistic3A_1492 = vector.broadcast %logistic3A_1491 : f32 to vector<4x128xf32>
    %logistic3A_1493 = arith.addf %logistic3A_1492, %logistic3A_1490 : vector<4x128xf32>
    %logistic3A_1494 = arith.divf %logistic3A_1492, %logistic3A_1493 : vector<4x128xf32>
    %mul3A_1495 = arith.mulf %logistic3A_1485, %add3A_1430 : vector<4x128xf32>
    %mul3A_1496 = arith.mulf %logistic3A_1478, %tanh3A_1487 : vector<4x128xf32>
    %add3A_1497 = arith.addf %mul3A_1495, %mul3A_1496 : vector<4x128xf32>
    %tanh3A_1498 = math.tanh %add3A_1497 : vector<4x128xf32>
    %mul3A_1499 = arith.mulf %logistic3A_1494, %tanh3A_1498 : vector<4x128xf32>
    %slice3A_1500 = vector.extract_strided_slice %dot_general3A_28 {offsets = [88, 0], sizes = [4, 512], strides = [1, 1]} : vector<96x512xf32> to vector<4x512xf32>
    %dot_general3A_1501 = arith.constant dense<0.000000e+00> : vector<4x512xf32>
    %dot_general3A_1502 = tpu.matmul %mul3A_1466, %get3A_1, %dot_general3A_1501 {dimension_numbers = #tpu.dot_dimension_numbers<[1], [0], [0], [1], [0, 0, 1, 1], [], []>, transpose_lhs_hint = false} : vector<4x128xf32>, vector<128x512xf32>, vector<4x512xf32> -> vector<4x512xf32>
    %add3A_1503 = arith.addf %slice3A_1500, %dot_general3A_1502 : vector<4x512xf32>
    %add3A_1504 = vector.broadcast %get3A_4 : vector<1x512xf32> to vector<4x512xf32>
    %add3A_1505 = arith.addf %add3A_1503, %add3A_1504 : vector<4x512xf32>
    %slice3A_1506 = vector.extract_strided_slice %add3A_1505 {offsets = [0, 0], sizes = [4, 128], strides = [1, 1]} : vector<4x512xf32> to vector<4x128xf32>
    %logistic3A_1507 = arith.negf %slice3A_1506 : vector<4x128xf32>
    %logistic3A_1508 = math.exp %logistic3A_1507 : vector<4x128xf32>
    %logistic3A_1509 = arith.constant 1.000000e+00 : f32
    %logistic3A_1510 = vector.broadcast %logistic3A_1509 : f32 to vector<4x128xf32>
    %logistic3A_1511 = arith.addf %logistic3A_1510, %logistic3A_1508 : vector<4x128xf32>
    %logistic3A_1512 = arith.divf %logistic3A_1510, %logistic3A_1511 : vector<4x128xf32>
    %slice3A_1513 = vector.extract_strided_slice %add3A_1505 {offsets = [0, 128], sizes = [4, 128], strides = [1, 1]} : vector<4x512xf32> to vector<4x128xf32>
    %logistic3A_1514 = arith.negf %slice3A_1513 : vector<4x128xf32>
    %logistic3A_1515 = math.exp %logistic3A_1514 : vector<4x128xf32>
    %logistic3A_1516 = arith.constant 1.000000e+00 : f32
    %logistic3A_1517 = vector.broadcast %logistic3A_1516 : f32 to vector<4x128xf32>
    %logistic3A_1518 = arith.addf %logistic3A_1517, %logistic3A_1515 : vector<4x128xf32>
    %logistic3A_1519 = arith.divf %logistic3A_1517, %logistic3A_1518 : vector<4x128xf32>
    %slice3A_1520 = vector.extract_strided_slice %add3A_1505 {offsets = [0, 256], sizes = [4, 128], strides = [1, 1]} : vector<4x512xf32> to vector<4x128xf32>
    %tanh3A_1521 = math.tanh %slice3A_1520 : vector<4x128xf32>
    %slice3A_1522 = vector.extract_strided_slice %add3A_1505 {offsets = [0, 384], sizes = [4, 128], strides = [1, 1]} : vector<4x512xf32> to vector<4x128xf32>
    %logistic3A_1523 = arith.negf %slice3A_1522 : vector<4x128xf32>
    %logistic3A_1524 = math.exp %logistic3A_1523 : vector<4x128xf32>
    %logistic3A_1525 = arith.constant 1.000000e+00 : f32
    %logistic3A_1526 = vector.broadcast %logistic3A_1525 : f32 to vector<4x128xf32>
    %logistic3A_1527 = arith.addf %logistic3A_1526, %logistic3A_1524 : vector<4x128xf32>
    %logistic3A_1528 = arith.divf %logistic3A_1526, %logistic3A_1527 : vector<4x128xf32>
    %mul3A_1529 = arith.mulf %logistic3A_1519, %add3A_1464 : vector<4x128xf32>
    %mul3A_1530 = arith.mulf %logistic3A_1512, %tanh3A_1521 : vector<4x128xf32>
    %add3A_1531 = arith.addf %mul3A_1529, %mul3A_1530 : vector<4x128xf32>
    %tanh3A_1532 = math.tanh %add3A_1531 : vector<4x128xf32>
    %mul3A_1533 = arith.mulf %logistic3A_1528, %tanh3A_1532 : vector<4x128xf32>
    %concatenate3A_1534 = tpu.concatenate %mul3A_1533, %mul3A_1499 in 1 : vector<4x128xf32>, vector<4x128xf32> -> vector<4x256xf32>
    %dot_general3A_1535 = arith.constant dense<0.000000e+00> : vector<4x512xf32>
    %dot_general3A_1536 = tpu.matmul %concatenate3A_1534, %get3A_7, %dot_general3A_1535 {dimension_numbers = #tpu.dot_dimension_numbers<[1], [0], [0], [1], [0, 0, 1, 1], [], []>, transpose_lhs_hint = false} : vector<4x256xf32>, vector<256x512xf32>, vector<4x512xf32> -> vector<4x512xf32>
    %add3A_1537 = vector.broadcast %get3A_10 : vector<1x512xf32> to vector<4x512xf32>
    %add3A_1538 = arith.addf %dot_general3A_1536, %add3A_1537 : vector<4x512xf32>
    %slice3A_1539 = vector.extract_strided_slice %add3A_1538 {offsets = [0, 0], sizes = [4, 128], strides = [1, 1]} : vector<4x512xf32> to vector<4x128xf32>
    %logistic3A_1540 = arith.negf %slice3A_1539 : vector<4x128xf32>
    %logistic3A_1541 = math.exp %logistic3A_1540 : vector<4x128xf32>
    %logistic3A_1542 = arith.constant 1.000000e+00 : f32
    %logistic3A_1543 = vector.broadcast %logistic3A_1542 : f32 to vector<4x128xf32>
    %logistic3A_1544 = arith.addf %logistic3A_1543, %logistic3A_1541 : vector<4x128xf32>
    %logistic3A_1545 = arith.divf %logistic3A_1543, %logistic3A_1544 : vector<4x128xf32>
    %slice3A_1546 = vector.extract_strided_slice %add3A_1538 {offsets = [0, 128], sizes = [4, 128], strides = [1, 1]} : vector<4x512xf32> to vector<4x128xf32>
    %logistic3A_1547 = arith.negf %slice3A_1546 : vector<4x128xf32>
    %logistic3A_1548 = math.exp %logistic3A_1547 : vector<4x128xf32>
    %logistic3A_1549 = arith.constant 1.000000e+00 : f32
    %logistic3A_1550 = vector.broadcast %logistic3A_1549 : f32 to vector<4x128xf32>
    %logistic3A_1551 = arith.addf %logistic3A_1550, %logistic3A_1548 : vector<4x128xf32>
    %logistic3A_1552 = arith.divf %logistic3A_1550, %logistic3A_1551 : vector<4x128xf32>
    %slice3A_1553 = vector.extract_strided_slice %add3A_1538 {offsets = [0, 256], sizes = [4, 128], strides = [1, 1]} : vector<4x512xf32> to vector<4x128xf32>
    %tanh3A_1554 = math.tanh %slice3A_1553 : vector<4x128xf32>
    %slice3A_1555 = vector.extract_strided_slice %add3A_1538 {offsets = [0, 384], sizes = [4, 128], strides = [1, 1]} : vector<4x512xf32> to vector<4x128xf32>
    %logistic3A_1556 = arith.negf %slice3A_1555 : vector<4x128xf32>
    %logistic3A_1557 = math.exp %logistic3A_1556 : vector<4x128xf32>
    %logistic3A_1558 = arith.constant 1.000000e+00 : f32
    %logistic3A_1559 = vector.broadcast %logistic3A_1558 : f32 to vector<4x128xf32>
    %logistic3A_1560 = arith.addf %logistic3A_1559, %logistic3A_1557 : vector<4x128xf32>
    %logistic3A_1561 = arith.divf %logistic3A_1559, %logistic3A_1560 : vector<4x128xf32>
    %mul3A_1562 = arith.mulf %logistic3A_1552, %add3A_1497 : vector<4x128xf32>
    %mul3A_1563 = arith.mulf %logistic3A_1545, %tanh3A_1554 : vector<4x128xf32>
    %add3A_1564 = arith.addf %mul3A_1562, %mul3A_1563 : vector<4x128xf32>
    %tanh3A_1565 = math.tanh %add3A_1564 : vector<4x128xf32>
    %mul3A_1566 = arith.mulf %logistic3A_1561, %tanh3A_1565 : vector<4x128xf32>
    %slice3A_1567 = vector.extract_strided_slice %dot_general3A_28 {offsets = [92, 0], sizes = [4, 512], strides = [1, 1]} : vector<96x512xf32> to vector<4x512xf32>
    %dot_general3A_1568 = arith.constant dense<0.000000e+00> : vector<4x512xf32>
    %dot_general3A_1569 = tpu.matmul %mul3A_1533, %get3A_1, %dot_general3A_1568 {dimension_numbers = #tpu.dot_dimension_numbers<[1], [0], [0], [1], [0, 0, 1, 1], [], []>, transpose_lhs_hint = false} : vector<4x128xf32>, vector<128x512xf32>, vector<4x512xf32> -> vector<4x512xf32>
    %add3A_1570 = arith.addf %slice3A_1567, %dot_general3A_1569 : vector<4x512xf32>
    %add3A_1571 = vector.broadcast %get3A_4 : vector<1x512xf32> to vector<4x512xf32>
    %add3A_1572 = arith.addf %add3A_1570, %add3A_1571 : vector<4x512xf32>
    %slice3A_1573 = vector.extract_strided_slice %add3A_1572 {offsets = [0, 0], sizes = [4, 128], strides = [1, 1]} : vector<4x512xf32> to vector<4x128xf32>
    %logistic3A_1574 = arith.negf %slice3A_1573 : vector<4x128xf32>
    %logistic3A_1575 = math.exp %logistic3A_1574 : vector<4x128xf32>
    %logistic3A_1576 = arith.constant 1.000000e+00 : f32
    %logistic3A_1577 = vector.broadcast %logistic3A_1576 : f32 to vector<4x128xf32>
    %logistic3A_1578 = arith.addf %logistic3A_1577, %logistic3A_1575 : vector<4x128xf32>
    %logistic3A_1579 = arith.divf %logistic3A_1577, %logistic3A_1578 : vector<4x128xf32>
    %slice3A_1580 = vector.extract_strided_slice %add3A_1572 {offsets = [0, 128], sizes = [4, 128], strides = [1, 1]} : vector<4x512xf32> to vector<4x128xf32>
    %logistic3A_1581 = arith.negf %slice3A_1580 : vector<4x128xf32>
    %logistic3A_1582 = math.exp %logistic3A_1581 : vector<4x128xf32>
    %logistic3A_1583 = arith.constant 1.000000e+00 : f32
    %logistic3A_1584 = vector.broadcast %logistic3A_1583 : f32 to vector<4x128xf32>
    %logistic3A_1585 = arith.addf %logistic3A_1584, %logistic3A_1582 : vector<4x128xf32>
    %logistic3A_1586 = arith.divf %logistic3A_1584, %logistic3A_1585 : vector<4x128xf32>
    %slice3A_1587 = vector.extract_strided_slice %add3A_1572 {offsets = [0, 256], sizes = [4, 128], strides = [1, 1]} : vector<4x512xf32> to vector<4x128xf32>
    %tanh3A_1588 = math.tanh %slice3A_1587 : vector<4x128xf32>
    %slice3A_1589 = vector.extract_strided_slice %add3A_1572 {offsets = [0, 384], sizes = [4, 128], strides = [1, 1]} : vector<4x512xf32> to vector<4x128xf32>
    %logistic3A_1590 = arith.negf %slice3A_1589 : vector<4x128xf32>
    %logistic3A_1591 = math.exp %logistic3A_1590 : vector<4x128xf32>
    %logistic3A_1592 = arith.constant 1.000000e+00 : f32
    %logistic3A_1593 = vector.broadcast %logistic3A_1592 : f32 to vector<4x128xf32>
    %logistic3A_1594 = arith.addf %logistic3A_1593, %logistic3A_1591 : vector<4x128xf32>
    %logistic3A_1595 = arith.divf %logistic3A_1593, %logistic3A_1594 : vector<4x128xf32>
    %mul3A_1596 = arith.mulf %logistic3A_1586, %add3A_1531 : vector<4x128xf32>
    %mul3A_1597 = arith.mulf %logistic3A_1579, %tanh3A_1588 : vector<4x128xf32>
    %add3A_1598 = arith.addf %mul3A_1596, %mul3A_1597 : vector<4x128xf32>
    %tanh3A_1599 = math.tanh %add3A_1598 : vector<4x128xf32>
    %mul3A_1600 = arith.mulf %logistic3A_1595, %tanh3A_1599 : vector<4x128xf32>
    %concatenate3A_1601 = tpu.concatenate %mul3A_1600, %mul3A_1566 in 1 : vector<4x128xf32>, vector<4x128xf32> -> vector<4x256xf32>
    %dot_general3A_1602 = arith.constant dense<0.000000e+00> : vector<4x512xf32>
    %dot_general3A_1603 = tpu.matmul %concatenate3A_1601, %get3A_7, %dot_general3A_1602 {dimension_numbers = #tpu.dot_dimension_numbers<[1], [0], [0], [1], [0, 0, 1, 1], [], []>, transpose_lhs_hint = false} : vector<4x256xf32>, vector<256x512xf32>, vector<4x512xf32> -> vector<4x512xf32>
    %add3A_1604 = vector.broadcast %get3A_10 : vector<1x512xf32> to vector<4x512xf32>
    %add3A_1605 = arith.addf %dot_general3A_1603, %add3A_1604 : vector<4x512xf32>
    %slice3A_1606 = vector.extract_strided_slice %add3A_1605 {offsets = [0, 0], sizes = [4, 128], strides = [1, 1]} : vector<4x512xf32> to vector<4x128xf32>
    %logistic3A_1607 = arith.negf %slice3A_1606 : vector<4x128xf32>
    %logistic3A_1608 = math.exp %logistic3A_1607 : vector<4x128xf32>
    %logistic3A_1609 = arith.constant 1.000000e+00 : f32
    %logistic3A_1610 = vector.broadcast %logistic3A_1609 : f32 to vector<4x128xf32>
    %logistic3A_1611 = arith.addf %logistic3A_1610, %logistic3A_1608 : vector<4x128xf32>
    %logistic3A_1612 = arith.divf %logistic3A_1610, %logistic3A_1611 : vector<4x128xf32>
    %slice3A_1613 = vector.extract_strided_slice %add3A_1605 {offsets = [0, 128], sizes = [4, 128], strides = [1, 1]} : vector<4x512xf32> to vector<4x128xf32>
    %logistic3A_1614 = arith.negf %slice3A_1613 : vector<4x128xf32>
    %logistic3A_1615 = math.exp %logistic3A_1614 : vector<4x128xf32>
    %logistic3A_1616 = arith.constant 1.000000e+00 : f32
    %logistic3A_1617 = vector.broadcast %logistic3A_1616 : f32 to vector<4x128xf32>
    %logistic3A_1618 = arith.addf %logistic3A_1617, %logistic3A_1615 : vector<4x128xf32>
    %logistic3A_1619 = arith.divf %logistic3A_1617, %logistic3A_1618 : vector<4x128xf32>
    %slice3A_1620 = vector.extract_strided_slice %add3A_1605 {offsets = [0, 256], sizes = [4, 128], strides = [1, 1]} : vector<4x512xf32> to vector<4x128xf32>
    %tanh3A_1621 = math.tanh %slice3A_1620 : vector<4x128xf32>
    %slice3A_1622 = vector.extract_strided_slice %add3A_1605 {offsets = [0, 384], sizes = [4, 128], strides = [1, 1]} : vector<4x512xf32> to vector<4x128xf32>
    %logistic3A_1623 = arith.negf %slice3A_1622 : vector<4x128xf32>
    %logistic3A_1624 = math.exp %logistic3A_1623 : vector<4x128xf32>
    %logistic3A_1625 = arith.constant 1.000000e+00 : f32
    %logistic3A_1626 = vector.broadcast %logistic3A_1625 : f32 to vector<4x128xf32>
    %logistic3A_1627 = arith.addf %logistic3A_1626, %logistic3A_1624 : vector<4x128xf32>
    %logistic3A_1628 = arith.divf %logistic3A_1626, %logistic3A_1627 : vector<4x128xf32>
    %mul3A_1629 = arith.mulf %logistic3A_1619, %add3A_1564 : vector<4x128xf32>
    %mul3A_1630 = arith.mulf %logistic3A_1612, %tanh3A_1621 : vector<4x128xf32>
    %add3A_1631 = arith.addf %mul3A_1629, %mul3A_1630 : vector<4x128xf32>
    %tanh3A_1632 = math.tanh %add3A_1631 : vector<4x128xf32>
    %mul3A_1633 = arith.mulf %logistic3A_1628, %tanh3A_1632 : vector<4x128xf32>
    %get3A_1634 = arith.constant 0 : index
    %get3A_1635 = arith.constant 0 : index
    %get3A_1636 = memref.load %arg9[%get3A_1634, %get3A_1635] : memref<1x1xi32, #tpu.memory_space<smem>>
    %iota3A = tpu.iota {dimensions = array<i32: 0>} : vector<4x1xi32>
    %eq3A = vector.broadcast %get3A_1636 : i32 to vector<4x1xi32>
    %eq3A_1637 = arith.cmpi eq, %iota3A, %eq3A : vector<4x1xi32>
    %get3A_1638 = arith.constant 0 : index
    %get3A_1639 = arith.constant 0 : index
    %get3A_1640 = vector.load %arg8[%get3A_1638, %get3A_1639] : memref<4x128xf32, #tpu.memory_space<vmem>>, vector<4x128xf32>
    %convert_element_type3A = arith.extui %eq3A_1637 : vector<4x1xi1> to vector<4x1xi32>
    %convert_element_type3A_1641 = arith.sitofp %convert_element_type3A : vector<4x1xi32> to vector<4x1xf32>
    %mul3A_1642 = vector.broadcast %convert_element_type3A_1641 : vector<4x1xf32> to vector<4x128xf32>
    %mul3A_1643 = arith.mulf %get3A_1640, %mul3A_1642 : vector<4x128xf32>
    %reduce_sum3A = arith.constant dense<0.000000e+00> : vector<128xf32>
    %reduce_sum3A_1644 = vector.multi_reduction <add>, %mul3A_1643, %reduce_sum3A [0] : vector<4x128xf32> to vector<128xf32>
    %broadcast_in_dim3A_1645 = vector.shape_cast %reduce_sum3A_1644 : vector<128xf32> to vector<1x128xf32>
    %add3A_1646 = vector.broadcast %broadcast_in_dim3A_1645 : vector<1x128xf32> to vector<4x128xf32>
    %add3A_1647 = arith.addf %mul3A_1633, %add3A_1646 : vector<4x128xf32>
    %get3A_1648 = arith.constant 0 : index
    %get3A_1649 = arith.constant 0 : index
    %get3A_1650 = vector.load %arg10[%get3A_1648, %get3A_1649] : memref<128x128xf32, #tpu.memory_space<vmem>>, vector<128x128xf32>
    %dot_general3A_1651 = arith.constant dense<0.000000e+00> : vector<4x128xf32>
    %dot_general3A_1652 = tpu.matmul %add3A_1647, %get3A_1650, %dot_general3A_1651 {dimension_numbers = #tpu.dot_dimension_numbers<[1], [0], [0], [1], [0, 0, 1, 1], [], []>, transpose_lhs_hint = false} : vector<4x128xf32>, vector<128x128xf32>, vector<4x128xf32> -> vector<4x128xf32>
    %get3A_1653 = arith.constant 0 : index
    %get3A_1654 = arith.constant 0 : index
    %get3A_1655 = vector.load %arg11[%get3A_1653, %get3A_1654] : memref<1x128xf32, #tpu.memory_space<vmem>>, vector<1x128xf32>
    %add3A_1656 = vector.broadcast %get3A_1655 : vector<1x128xf32> to vector<4x128xf32>
    %add3A_1657 = arith.addf %dot_general3A_1652, %add3A_1656 : vector<4x128xf32>
    %logistic3A_1658 = arith.negf %add3A_1657 : vector<4x128xf32>
    %logistic3A_1659 = math.exp %logistic3A_1658 : vector<4x128xf32>
    %logistic3A_1660 = arith.constant 1.000000e+00 : f32
    %logistic3A_1661 = vector.broadcast %logistic3A_1660 : f32 to vector<4x128xf32>
    %logistic3A_1662 = arith.addf %logistic3A_1661, %logistic3A_1659 : vector<4x128xf32>
    %logistic3A_1663 = arith.divf %logistic3A_1661, %logistic3A_1662 : vector<4x128xf32>
    %mul3A_1664 = arith.mulf %add3A_1657, %logistic3A_1663 : vector<4x128xf32>
    %get3A_1665 = arith.constant 0 : index
    %get3A_1666 = arith.constant 0 : index
    %get3A_1667 = vector.load %arg12[%get3A_1665, %get3A_1666] : memref<128x64xf32, #tpu.memory_space<vmem>>, vector<128x64xf32>
    %dot_general3A_1668 = arith.constant dense<0.000000e+00> : vector<4x64xf32>
    %dot_general3A_1669 = tpu.matmul %mul3A_1664, %get3A_1667, %dot_general3A_1668 {dimension_numbers = #tpu.dot_dimension_numbers<[1], [0], [0], [1], [0, 0, 1, 1], [], []>, transpose_lhs_hint = false} : vector<4x128xf32>, vector<128x64xf32>, vector<4x64xf32> -> vector<4x64xf32>
    %get3A_1670 = arith.constant 0 : index
    %get3A_1671 = arith.constant 0 : index
    %get3A_1672 = vector.load %arg13[%get3A_1670, %get3A_1671] : memref<1x64xf32, #tpu.memory_space<vmem>>, vector<1x64xf32>
    %add3A_1673 = vector.broadcast %get3A_1672 : vector<1x64xf32> to vector<4x64xf32>
    %add3A_1674 = arith.addf %dot_general3A_1669, %add3A_1673 : vector<4x64xf32>
    %logistic3A_1675 = arith.negf %add3A_1674 : vector<4x64xf32>
    %logistic3A_1676 = math.exp %logistic3A_1675 : vector<4x64xf32>
    %logistic3A_1677 = arith.constant 1.000000e+00 : f32
    %logistic3A_1678 = vector.broadcast %logistic3A_1677 : f32 to vector<4x64xf32>
    %logistic3A_1679 = arith.addf %logistic3A_1678, %logistic3A_1676 : vector<4x64xf32>
    %logistic3A_1680 = arith.divf %logistic3A_1678, %logistic3A_1679 : vector<4x64xf32>
    %mul3A_1681 = arith.mulf %add3A_1674, %logistic3A_1680 : vector<4x64xf32>
    %get3A_1682 = arith.constant 0 : index
    %get3A_1683 = arith.constant 0 : index
    %get3A_1684 = vector.load %arg14[%get3A_1682, %get3A_1683] : memref<64x128xf32, #tpu.memory_space<vmem>>, vector<64x128xf32>
    %dot_general3A_1685 = arith.constant dense<0.000000e+00> : vector<4x128xf32>
    %dot_general3A_1686 = tpu.matmul %mul3A_1681, %get3A_1684, %dot_general3A_1685 {dimension_numbers = #tpu.dot_dimension_numbers<[1], [0], [0], [1], [0, 0, 1, 1], [], []>, transpose_lhs_hint = false} : vector<4x64xf32>, vector<64x128xf32>, vector<4x128xf32> -> vector<4x128xf32>
    %get3A_1687 = arith.constant 0 : index
    %get3A_1688 = arith.constant 0 : index
    %get3A_1689 = vector.load %arg15[%get3A_1687, %get3A_1688] : memref<1x128xf32, #tpu.memory_space<vmem>>, vector<1x128xf32>
    %add3A_1690 = vector.broadcast %get3A_1689 : vector<1x128xf32> to vector<4x128xf32>
    %add3A_1691 = arith.addf %dot_general3A_1686, %add3A_1690 : vector<4x128xf32>
    %abs3A = math.absf %add3A_1691 : vector<4x128xf32>
    %neg3A = arith.constant 0.000000e+00 : f32
    %neg3A_1692 = vector.broadcast %neg3A : f32 to vector<4x128xf32>
    %neg3A_1693 = arith.subf %neg3A_1692, %abs3A : vector<4x128xf32>
    %exp3A = math.exp %neg3A_1693 : vector<4x128xf32>
    %add3A_1694 = arith.constant 1.000000e+00 : f32
    %add3A_1695 = vector.broadcast %add3A_1694 : f32 to vector<4x128xf32>
    %add3A_1696 = arith.addf %add3A_1695, %exp3A : vector<4x128xf32>
    %log3A = math.log %add3A_1696 : vector<4x128xf32>
    %max3A = arith.constant 0.000000e+00 : f32
    %max3A_1697 = vector.broadcast %max3A : f32 to vector<4x128xf32>
    %max3A_1698 = arith.maximumf %add3A_1691, %max3A_1697 : vector<4x128xf32>
    %add3A_1699 = arith.addf %log3A, %max3A_1698 : vector<4x128xf32>
    %add3A_1700 = arith.constant 9.99999997E-7 : f32
    %add3A_1701 = vector.broadcast %add3A_1700 : f32 to vector<4x128xf32>
    %add3A_1702 = arith.addf %add3A_1699, %add3A_1701 : vector<4x128xf32>
    %swap3A = arith.constant 0 : index
    %swap3A_1703 = arith.constant 0 : index
    %swap3A_1704 = vector.load %arg16[%swap3A, %swap3A_1703] : memref<4x128xf32, #tpu.memory_space<vmem>>, vector<4x128xf32>
    tpu.vector_store %arg16[%swap3A, %swap3A_1703], %add3A_1702 {strides = array<i32>} : memref<4x128xf32, #tpu.memory_space<vmem>>, vector<4x128xf32>,
    return
  }
}

</mosaic_0001>

<sc_bundles>
// kernel: kernel.7.cloned.1.call-start
scs
__scs_entry_jumppad:
0x0: {  	(pc) =	sbr.rel $0x88, $3  }
0x1: {  	(tag) =	ssettag $0x0;
	lr =	simm.s32 $0x1  }
0x2: {  	[smem:$0x3F89] =	sst lr;
	_ =	strace $0xD0000000  }
0x3: {  	_ = 	snop  }
0x4: {  	_ = 	snop  }
0x5: {  	_ = 	snop  }
0x6: {  	_ = 	snop  }
0x7: {  	_ = 	snop  }
__scs_overlays_trampoline_lowered:
0x8: {  	[smem:$0x3F98] =	sst s0  }
0x9: {  	[smem:$0x3F99] =	sst s1  }
0xa: {  	[smem:$0x3F9A] =	sst s2  }
0xb: {  	[smem:$0x3F9B] =	sst s3  }
0xc: {  	[smem:$0x3F9C] =	sst s4  }
0xd: {  	[smem:$0x3F9D] =	sst s5  }
0xe: {  	[smem:$0x3F9E] =	sst s6  }
0xf: {  	[smem:$0x3F9F] =	sst s7  }
0x10: {  	[smem:$0x3FA0] =	sst s8  }
0x11: {  	[smem:$0x3FA1] =	sst s9;
	s0 =	simm.s32 @!p0 $0x0  }
0x12: {  	s1 =	sld [smem:$0x3F87];
	s0 =	simm.s32 @p0 $0x1  }
0x13: {  	[smem:$0x3FA2] =	sst s0;
	s0 =	simm.s32 @!p1 $0x0  }
0x14: {  	s2 =	sld [smem:$0x3F86];
	s0 =	simm.s32 @p1 $0x1  }
0x15: {  	[smem:$0x3FA3] =	sst s0;
	s0 =	simm.s32 @!p2 $0x0  }
0x16: {  	s3 =	sld [smem:$0x3FDB];
	s0 =	simm.s32 @p2 $0x1  }
0x17: {  	s4 =	simm.s32 $0x1BF5;
	[smem:$0x3FA5] =	sst s0  }
0x18: {  	s0 =	sld [smem:$0x3F88];
	_ =	swait.ge [sflag:s4], $0x0  }
0x19: {  	s7 =	sld [smem:$0x3F89]  }
0x1a: {  	s8 =	sadd.s32 $0xFFFFE003, lr  }
0x1b: {  	s9 =	sadd.s32 $0xFFFFFEF7, lr;
	s5 =	simm.s32 $0xFFFFFFFF;
	p2 =	slt.u32 s8, $0xFFFFF086  }
0x1c: {  	p1 =	slt.u32 s9, $0xF7A;
	s5 =	simm.s32 @!p2 $0x0  }
0x1d: {  	s5 =	simm.s32 @p1 $0x1;
	p0 =	seq.s32 s7, s2  }
0x1e: {  	s7 =	smul.u32 @!p0 $0xF7A, s2;
	p2 =	seq.s32 @!p0 s5, $0x0  }
0x1f: {  	s9 =	smul.u32 $0xF7A, s1;
	s8 =	simm.s32 @!p0 $0x1BF5;
	p2 =	por !p2, p0  }
0x20: {  	[sflag:s8] =	ssyncset.s32 @!p0 $0xFFFFF086;
	s6 =	sadd.s32 @!p0 s3, s7;
	s7 =	simm.s32 @!p0 $0x108  }
0x21: {  	s3 =	sadd.s32 s3, s9;
	s6 =	sadd.s32 @!p0 $0x88, s6;
	s7 =	simm.s32 @p2 $0x1082  }
0x22: {  	[simem:s7], [sflag:s8] =	dma.local @!p0 [hbm:s6], $0xF7A  }
0x23: {  	s9 =	sor.u32 $0xD0000000, s2;
	s6 =	simm.s32 $0x108;
	_ =	swait.ge @!p0 [sflag:s8], $0x0  }
0x24: {  	s3 =	sadd.s32 $0x88, s3;
	s6 =	simm.s32 @!p1 $0x1082;
	[sflag:s4] =	ssyncset.s32 $0xFFFFF086  }
0x25: {  	[simem:s6], [sflag:s4] =	dma.local [hbm:s3], $0xF7A  }
0x26: {  	[smem:$0x3F89] =	sst s1;
	(tag) =	ssettag s2;
	_ =	strace s9  }
0x27: {  	s1 =	sld [smem:$0x3F99]  }
0x28: {  	s2 =	sld [smem:$0x3F9A]  }
0x29: {  	s4 =	sld [smem:$0x3F9C]  }
0x2a: {  	p0 =	seq.s32 s5, $0x0;
	s5 =	sld [smem:$0x3F9D]  }
0x2b: {  	s6 =	sld [smem:$0x3F9E]  }
0x2c: {  	s7 =	sld [smem:$0x3F9F]  }
0x2d: {  	s3 =	simm.s32 $0x108;
	s8 =	sld [smem:$0x3FA0]  }
0x2e: {  	s3 =	simm.s32 @!p0 $0x1082;
	s9 =	sld [smem:$0x3FA1]  }
0x2f: {  	lr =	sadd.s32 s0, s3;
	s0 =	sld [smem:$0x3F98]  }
0x30: {  	s3 =	sld [smem:$0x3F9B]  }
0x31: {  	[smem:$0x3FA4] =	sst s10  }
0x32: {  	s10 =	sld [smem:$0x3FA2];
	_ =	sdelay $0x3  }
0x33: {  	p0 =	seq.s32 s10, $0x1;
	s10 =	sld [smem:$0x3FA4];
	_ =	sdelay $0x3  }
0x34: {  	[smem:$0x3FA4] =	sst s10  }
0x35: {  	s10 =	sld [smem:$0x3FA3];
	_ =	sdelay $0x3  }
0x36: {  	p1 =	seq.s32 s10, $0x1;
	s10 =	sld [smem:$0x3FA4];
	_ =	sdelay $0x3  }
0x37: {  	[smem:$0x3FA4] =	sst s10  }
0x38: {  	s10 =	sld [smem:$0x3FA5]  }
0x39: {  	_ = 	snop;
	(pc) =	sbr.ind lr, $3  }
0x3a: {  	_ = 	snop  }
0x3b: {  	_ = 	snop  }
0x3c: {  	p2 =	seq.s32 s10, $0x1;
	s10 =	sld [smem:$0x3FA4]  }
0x3d: {  	_ =	shalt  }
0x3e: {  	_ =	shalt  }
0x3f: {  	_ =	shalt  }
0x40: {  	_ =	shalt  }
0x41: {  	_ =	shalt  }
0x42: {  	_ =	shalt  }
0x43: {  	_ =	shalt  }
0x44: {  	_ =	shalt  }
0x45: {  	_ =	shalt  }
0x46: {  	_ =	shalt  }
0x47: {  	_ =	shalt  }
0x48: {  	_ =	shalt  }
0x49: {  	_ =	shalt  }
0x4a: {  	_ =	shalt  }
0x4b: {  	_ =	shalt  }
0x4c: {  	_ =	shalt  }
0x4d: {  	_ =	shalt  }
0x4e: {  	_ =	shalt  }
0x4f: {  	_ =	shalt  }
0x50: {  	_ =	shalt  }
0x51: {  	_ =	shalt  }
0x52: {  	_ =	shalt  }
0x53: {  	_ =	shalt  }
0x54: {  	_ =	shalt  }
0x55: {  	_ =	shalt  }
0x56: {  	_ =	shalt  }
0x57: {  	_ =	shalt  }
0x58: {  	_ =	shalt  }
0x59: {  	_ =	shalt  }
0x5a: {  	_ =	shalt  }
0x5b: {  	_ =	shalt  }
0x5c: {  	_ =	shalt  }
0x5d: {  	_ =	shalt  }
0x5e: {  	_ =	shalt  }
0x5f: {  	_ =	shalt  }
0x60: {  	_ =	shalt  }
0x61: {  	_ =	shalt  }
0x62: {  	_ =	shalt  }
0x63: {  	_ =	shalt  }
0x64: {  	_ =	shalt  }
0x65: {  	_ =	shalt  }
0x66: {  	_ =	shalt  }
0x67: {  	_ =	shalt  }
0x68: {  	_ =	shalt  }
0x69: {  	_ =	shalt  }
0x6a: {  	_ =	shalt  }
0x6b: {  	_ =	shalt  }
0x6c: {  	_ =	shalt  }
0x6d: {  	_ =	shalt  }
0x6e: {  	_ =	shalt  }
0x6f: {  	_ =	shalt  }
0x70: {  	_ =	shalt  }
0x71: {  	_ =	shalt  }
0x72: {  	_ =	shalt  }
0x73: {  	_ =	shalt  }
0x74: {  	_ =	shalt  }
0x75: {  	_ =	shalt  }
0x76: {  	_ =	shalt  }
0x77: {  	_ =	shalt  }
0x78: {  	_ =	shalt  }
0x79: {  	_ =	shalt  }
0x7a: {  	_ =	shalt  }
0x7b: {  	_ =	shalt  }
0x7c: {  	_ =	shalt  }
0x7d: {  	_ =	shalt  }
0x7e: {  	_ =	shalt  }
0x7f: {  	_ =	shalt  }
0x80: {  	_ =	shalt  }
0x81: {  	_ =	shalt  }
0x82: {  	_ =	shalt  }
0x83: {  	_ =	shalt  }
0x84: {  	_ =	shalt  }
0x85: {  	_ =	shalt  }
0x86: {  	_ =	shalt  }
0x87: {  	_ =	shalt  }
.Lfunc_end0:
.L_simem_size_0:
called_computation_lowered:
.L_overlay_start_0:
0x88: {  	s2 =	sld [smem:$0x3FD9]  }
0x89: {  	s3 =	sld [smem:$0x3FFE];
	_ =	sdelay $0x1  }
0x8a: {  	s1 =	srdreg.scid  }
0x8b: {  	s0 =	sand.u32 $0x1, s1  }
0x8c: {  	s16 =	sshll.u32 s0, $0xA;
	s2 =	sadd.s32 s3, s2  }
0x8d: {  	s2 =	sadd.s32 s2, s16  }
0x8e: {  	[smem:$0x3FB0] =	sst s2  }
0x8f: {  	_ = 	snop  }
0x90: {  	(tm) =	ssettm $0x1  }
0x91: {  	s17 =	sld [smem:$0x3FFB];
	_ =	sdelay $0x3  }
0x92: {  	_ =	strace s17  }
0x93: {  	s2 =	sld [smem:$0x3FFC];
	_ =	sdelay $0x3  }
0x94: {  	_ =	strace s2  }
0x95: {  	s2 =	sld [smem:$0x3FFD];
	_ =	sdelay $0x3  }
0x96: {  	_ =	strace s2  }
0x97: {  	_ =	strace $0x8FFFFFFF  }
0x98: {  	s18 =	sld [smem:$0x3FDB];
	_ =	sdelay $0x1  }
0x99: {  	s19 =	simm.s32 $_scs_section_size  }
0x9a: {  	s4 =	simm.s32 $_size__tile_overlayer_lowered;
	s5 =	simm.s32 $_tile_overlayer_lowered  }
0x9b: {  	s22 =	simm.s32 $0x1BFF;
	s21 =	sshll.u32 s5, $0x1;
	s2 =	sadd.s32 s19, s18  }
0x9c: {  	s6 =	simm.s32 $0x0;
	s20 =	sshll.u32 s4, $0x1;
	s4 =	sadd.s32 s21, s2  }
0x9d: {  	[timem:s6], [sflag:s22] =	dma.local [hbm:s4], s20  }
0x9e: {  	_ =	swait.ge [sflag:s22], s20  }
0x9f: {  	s3 =	ssub.s32 $0x0, s20;
	[sflag:s22] =	ssyncset.done $0x0  }
0xa0: {  	[sflag:s22] =	ssyncadd.s32 s3;
	_ =	sdelay $0x1  }
0xa1: {  	s23 =	simm.s32 $0x1B8B  }
0xa2: {  	_ =	swait.ge [sflag:s23], $0x1  }
0xa3: {  	[sflag:s23] =	ssyncset.done $0x0  }
0xa4: {  	s25 =	simm.s32 $0x1B8E;
	s24 =	sld [smem:$0x3FFE];
	[sflag:s23] =	ssyncadd.s32 $0xFFFFFFFF  }
0xa5: {  	s26 =	simm.s32 $execute0_lowered;
	[smem:$0x3FD2] =	sst s25  }
0xa6: {  	s4 =	sshll.u32 s26, $0x1;
	_ =	strace $0x80000046;
	[dreg:$0x1] =	wrdreg $0xFFFFFFFF  }
0xa7: {  	s28 =	simm.s32 $_size_execute0_lowered;
	s2 =	sadd.s32 s2, s4;
	[dreg:$0x0] =	wrdreg $0x0  }
0xa8: {  	s4 =	sshll.u32 s28, $0x1;
	[dreg:$0x2] =	wrdreg s2  }
0xa9: {  	[dreg:$0x3] =	wrdreg s4  }
0xaa: {  	[dreg:$0x4] =	wrdreg $0xC0  }
0xab: {  	_ =	task [dreg:s6], $0x5FFFF  }
0xac: {  	[dreg:$0x1] =	wrdreg $0xFFFFFFFF  }
0xad: {  	[dreg:$0x0] =	wrdreg $0x60  }
0xae: {  	[dreg:$0x2] =	wrdreg s24  }
0xaf: {  	[dreg:$0x3] =	wrdreg $0x9  }
0xb0: {  	_ =	task.clear_ibuf [dreg:s6], $0x4FFFF;
	_ =	strace $0x90000046  }
0xb1: {  	s29 =	simm.s32 $0x9;
	_ =	strace $0x80000048  }
0xb2: {  	_ =	swait.ge [sflag:s29], $0x1  }
0xb3: {  	[sflag:s29] =	ssyncadd.s32 $0xFFFFFFFF  }
0xb4: {  	_ =	strace $0x90000048  }
0xb5: {  	_ =	sfence  }
0xb6: {  	s30 =	sld [smem:$0x0];
	_ =	sdelay $0x2  }
0xb7: {  	s31 =	sshll.u32 s1, $0xD;
	s1 =	sshrl.u32 s1, $0x2  }
0xb8: {  	s3 =	sand.u32 $0x4000, s31;
	s1 =	sadd.s32 s1, s30  }
0xb9: {  	s0 =	sor.u32 s3, s0;
	s1 =	sshll.u32 s1, $0x11  }
0xba: {  	s0 =	sor.u32 s1, s0  }
0xbb: {  	s0 =	sadd.s32 $0x8F2B, s0  }
0xbc: {  	[sflag:s0] =	ssyncadd.remote.s32 $0x1  }
0xbd: {  	_ =	sfence.sel $0xFFFF  }
0xbe: {  	[dreg:$0x0] =	wrdreg $0xFFFFFFFF;
	(pc) =	sbr.abs _section_cstart, $3  }
0xbf: {  	[dreg:$0x1] =	wrdreg $0xFFFFFFFF  }
0xc0: {  	_ =	task.clear_ibuf [dreg:s6], $0x2FFFF;
	_ =	strace $0x9FFFFFFF  }
0xc1: {  	(tm) =	ssettm $0x7FFFFFFF  }
tec
execute0_lowered:
.L_overlay_start_1:
0x0: {  	(tag) =	ssettag $0x1  }
0x1: {  	s0 =	rddreg [dreg:$0x0]  }
0x2: {  	s1 =	srdreg.scid;
	s2 =	simm.s32 $0x0;
	s7 =	stileid.u32  }
0x3: {  	s28 =	simm.s32 $0x0;
	s13 =	simm.s32 $0x2100;
	s14 =	simm.s32 $0x4100  }
0x4: {  	s15 =	simm.s32 $0x4900;
	s16 =	simm.s32 $0x5100;
	s17 =	simm.s32 $0x5900  }
0x5: {  	s10 =	simm.s32 $0x6100;
	s18 =	simm.s32 $0x6900;
	s19 =	simm.s32 $0x7100  }
0x6: {  	s20 =	simm.s32 $0x7900;
	s21 =	simm.s32 $0x8100;
	s22 =	simm.s32 $0x8900  }
0x7: {  	s23 =	simm.s32 $0x9100;
	s24 =	simm.s32 $0x9900;
	s11 =	simm.s32 $0xA100  }
0x8: {  	s25 =	simm.s32 $0xA900;
	s26 =	simm.s32 $0xB100;
	s12 =	simm.s32 $0xB900  }
0x9: {  	s1 =	sand.u32 $0x1, s1;
	[smem:$0x7FF] =	sst s2;
	s6 =	smul.u32 $0xC000, s7  }
0xa: {  	s3 =	sadd.s32 $0x3C00, s0;
	s9 =	sadd.s32 $0x1BC00, s0;
	s8 =	sadd.s32 $0x3E00, s0  }
0xb: {  	s4 =	smul.u32 $0xC0000, s1;
	s5 =	sshll.u32 s1, $0x4;
	s1 =	ssub.s32 $0x2, s1  }
0xc: {  	_ =	strace $0x80000047;
	s5 =	sor.u32 s7, s5;
	s29 =	sshrl.u32 s1, $0x1  }
0xd: {  	s5 =	smul.u32 $0xC, s5;
	s6 =	sadd.s32 s6, s4;
	s1 =	ssub.s32 s1, s29  }
0xe: {  	s7 =	sadd.s32 $0x3D00, s0;
	s6 =	sshrl.u32 s6, $0x3;
	s31 =	smax.u32 s1, $0x1  }
0xf: {  	s5 =	sadd.s32 s5, s0;
	s6 =	sadd.s32 s9, s6;
	[dreg:$0x5] =	wrdreg s31  }
0x10: {  	v3 =	vlaneseq.u32;
	s4 =	sshrl.u32 s4, $0x3;
	[dreg:$0x2] =	wrdreg s6;
	s30 =	sadd.s32 $0x17AE00, s5  }
0x11: {  	v0 =	vimm.f32 $0.0e+00;
	vm0 =	vmmov $0xffff;
	v2 =	vshrl.u32 v3, $0x3;
	s9 =	sadd.s32 s9, s4;
	s5 =	sadd.s32 $0x17AC00, s5;
	[dreg:$0x3] =	wrdreg s30  }
0x12: {  	v1 =	vand.u32 $0x7, v3;
	v3 =	vor.u32 $0x8, v3;
	v2 =	vmul.u32 $0x8, v2;
	s6 =	simm.s32 $0x3900;
	[dreg:$0x4] =	wrdreg s5;
	s5 =	simm.s32 $0x3100  }
.LBB2_1:
0x13: {  	s0 =	simm.s32 $0x0  }
0x14: {  	s0 =	smul.u32 $0x6000, s0;
	_ =	sdelay $0x1  }
0x15: {  	s29 =	sand.u32 $0x380, s2;
	s0 =	sshra.s32 s0, $0x2  }
0x16: {  	s29 =	sor.u32 s29, s0  }
0x17: {  	[tilespmem:s29+$0x1570] =	vst v0  }
0x18: {  	[tilespmem:s29+$0x100] =	vst v0  }
0x19: {  	[tilespmem:s29+$0x110] =	vst v0  }
0x1a: {  	[tilespmem:s29+$0x120] =	vst v0  }
0x1b: {  	[tilespmem:s29+$0x130] =	vst v0  }
0x1c: {  	[tilespmem:s29+$0x140] =	vst v0  }
0x1d: {  	[tilespmem:s29+$0x150] =	vst v0  }
0x1e: {  	[tilespmem:s29+$0x160] =	vst v0  }
0x1f: {  	[tilespmem:s29+$0x170] =	vst v0  }
0x20: {  	[tilespmem:s29+$0x500] =	vst v0  }
0x21: {  	[tilespmem:s29+$0x510] =	vst v0  }
0x22: {  	[tilespmem:s29+$0x520] =	vst v0  }
0x23: {  	[tilespmem:s29+$0x530] =	vst v0  }
0x24: {  	[tilespmem:s29+$0x540] =	vst v0  }
0x25: {  	[tilespmem:s29+$0x550] =	vst v0  }
0x26: {  	[tilespmem:s29+$0x560] =	vst v0  }
0x27: {  	[tilespmem:s29+$0x570] =	vst v0  }
0x28: {  	[tilespmem:s29+$0x900] =	vst v0  }
0x29: {  	[tilespmem:s29+$0x910] =	vst v0  }
0x2a: {  	[tilespmem:s29+$0x920] =	vst v0  }
0x2b: {  	[tilespmem:s29+$0x930] =	vst v0  }
0x2c: {  	[tilespmem:s29+$0x940] =	vst v0  }
0x2d: {  	[tilespmem:s29+$0x950] =	vst v0  }
0x2e: {  	[tilespmem:s29+$0x960] =	vst v0  }
0x2f: {  	[tilespmem:s29+$0x970] =	vst v0  }
0x30: {  	[tilespmem:s29+$0xD00] =	vst v0  }
0x31: {  	[tilespmem:s29+$0xD10] =	vst v0  }
0x32: {  	[tilespmem:s29+$0xD20] =	vst v0  }
0x33: {  	[tilespmem:s29+$0xD30] =	vst v0  }
0x34: {  	[tilespmem:s29+$0xD40] =	vst v0  }
0x35: {  	[tilespmem:s29+$0xD50] =	vst v0  }
0x36: {  	[tilespmem:s29+$0xD60] =	vst v0  }
0x37: {  	[tilespmem:s29+$0xD70] =	vst v0  }
0x38: {  	[tilespmem:s29+$0x1100] =	vst v0  }
0x39: {  	[tilespmem:s29+$0x1110] =	vst v0  }
0x3a: {  	[tilespmem:s29+$0x1120] =	vst v0  }
0x3b: {  	[tilespmem:s29+$0x1130] =	vst v0  }
0x3c: {  	[tilespmem:s29+$0x1140] =	vst v0  }
0x3d: {  	[tilespmem:s29+$0x1150] =	vst v0  }
0x3e: {  	[tilespmem:s29+$0x1160] =	vst v0  }
0x3f: {  	[tilespmem:s29+$0x1170] =	vst v0  }
0x40: {  	[tilespmem:s29+$0x1500] =	vst v0  }
0x41: {  	[tilespmem:s29+$0x1510] =	vst v0  }
0x42: {  	s31 =	simm.s32 $0x2;
	s30 =	simm.s32 $0x0;
	s0 =	simm.s32 $0x0;
	[tilespmem:s29+$0x1520] =	vst v0  }
.LBB2_2:
0x43: {  	p0 =	sne.s32 s31, $0x3F;
	s0 =	smul.u32 $0x6000, s0;
	[tilespmem:s29+$0x1530] =	vst v0  }
0x44: {  	s30 =	sadd.s32 $0x80, s30;
	[tilespmem:s29+$0x1540] =	vst v0  }
0x45: {  	s1 =	sand.u32 $0x380, s30;
	s0 =	sshra.s32 s0, $0x2;
	[tilespmem:s29+$0x1550] =	vst v0  }
0x46: {  	[tilespmem:s29+$0x1560] =	vst v0;
	s29 =	sor.u32 s1, s0  }
0x47: {  	[tilespmem:s29+$0x1570] =	vst v0  }
0x48: {  	[tilespmem:s29+$0x100] =	vst v0  }
0x49: {  	[tilespmem:s29+$0x110] =	vst v0  }
0x4a: {  	[tilespmem:s29+$0x120] =	vst v0  }
0x4b: {  	[tilespmem:s29+$0x130] =	vst v0  }
0x4c: {  	[tilespmem:s29+$0x140] =	vst v0  }
0x4d: {  	[tilespmem:s29+$0x150] =	vst v0  }
0x4e: {  	[tilespmem:s29+$0x160] =	vst v0  }
0x4f: {  	[tilespmem:s29+$0x170] =	vst v0  }
0x50: {  	[tilespmem:s29+$0x500] =	vst v0  }
0x51: {  	[tilespmem:s29+$0x510] =	vst v0  }
0x52: {  	[tilespmem:s29+$0x520] =	vst v0  }
0x53: {  	[tilespmem:s29+$0x530] =	vst v0  }
0x54: {  	[tilespmem:s29+$0x540] =	vst v0  }
0x55: {  	[tilespmem:s29+$0x550] =	vst v0  }
0x56: {  	[tilespmem:s29+$0x560] =	vst v0  }
0x57: {  	[tilespmem:s29+$0x570] =	vst v0  }
0x58: {  	[tilespmem:s29+$0x900] =	vst v0  }
0x59: {  	[tilespmem:s29+$0x910] =	vst v0  }
0x5a: {  	[tilespmem:s29+$0x920] =	vst v0  }
0x5b: {  	[tilespmem:s29+$0x930] =	vst v0  }
0x5c: {  	[tilespmem:s29+$0x940] =	vst v0  }
0x5d: {  	[tilespmem:s29+$0x950] =	vst v0  }
0x5e: {  	[tilespmem:s29+$0x960] =	vst v0  }
0x5f: {  	[tilespmem:s29+$0x970] =	vst v0  }
0x60: {  	[tilespmem:s29+$0xD00] =	vst v0  }
0x61: {  	[tilespmem:s29+$0xD10] =	vst v0  }
0x62: {  	[tilespmem:s29+$0xD20] =	vst v0  }
0x63: {  	[tilespmem:s29+$0xD30] =	vst v0  }
0x64: {  	[tilespmem:s29+$0xD40] =	vst v0  }
0x65: {  	[tilespmem:s29+$0xD50] =	vst v0  }
0x66: {  	[tilespmem:s29+$0xD60] =	vst v0  }
0x67: {  	[tilespmem:s29+$0xD70] =	vst v0  }
0x68: {  	[tilespmem:s29+$0x1100] =	vst v0  }
0x69: {  	[tilespmem:s29+$0x1110] =	vst v0  }
0x6a: {  	[tilespmem:s29+$0x1120] =	vst v0  }
0x6b: {  	[tilespmem:s29+$0x1130] =	vst v0  }
0x6c: {  	[tilespmem:s29+$0x1140] =	vst v0  }
0x6d: {  	[tilespmem:s29+$0x1150] =	vst v0  }
.Ltmp0:
0x6e: {  	[tilespmem:s29+$0x1160] =	vst v0;
	(pc) =	sbr.rel @p0 .LBB2_2-.Ltmp0, $4  }
0x6f: {  	[tilespmem:s29+$0x1170] =	vst v0  }
0x70: {  	[tilespmem:s29+$0x1500] =	vst v0  }
0x71: {  	[tilespmem:s29+$0x1510] =	vst v0  }
0x72: {  	s0 =	sshrl.u32 s31, $0x3;
	s31 =	sadd.s32 $0x1, s31;
	[tilespmem:s29+$0x1520] =	vst v0  }
0x73: {  	s0 =	smul.u32 $0x6000, s0;
	[tilespmem:s29+$0x1530] =	vst v0  }
0x74: {  	[tilespmem:s29+$0x1540] =	vst v0;
	s1 =	sadd.s32 $0x80, s30  }
0x75: {  	[tilespmem:s29+$0x1550] =	vst v0;
	s1 =	sand.u32 $0x380, s1;
	s0 =	sshra.s32 s0, $0x2  }
0x76: {  	[tilespmem:s29+$0x1560] =	vst v0;
	s0 =	sor.u32 s1, s0  }
0x77: {  	[tilespmem:s0+$0x1570] =	vst v0  }
0x78: {  	[tilespmem:s0+$0x100] =	vst v0  }
0x79: {  	[tilespmem:s0+$0x110] =	vst v0  }
0x7a: {  	[tilespmem:s0+$0x120] =	vst v0  }
0x7b: {  	[tilespmem:s0+$0x130] =	vst v0  }
0x7c: {  	[tilespmem:s0+$0x140] =	vst v0  }
0x7d: {  	[tilespmem:s0+$0x150] =	vst v0  }
0x7e: {  	[tilespmem:s0+$0x160] =	vst v0  }
0x7f: {  	[tilespmem:s0+$0x170] =	vst v0  }
0x80: {  	[tilespmem:s0+$0x500] =	vst v0  }
0x81: {  	[tilespmem:s0+$0x510] =	vst v0  }
0x82: {  	[tilespmem:s0+$0x520] =	vst v0  }
0x83: {  	[tilespmem:s0+$0x530] =	vst v0  }
0x84: {  	[tilespmem:s0+$0x540] =	vst v0  }
0x85: {  	[tilespmem:s0+$0x550] =	vst v0  }
0x86: {  	[tilespmem:s0+$0x560] =	vst v0  }
0x87: {  	[tilespmem:s0+$0x570] =	vst v0  }
0x88: {  	[tilespmem:s0+$0x900] =	vst v0  }
0x89: {  	[tilespmem:s0+$0x910] =	vst v0  }
0x8a: {  	[tilespmem:s0+$0x920] =	vst v0  }
0x8b: {  	[tilespmem:s0+$0x930] =	vst v0  }
0x8c: {  	[tilespmem:s0+$0x940] =	vst v0  }
0x8d: {  	[tilespmem:s0+$0x950] =	vst v0  }
0x8e: {  	[tilespmem:s0+$0x960] =	vst v0  }
0x8f: {  	[tilespmem:s0+$0x970] =	vst v0  }
0x90: {  	[tilespmem:s0+$0xD00] =	vst v0  }
0x91: {  	[tilespmem:s0+$0xD10] =	vst v0  }
0x92: {  	[tilespmem:s0+$0xD20] =	vst v0  }
0x93: {  	[tilespmem:s0+$0xD30] =	vst v0  }
0x94: {  	[tilespmem:s0+$0xD40] =	vst v0  }
0x95: {  	[tilespmem:s0+$0xD50] =	vst v0  }
0x96: {  	[tilespmem:s0+$0xD60] =	vst v0  }
0x97: {  	[tilespmem:s0+$0xD70] =	vst v0  }
0x98: {  	[tilespmem:s0+$0x1100] =	vst v0  }
0x99: {  	[tilespmem:s0+$0x1110] =	vst v0  }
0x9a: {  	[tilespmem:s0+$0x1120] =	vst v0  }
0x9b: {  	[tilespmem:s0+$0x1130] =	vst v0  }
0x9c: {  	[tilespmem:s0+$0x1140] =	vst v0  }
0x9d: {  	[tilespmem:s0+$0x1150] =	vst v0  }
0x9e: {  	[tilespmem:s0+$0x1160] =	vst v0  }
0x9f: {  	[tilespmem:s0+$0x1170] =	vst v0  }
0xa0: {  	[tilespmem:s0+$0x1500] =	vst v0  }
0xa1: {  	[tilespmem:s0+$0x1510] =	vst v0  }
0xa2: {  	[tilespmem:s0+$0x1520] =	vst v0  }
0xa3: {  	[tilespmem:s0+$0x1530] =	vst v0  }
0xa4: {  	[tilespmem:s0+$0x1540] =	vst v0  }
0xa5: {  	[tilespmem:s0+$0x1550] =	vst v0  }
0xa6: {  	s31 =	rddreg [dreg:$0x2];
	s29 =	simm.s32 $0x100;
	s4 =	simm.s32 $0x3;
	[tilespmem:s0+$0x1560] =	vst v0  }
0xa7: {  	[hbm4b:s31+s2] =	stream.linear.scatter [tilespmem:s29], [sflag:$0x3], $0xC000, $0x38;
	[tilespmem:$0x12100] =	vst v63  }
0xa8: {  	_ =	swait.ge [sflag:s4], $0xC000  }
0xa9: {  	[sflag:s4] =	ssyncset.done $0x0  }
0xaa: {  	s1 =	rddreg [dreg:$0x3];
	[sflag:s4] =	ssyncadd.s32 $0xFFFF4000  }
0xab: {  	[tilespmem:s2], [sflag:$0x3] =	stream.linear.gather [hbm4b:s1+s2], $0x60, $0x38;
	[tilespmem:$0x12100] =	vst v63  }
0xac: {  	_ =	swait.ge [sflag:s4], $0x60  }
0xad: {  	[sflag:s4] =	ssyncset.done $0x0  }
0xae: {  	s31 =	simm.s32 $0x80;
	s30 =	rddreg [dreg:$0x4];
	[sflag:s4] =	ssyncadd.s32 $0xFFFFFFA0  }
0xaf: {  	[tilespmem:s31], [sflag:$0x3] =	stream.linear.gather [hbm4b:s30+s2], $0x60, $0x38;
	[tilespmem:$0x12100] =	vst v63  }
0xb0: {  	_ =	swait.ge [sflag:s4], $0x60  }
0xb1: {  	[sflag:s4] =	ssyncset.done $0x0  }
0xb2: {  	[sflag:s4] =	ssyncadd.s32 $0xFFFFFFA0  }
0xb3: {  	v4 =	vld [tilespmem:$0x0];
	_ =	sdelay $0x4  }
0xb4: {  	v5 =	vshrl.u32 v4, $0x3  }
0xb5: {  	v5 =	vmul.u32 $0x30, v5  }
0xb6: {  	v4 =	vand.u32 $0x7, v4  }
0xb7: {  	v4 =	vor.u32 v4, v5  }
0xb8: {  	v5 =	vperm.xlane v4, v1;
	_ =	sdelay $0x1  }
0xb9: {  	v5 =	vadd.s32 v2, v5;
	_ =	sdelay $0x3  }
0xba: {  	v4 =	vperm.xlane v4, v3  }
0xbb: {  	[tilespmem:s29], [sflag:$0x1] =	stream.indirect_vreg.gather [hbm4b:s3+s2], $0x80, v5, vm0, $0xb8;
	[tilespmem:$0x12100] =	vst v63  }
0xbc: {  	s0 =	simm.s32 $0x900;
	v4 =	vadd.s32 v2, v4  }
0xbd: {  	[tilespmem:s0], [sflag:$0x1] =	stream.indirect_vreg.gather [hbm4b:s7+s2], $0x80, v5, vm0, $0xb8;
	[tilespmem:$0x12100] =	vst v63  }
0xbe: {  	s1 =	simm.s32 $0x1100  }
0xbf: {  	[tilespmem:s1], [sflag:$0x1] =	stream.indirect_vreg.gather [hbm4b:s8+s2], $0x80, v5, vm0, $0xb8;
	[tilespmem:$0x12100] =	vst v63  }
0xc0: {  	s31 =	simm.s32 $0x1900  }
0xc1: {  	[tilespmem:s31], [sflag:$0x1] =	stream.indirect_vreg.gather [hbm4b:s3+s2], $0x80, v4, vm0, $0xb8;
	[tilespmem:$0x12100] =	vst v63  }
0xc2: {  	_ = 	snop  }
0xc3: {  	[tilespmem:s13], [sflag:$0x1] =	stream.indirect_vreg.gather [hbm4b:s7+s2], $0x80, v4, vm0, $0xb8;
	[tilespmem:$0x12100] =	vst v63  }
0xc4: {  	s4 =	simm.s32 $0x2900  }
0xc5: {  	[tilespmem:s4], [sflag:$0x1] =	stream.indirect_vreg.gather [hbm4b:s8+s2], $0x80, v4, vm0, $0xb8;
	[tilespmem:$0x12100] =	vst v63  }
0xc6: {  	v4 =	vld [tilespmem:$0x10];
	_ =	sdelay $0x4  }
0xc7: {  	v5 =	vshrl.u32 v4, $0x3  }
0xc8: {  	v5 =	vmul.u32 $0x30, v5  }
0xc9: {  	v4 =	vand.u32 $0x7, v4  }
0xca: {  	v4 =	vor.u32 v4, v5  }
0xcb: {  	v5 =	vperm.xlane v4, v1;
	_ =	sdelay $0x1  }
0xcc: {  	v5 =	vadd.s32 v2, v5;
	_ =	sdelay $0x3  }
0xcd: {  	v4 =	vperm.xlane v4, v3  }
0xce: {  	[tilespmem:s5], [sflag:$0x1] =	stream.indirect_vreg.gather [hbm4b:s3+s2], $0x80, v5, vm0, $0xb8;
	[tilespmem:$0x12100] =	vst v63  }
0xcf: {  	v4 =	vadd.s32 v2, v4  }
0xd0: {  	[tilespmem:s6], [sflag:$0x1] =	stream.indirect_vreg.gather [hbm4b:s7+s2], $0x80, v5, vm0, $0xb8;
	[tilespmem:$0x12100] =	vst v63  }
0xd1: {  	_ = 	snop  }
0xd2: {  	[tilespmem:s14], [sflag:$0x1] =	stream.indirect_vreg.gather [hbm4b:s8+s2], $0x80, v5, vm0, $0xb8;
	[tilespmem:$0x12100] =	vst v63  }
0xd3: {  	_ = 	snop  }
0xd4: {  	[tilespmem:s15], [sflag:$0x1] =	stream.indirect_vreg.gather [hbm4b:s3+s2], $0x80, v4, vm0, $0xb8;
	[tilespmem:$0x12100] =	vst v63  }
0xd5: {  	_ = 	snop  }
0xd6: {  	[tilespmem:s16], [sflag:$0x1] =	stream.indirect_vreg.gather [hbm4b:s7+s2], $0x80, v4, vm0, $0xb8;
	[tilespmem:$0x12100] =	vst v63  }
0xd7: {  	_ = 	snop  }
0xd8: {  	[tilespmem:s17], [sflag:$0x1] =	stream.indirect_vreg.gather [hbm4b:s8+s2], $0x80, v4, vm0, $0xb8;
	[tilespmem:$0x12100] =	vst v63  }
0xd9: {  	v4 =	vld [tilespmem:$0x20];
	_ =	sdelay $0x4  }
0xda: {  	v5 =	vshrl.u32 v4, $0x3  }
0xdb: {  	v5 =	vmul.u32 $0x30, v5  }
0xdc: {  	v4 =	vand.u32 $0x7, v4  }
0xdd: {  	v4 =	vor.u32 v4, v5  }
0xde: {  	v5 =	vperm.xlane v4, v1;
	_ =	sdelay $0x1  }
0xdf: {  	v5 =	vadd.s32 v2, v5;
	_ =	sdelay $0x3  }
0xe0: {  	v4 =	vperm.xlane v4, v3  }
0xe1: {  	[tilespmem:s10], [sflag:$0x1] =	stream.indirect_vreg.gather [hbm4b:s3+s2], $0x80, v5, vm0, $0xb8;
	[tilespmem:$0x12100] =	vst v63  }
0xe2: {  	v4 =	vadd.s32 v2, v4  }
0xe3: {  	[tilespmem:s18], [sflag:$0x1] =	stream.indirect_vreg.gather [hbm4b:s7+s2], $0x80, v5, vm0, $0xb8;
	[tilespmem:$0x12100] =	vst v63  }
0xe4: {  	_ = 	snop  }
0xe5: {  	[tilespmem:s19], [sflag:$0x1] =	stream.indirect_vreg.gather [hbm4b:s8+s2], $0x80, v5, vm0, $0xb8;
	[tilespmem:$0x12100] =	vst v63  }
0xe6: {  	_ = 	snop  }
0xe7: {  	[tilespmem:s20], [sflag:$0x1] =	stream.indirect_vreg.gather [hbm4b:s3+s2], $0x80, v4, vm0, $0xb8;
	[tilespmem:$0x12100] =	vst v63  }
0xe8: {  	_ = 	snop  }
0xe9: {  	[tilespmem:s21], [sflag:$0x1] =	stream.indirect_vreg.gather [hbm4b:s7+s2], $0x80, v4, vm0, $0xb8;
	[tilespmem:$0x12100] =	vst v63  }
0xea: {  	_ = 	snop  }
0xeb: {  	[tilespmem:s22], [sflag:$0x1] =	stream.indirect_vreg.gather [hbm4b:s8+s2], $0x80, v4, vm0, $0xb8;
	[tilespmem:$0x12100] =	vst v63  }
0xec: {  	v4 =	vld [tilespmem:$0x30];
	_ =	sdelay $0x4  }
0xed: {  	v5 =	vshrl.u32 v4, $0x3  }
0xee: {  	v5 =	vmul.u32 $0x30, v5  }
0xef: {  	v4 =	vand.u32 $0x7, v4  }
0xf0: {  	v4 =	vor.u32 v4, v5  }
0xf1: {  	v5 =	vperm.xlane v4, v1;
	_ =	sdelay $0x1  }
0xf2: {  	v5 =	vadd.s32 v2, v5;
	_ =	sdelay $0x3  }
0xf3: {  	v4 =	vperm.xlane v4, v3  }
0xf4: {  	[tilespmem:s23], [sflag:$0x1] =	stream.indirect_vreg.gather [hbm4b:s3+s2], $0x80, v5, vm0, $0xb8;
	[tilespmem:$0x12100] =	vst v63  }
0xf5: {  	v4 =	vadd.s32 v2, v4  }
0xf6: {  	[tilespmem:s24], [sflag:$0x1] =	stream.indirect_vreg.gather [hbm4b:s7+s2], $0x80, v5, vm0, $0xb8;
	[tilespmem:$0x12100] =	vst v63  }
0xf7: {  	_ = 	snop  }
0xf8: {  	[tilespmem:s11], [sflag:$0x1] =	stream.indirect_vreg.gather [hbm4b:s8+s2], $0x80, v5, vm0, $0xb8;
	[tilespmem:$0x12100] =	vst v63  }
0xf9: {  	_ = 	snop  }
0xfa: {  	[tilespmem:s25], [sflag:$0x1] =	stream.indirect_vreg.gather [hbm4b:s3+s2], $0x80, v4, vm0, $0xb8;
	[tilespmem:$0x12100] =	vst v63  }
0xfb: {  	_ = 	snop  }
0xfc: {  	[tilespmem:s26], [sflag:$0x1] =	stream.indirect_vreg.gather [hbm4b:s7+s2], $0x80, v4, vm0, $0xb8;
	[tilespmem:$0x12100] =	vst v63  }
0xfd: {  	_ = 	snop  }
0xfe: {  	[tilespmem:s12], [sflag:$0x1] =	stream.indirect_vreg.gather [hbm4b:s8+s2], $0x80, v4, vm0, $0xb8;
	[tilespmem:$0x12100] =	vst v63  }
0xff: {  	v4 =	vld [tilespmem:$0x40];
	_ =	sdelay $0x4  }
0x100: {  	v5 =	vshrl.u32 v4, $0x3  }
0x101: {  	v5 =	vmul.u32 $0x30, v5  }
0x102: {  	v4 =	vand.u32 $0x7, v4  }
0x103: {  	v4 =	vor.u32 v4, v5  }
0x104: {  	v5 =	vperm.xlane v4, v1;
	_ =	sdelay $0x1  }
0x105: {  	v5 =	vadd.s32 v2, v5;
	_ =	sdelay $0x3  }
0x106: {  	s30 =	simm.s32 $0xC100;
	v4 =	vperm.xlane v4, v3  }
0x107: {  	[tilespmem:s30], [sflag:$0x1] =	stream.indirect_vreg.gather [hbm4b:s3+s2], $0x80, v5, vm0, $0xb8;
	[tilespmem:$0x12100] =	vst v63  }
0x108: {  	v4 =	vadd.s32 v2, v4;
	s30 =	simm.s32 $0xC900  }
0x109: {  	[tilespmem:s30], [sflag:$0x1] =	stream.indirect_vreg.gather [hbm4b:s7+s2], $0x80, v5, vm0, $0xb8;
	[tilespmem:$0x12100] =	vst v63  }
0x10a: {  	s30 =	simm.s32 $0xD100  }
0x10b: {  	[tilespmem:s30], [sflag:$0x1] =	stream.indirect_vreg.gather [hbm4b:s8+s2], $0x80, v5, vm0, $0xb8;
	[tilespmem:$0x12100] =	vst v63  }
0x10c: {  	s30 =	simm.s32 $0xD900  }
0x10d: {  	[tilespmem:s30], [sflag:$0x1] =	stream.indirect_vreg.gather [hbm4b:s3+s2], $0x80, v4, vm0, $0xb8;
	[tilespmem:$0x12100] =	vst v63  }
0x10e: {  	s30 =	simm.s32 $0xE100  }
0x10f: {  	[tilespmem:s30], [sflag:$0x1] =	stream.indirect_vreg.gather [hbm4b:s7+s2], $0x80, v4, vm0, $0xb8;
	[tilespmem:$0x12100] =	vst v63  }
0x110: {  	s30 =	simm.s32 $0xE900  }
0x111: {  	[tilespmem:s30], [sflag:$0x1] =	stream.indirect_vreg.gather [hbm4b:s8+s2], $0x80, v4, vm0, $0xb8;
	[tilespmem:$0x12100] =	vst v63  }
0x112: {  	v4 =	vld [tilespmem:$0x50];
	_ =	sdelay $0x4  }
0x113: {  	v5 =	vshrl.u32 v4, $0x3  }
0x114: {  	v5 =	vmul.u32 $0x30, v5  }
0x115: {  	v4 =	vand.u32 $0x7, v4  }
0x116: {  	v4 =	vor.u32 v4, v5  }
0x117: {  	v5 =	vperm.xlane v4, v1;
	_ =	sdelay $0x1  }
0x118: {  	v5 =	vadd.s32 v2, v5;
	_ =	sdelay $0x3  }
0x119: {  	s30 =	simm.s32 $0xF100;
	v4 =	vperm.xlane v4, v3  }
0x11a: {  	[tilespmem:s30], [sflag:$0x1] =	stream.indirect_vreg.gather [hbm4b:s3+s2], $0x80, v5, vm0, $0xb8;
	[tilespmem:$0x12100] =	vst v63  }
0x11b: {  	v4 =	vadd.s32 v2, v4;
	s30 =	simm.s32 $0xF900  }
0x11c: {  	[tilespmem:s30], [sflag:$0x1] =	stream.indirect_vreg.gather [hbm4b:s7+s2], $0x80, v5, vm0, $0xb8;
	[tilespmem:$0x12100] =	vst v63  }
0x11d: {  	s30 =	simm.s32 $0x10100  }
0x11e: {  	[tilespmem:s30], [sflag:$0x1] =	stream.indirect_vreg.gather [hbm4b:s8+s2], $0x80, v5, vm0, $0xb8;
	[tilespmem:$0x12100] =	vst v63  }
0x11f: {  	s30 =	simm.s32 $0x10900  }
0x120: {  	[tilespmem:s30], [sflag:$0x1] =	stream.indirect_vreg.gather [hbm4b:s3+s2], $0x80, v4, vm0, $0xb8;
	[tilespmem:$0x12100] =	vst v63  }
0x121: {  	s30 =	simm.s32 $0x11100  }
0x122: {  	[tilespmem:s30], [sflag:$0x1] =	stream.indirect_vreg.gather [hbm4b:s7+s2], $0x80, v4, vm0, $0xb8;
	[tilespmem:$0x12100] =	vst v63  }
0x123: {  	s30 =	simm.s32 $0x11900  }
0x124: {  	[tilespmem:s30], [sflag:$0x1] =	stream.indirect_vreg.gather [hbm4b:s8+s2], $0x80, v4, vm0, $0xb8;
	[tilespmem:$0x12100] =	vst v63  }
0x125: {  	s30 =	simm.s32 $0x1  }
0x126: {  	_ =	swait.ge [sflag:s30], $0x12000  }
0x127: {  	[sflag:s30] =	ssyncset.done $0x0  }
0x128: {  	[sflag:s30] =	ssyncadd.s32 $0xFFFEE000  }
0x129: {  	[bflag:$0x0] =	sbarrier.arrive $0xFFFF  }
0x12a: {  	v4 =	vld [tilespmem:$0x80];
	_ =	sdelay $0x4  }
0x12b: {  	v5 =	vshrl.u32 v4, $0x3  }
0x12c: {  	v5 =	vmul.u32 $0x30, v5  }
0x12d: {  	v4 =	vand.u32 $0x7, v4  }
0x12e: {  	v4 =	vor.u32 v4, v5  }
0x12f: {  	v5 =	vperm.xlane v4, v1;
	_ =	sdelay $0x1  }
0x130: {  	v5 =	vadd.s32 v2, v5;
	_ =	sdelay $0x3  }
0x131: {  	v4 =	vperm.xlane v4, v3  }
0x132: {  	[hbm4b:s9+s2] =	stream.indirect_vreg.scatter [tilespmem:s29], [sflag:$0x2], $0x80, v5, vm0, $0xb8;
	[tilespmem:$0x12100] =	vst v63  }
0x133: {  	v4 =	vadd.s32 v2, v4;
	s29 =	sadd.s32 $0x100, s9  }
0x134: {  	[hbm4b:s29+s2] =	stream.indirect_vreg.scatter [tilespmem:s0], [sflag:$0x2], $0x80, v5, vm0, $0xb8;
	[tilespmem:$0x12100] =	vst v63  }
0x135: {  	s30 =	sadd.s32 $0x200, s9  }
0x136: {  	[hbm4b:s30+s2] =	stream.indirect_vreg.scatter [tilespmem:s1], [sflag:$0x2], $0x80, v5, vm0, $0xb8;
	[tilespmem:$0x12100] =	vst v63  }
0x137: {  	_ = 	snop  }
0x138: {  	[hbm4b:s9+s2] =	stream.indirect_vreg.scatter [tilespmem:s31], [sflag:$0x2], $0x80, v4, vm0, $0xb8;
	[tilespmem:$0x12100] =	vst v63  }
0x139: {  	_ = 	snop  }
0x13a: {  	[hbm4b:s29+s2] =	stream.indirect_vreg.scatter [tilespmem:s13], [sflag:$0x2], $0x80, v4, vm0, $0xb8;
	[tilespmem:$0x12100] =	vst v63  }
0x13b: {  	_ = 	snop  }
0x13c: {  	[hbm4b:s30+s2] =	stream.indirect_vreg.scatter [tilespmem:s4], [sflag:$0x2], $0x80, v4, vm0, $0xb8;
	[tilespmem:$0x12100] =	vst v63  }
0x13d: {  	v4 =	vld [tilespmem:$0x90];
	_ =	sdelay $0x4  }
0x13e: {  	v5 =	vshrl.u32 v4, $0x3  }
0x13f: {  	v5 =	vmul.u32 $0x30, v5  }
0x140: {  	v4 =	vand.u32 $0x7, v4  }
0x141: {  	v4 =	vor.u32 v4, v5  }
0x142: {  	v5 =	vperm.xlane v4, v1;
	_ =	sdelay $0x1  }
0x143: {  	v5 =	vadd.s32 v2, v5;
	_ =	sdelay $0x3  }
0x144: {  	v4 =	vperm.xlane v4, v3  }
0x145: {  	[hbm4b:s9+s2] =	stream.indirect_vreg.scatter [tilespmem:s5], [sflag:$0x2], $0x80, v5, vm0, $0xb8;
	[tilespmem:$0x12100] =	vst v63  }
0x146: {  	v4 =	vadd.s32 v2, v4  }
0x147: {  	[hbm4b:s29+s2] =	stream.indirect_vreg.scatter [tilespmem:s6], [sflag:$0x2], $0x80, v5, vm0, $0xb8;
	[tilespmem:$0x12100] =	vst v63  }
0x148: {  	_ = 	snop  }
0x149: {  	[hbm4b:s30+s2] =	stream.indirect_vreg.scatter [tilespmem:s14], [sflag:$0x2], $0x80, v5, vm0, $0xb8;
	[tilespmem:$0x12100] =	vst v63  }
0x14a: {  	_ = 	snop  }
0x14b: {  	[hbm4b:s9+s2] =	stream.indirect_vreg.scatter [tilespmem:s15], [sflag:$0x2], $0x80, v4, vm0, $0xb8;
	[tilespmem:$0x12100] =	vst v63  }
0x14c: {  	_ = 	snop  }
0x14d: {  	[hbm4b:s29+s2] =	stream.indirect_vreg.scatter [tilespmem:s16], [sflag:$0x2], $0x80, v4, vm0, $0xb8;
	[tilespmem:$0x12100] =	vst v63  }
0x14e: {  	_ = 	snop  }
0x14f: {  	[hbm4b:s30+s2] =	stream.indirect_vreg.scatter [tilespmem:s17], [sflag:$0x2], $0x80, v4, vm0, $0xb8;
	[tilespmem:$0x12100] =	vst v63  }
0x150: {  	v4 =	vld [tilespmem:$0xA0];
	_ =	sdelay $0x4  }
0x151: {  	v5 =	vshrl.u32 v4, $0x3  }
0x152: {  	v5 =	vmul.u32 $0x30, v5  }
0x153: {  	v4 =	vand.u32 $0x7, v4  }
0x154: {  	v4 =	vor.u32 v4, v5  }
0x155: {  	v5 =	vperm.xlane v4, v1;
	_ =	sdelay $0x1  }
0x156: {  	v5 =	vadd.s32 v2, v5;
	_ =	sdelay $0x3  }
0x157: {  	v4 =	vperm.xlane v4, v3  }
0x158: {  	[hbm4b:s9+s2] =	stream.indirect_vreg.scatter [tilespmem:s10], [sflag:$0x2], $0x80, v5, vm0, $0xb8;
	[tilespmem:$0x12100] =	vst v63  }
0x159: {  	v4 =	vadd.s32 v2, v4  }
0x15a: {  	[hbm4b:s29+s2] =	stream.indirect_vreg.scatter [tilespmem:s18], [sflag:$0x2], $0x80, v5, vm0, $0xb8;
	[tilespmem:$0x12100] =	vst v63  }
0x15b: {  	_ = 	snop  }
0x15c: {  	[hbm4b:s30+s2] =	stream.indirect_vreg.scatter [tilespmem:s19], [sflag:$0x2], $0x80, v5, vm0, $0xb8;
	[tilespmem:$0x12100] =	vst v63  }
0x15d: {  	_ = 	snop  }
0x15e: {  	[hbm4b:s9+s2] =	stream.indirect_vreg.scatter [tilespmem:s20], [sflag:$0x2], $0x80, v4, vm0, $0xb8;
	[tilespmem:$0x12100] =	vst v63  }
0x15f: {  	_ = 	snop  }
0x160: {  	[hbm4b:s29+s2] =	stream.indirect_vreg.scatter [tilespmem:s21], [sflag:$0x2], $0x80, v4, vm0, $0xb8;
	[tilespmem:$0x12100] =	vst v63  }
0x161: {  	_ = 	snop  }
0x162: {  	[hbm4b:s30+s2] =	stream.indirect_vreg.scatter [tilespmem:s22], [sflag:$0x2], $0x80, v4, vm0, $0xb8;
	[tilespmem:$0x12100] =	vst v63  }
0x163: {  	v4 =	vld [tilespmem:$0xB0];
	_ =	sdelay $0x4  }
0x164: {  	v5 =	vshrl.u32 v4, $0x3  }
0x165: {  	v5 =	vmul.u32 $0x30, v5  }
0x166: {  	v4 =	vand.u32 $0x7, v4  }
0x167: {  	v4 =	vor.u32 v4, v5  }
0x168: {  	v5 =	vperm.xlane v4, v1;
	_ =	sdelay $0x1  }
0x169: {  	v5 =	vadd.s32 v2, v5;
	_ =	sdelay $0x3  }
0x16a: {  	v4 =	vperm.xlane v4, v3  }
0x16b: {  	[hbm4b:s9+s2] =	stream.indirect_vreg.scatter [tilespmem:s23], [sflag:$0x2], $0x80, v5, vm0, $0xb8;
	[tilespmem:$0x12100] =	vst v63  }
0x16c: {  	v4 =	vadd.s32 v2, v4  }
0x16d: {  	[hbm4b:s29+s2] =	stream.indirect_vreg.scatter [tilespmem:s24], [sflag:$0x2], $0x80, v5, vm0, $0xb8;
	[tilespmem:$0x12100] =	vst v63  }
0x16e: {  	_ = 	snop  }
0x16f: {  	[hbm4b:s30+s2] =	stream.indirect_vreg.scatter [tilespmem:s11], [sflag:$0x2], $0x80, v5, vm0, $0xb8;
	[tilespmem:$0x12100] =	vst v63  }
0x170: {  	_ = 	snop  }
0x171: {  	[hbm4b:s9+s2] =	stream.indirect_vreg.scatter [tilespmem:s25], [sflag:$0x2], $0x80, v4, vm0, $0xb8;
	[tilespmem:$0x12100] =	vst v63  }
0x172: {  	_ = 	snop  }
0x173: {  	[hbm4b:s29+s2] =	stream.indirect_vreg.scatter [tilespmem:s26], [sflag:$0x2], $0x80, v4, vm0, $0xb8;
	[tilespmem:$0x12100] =	vst v63  }
0x174: {  	_ = 	snop  }
0x175: {  	[hbm4b:s30+s2] =	stream.indirect_vreg.scatter [tilespmem:s12], [sflag:$0x2], $0x80, v4, vm0, $0xb8;
	[tilespmem:$0x12100] =	vst v63  }
0x176: {  	v4 =	vld [tilespmem:$0xC0];
	_ =	sdelay $0x4  }
0x177: {  	v5 =	vshrl.u32 v4, $0x3  }
0x178: {  	v5 =	vmul.u32 $0x30, v5  }
0x179: {  	v4 =	vand.u32 $0x7, v4  }
0x17a: {  	v4 =	vor.u32 v4, v5  }
0x17b: {  	v5 =	vperm.xlane v4, v1;
	_ =	sdelay $0x1  }
0x17c: {  	v5 =	vadd.s32 v2, v5;
	_ =	sdelay $0x3  }
0x17d: {  	s1 =	simm.s32 $0xC100;
	v4 =	vperm.xlane v4, v3  }
0x17e: {  	[hbm4b:s9+s2] =	stream.indirect_vreg.scatter [tilespmem:s1], [sflag:$0x2], $0x80, v5, vm0, $0xb8;
	[tilespmem:$0x12100] =	vst v63  }
0x17f: {  	s4 =	simm.s32 $0xC900;
	v4 =	vadd.s32 v2, v4  }
0x180: {  	[hbm4b:s29+s2] =	stream.indirect_vreg.scatter [tilespmem:s4], [sflag:$0x2], $0x80, v5, vm0, $0xb8;
	[tilespmem:$0x12100] =	vst v63  }
0x181: {  	s31 =	simm.s32 $0xD100  }
0x182: {  	[hbm4b:s30+s2] =	stream.indirect_vreg.scatter [tilespmem:s31], [sflag:$0x2], $0x80, v5, vm0, $0xb8;
	[tilespmem:$0x12100] =	vst v63  }
0x183: {  	s1 =	simm.s32 $0xD900  }
0x184: {  	[hbm4b:s9+s2] =	stream.indirect_vreg.scatter [tilespmem:s1], [sflag:$0x2], $0x80, v4, vm0, $0xb8;
	[tilespmem:$0x12100] =	vst v63  }
0x185: {  	s4 =	simm.s32 $0xE100  }
0x186: {  	[hbm4b:s29+s2] =	stream.indirect_vreg.scatter [tilespmem:s4], [sflag:$0x2], $0x80, v4, vm0, $0xb8;
	[tilespmem:$0x12100] =	vst v63  }
0x187: {  	s31 =	simm.s32 $0xE900  }
0x188: {  	[hbm4b:s30+s2] =	stream.indirect_vreg.scatter [tilespmem:s31], [sflag:$0x2], $0x80, v4, vm0, $0xb8;
	[tilespmem:$0x12100] =	vst v63  }
0x189: {  	v4 =	vld [tilespmem:$0xD0];
	_ =	sdelay $0x4  }
0x18a: {  	v5 =	vshrl.u32 v4, $0x3  }
0x18b: {  	v5 =	vmul.u32 $0x30, v5  }
0x18c: {  	v4 =	vand.u32 $0x7, v4  }
0x18d: {  	v4 =	vor.u32 v4, v5  }
0x18e: {  	v5 =	vperm.xlane v4, v1;
	_ =	sdelay $0x1  }
0x18f: {  	v5 =	vadd.s32 v2, v5;
	_ =	sdelay $0x3  }
0x190: {  	s1 =	simm.s32 $0xF100;
	v4 =	vperm.xlane v4, v3  }
0x191: {  	[hbm4b:s9+s2] =	stream.indirect_vreg.scatter [tilespmem:s1], [sflag:$0x2], $0x80, v5, vm0, $0xb8;
	[tilespmem:$0x12100] =	vst v63  }
0x192: {  	s4 =	simm.s32 $0xF900;
	v4 =	vadd.s32 v2, v4  }
0x193: {  	[hbm4b:s29+s2] =	stream.indirect_vreg.scatter [tilespmem:s4], [sflag:$0x2], $0x80, v5, vm0, $0xb8;
	[tilespmem:$0x12100] =	vst v63  }
0x194: {  	s31 =	simm.s32 $0x10100  }
0x195: {  	[hbm4b:s30+s2] =	stream.indirect_vreg.scatter [tilespmem:s31], [sflag:$0x2], $0x80, v5, vm0, $0xb8;
	[tilespmem:$0x12100] =	vst v63  }
0x196: {  	s1 =	simm.s32 $0x10900  }
0x197: {  	[hbm4b:s9+s2] =	stream.indirect_vreg.scatter [tilespmem:s1], [sflag:$0x2], $0x80, v4, vm0, $0xb8;
	[tilespmem:$0x12100] =	vst v63  }
0x198: {  	s4 =	simm.s32 $0x11100  }
0x199: {  	[hbm4b:s29+s2] =	stream.indirect_vreg.scatter [tilespmem:s4], [sflag:$0x2], $0x80, v4, vm0, $0xb8;
	[tilespmem:$0x12100] =	vst v63  }
0x19a: {  	s29 =	simm.s32 $0x11900  }
0x19b: {  	[hbm4b:s30+s2] =	stream.indirect_vreg.scatter [tilespmem:s29], [sflag:$0x2], $0x80, v4, vm0, $0xb8;
	[tilespmem:$0x12100] =	vst v63  }
0x19c: {  	s30 =	simm.s32 $0x2  }
0x19d: {  	_ =	swait.ge [sflag:s30], $0x12000  }
0x19e: {  	s28 =	sadd.s32 $0x1, s28;
	s31 =	rddreg [dreg:$0x5]  }
0x19f: {  	p0 =	sne.s32 s28, s31  }
.Ltmp1:
0x1a0: {  	_ = 	snop;
	(pc) =	sbr.rel @p0 .LBB2_1-.Ltmp1, $3  }
0x1a1: {  	_ =	sdelay $0x1  }
0x1a2: {  	[sflag:s30] =	ssyncset.done $0x0  }
0x1a3: {  	[sflag:s30] =	ssyncadd.s32 $0xFFFEE000  }
0x1a4: {  	_ =	sfence.sel $0x180000  }
0x1a5: {  	[bflag:$0x0] =	sbarrier.arrive $0xFFFF  }
0x1a6: {  	_ =	strace $0x90000047  }
0x1a7: {  	s0 =	stileid.u32;
	[bflag:$0x2] =	sbarrier.arrive $0xFFFF  }
0x1a8: {  	p0 =	sne.s32 s0, $0x0;
	s0 =	rddreg [dreg:$0x1]  }
0x1a9: {  	s0 =	sadd.s32 @!p0 $0x100000, s0  }
0x1aa: {  	[sflag:s0] =	ssyncadd.tile.s32 @!p0 $0x1;
	_ =	shalt  }
.Lfunc_end2:
_tile_overlayer_lowered:
.L_overlay_start_2:
0x1ab: {  	(tag) =	ssettag $0x2  }
0x1ac: {  	s0 =	rddreg [dreg:$0x0];
	s2 =	stileid.u32  }
0x1ad: {  	s1 =	rddreg [dreg:$0x1];
	p0 =	sne.s32 s2, $0x0  }
0x1ae: {  	s3 =	rddreg [dreg:$0x2];
	[bflag:$0x3] =	sbarrier.arrive $0xFFFF;
	s2 =	simm.s32 @!p0 $0x1C03  }
0x1af: {  	[timem:s3], [sflag:s2] =	dma.local @!p0 [hbm:s0], s1  }
0x1b0: {  	s0 =	simm.s32 @!p0 $0x3  }
0x1b1: {  	_ =	swait.ge @!p0 [sflag:s0], s1  }
0x1b2: {  	s1 =	ssub.s32 @!p0 $0x0, s1;
	[sflag:s0] =	ssyncset.done @!p0 $0x0  }
0x1b3: {  	[sflag:s0] =	ssyncadd.s32 @!p0 s1  }
0x1b4: {  	[bflag:$0x3] =	sbarrier.arrive $0xFFFF  }
0x1b5: {  	_ =	shalt  }

</sc_bundles>
